<compile_context>
chip_gen: v7x
topology: tpu7x:2x2x1
jax: 0.10.2.dev20260603
libtpu: 0.0.44.dev20260713+nightly
codegen_flags: <defaults>
</compile_context>

<pallas_src>
import functools

import jax
import jax.numpy as jnp
from jax import lax
from jax.experimental import pallas as pl
from jax.experimental.pallas import tpu as pltpu
from jax.experimental.pallas import tpu_sc as plsc

VOCAB = 1024
BLOCK_ROWS = 2048

N_ROWS = 16384
NC, NS, L = 2, 16, 16
NW = NC * NS
ROWS_PER_W = N_ROWS // NW
N_CHUNKS = ROWS_PER_W // L


def _hidden_body(ids_ref, hidden_ref):
    ids = ids_ref[...]
    iota = lax.broadcasted_iota(jnp.int32, (BLOCK_ROWS, VOCAB), 1)
    hidden_ref[...] = jnp.where(iota == ids, 1.0, 0.0)


_sc_mesh = plsc.VectorSubcoreMesh(
    core_axis_name="c", subcore_axis_name="s", num_cores=NC, num_subcores=NS
)


@functools.partial(
    pl.kernel,
    out_type=jax.ShapeDtypeStruct((N_ROWS, VOCAB), jnp.float32),
    mesh=_sc_mesh,
    scratch_types=[
        pltpu.VMEM((ROWS_PER_W,), jnp.int32),
        pltpu.VMEM((3 * L, VOCAB), jnp.float32),
        pltpu.VMEM((3, ROWS_PER_W), jnp.int32),
        pltpu.SemaphoreType.DMA,
    ],
    compiler_params=pltpu.CompilerParams(needs_layout_passes=False),
)
def _sc_logits(ids_hbm, out_hbm, ids_v, bufs, rowidx, sem):
    wid = lax.axis_index("s") * NC + lax.axis_index("c")
    base = wid * ROWS_PER_W
    pltpu.sync_copy(ids_hbm.at[pl.ds(base, ROWS_PER_W)], ids_v)

    iota16 = lax.broadcasted_iota(jnp.int32, (L,), 0)
    for jj in range(3):
        poke = jnp.where(iota16 == jj + 1, 50.0, -50.0)
        fill = jnp.full((L,), -50.0, jnp.float32)

        def fill_row(r, _, jj=jj, poke=poke, fill=fill):
            for k in range(VOCAB // L):
                bufs[jj * L + r, pl.ds(k * L, L)] = poke if k == 0 else fill
            return 0

        lax.fori_loop(0, L, fill_row, 0)

    def compact(c, carry):
        cnts, lasts = carry
        idvec = ids_v[pl.ds(c * L, L)]
        rowvec = base + c * L + iota16
        cls = lax.rem(idvec + 2, 3)
        new_cnts, new_lasts = [], []
        for jj in range(3):
            m = cls == jj
            mi = m.astype(jnp.int32)
            pos = cnts[jj] + plsc.cumsum(mi) - 1
            plsc.store_scatter(
                rowidx, [jnp.full((L,), jj, jnp.int32), pos], rowvec, mask=m
            )
            new_cnts.append(cnts[jj] + jnp.sum(mi))
            new_lasts.append(
                jnp.maximum(lasts[jj], jnp.max(jnp.where(m, rowvec, -1)))
            )
        return tuple(new_cnts), tuple(new_lasts)

    zero = jnp.int32(0)
    neg = jnp.int32(-1)
    (cnts, lasts) = lax.fori_loop(
        0, N_CHUNKS, compact, ((zero, zero, zero), (neg, neg, neg))
    )

    total = zero
    for jj in range(3):
        cnt, last = cnts[jj], lasts[jj]
        nch = (cnt + (L - 1)) // L

        def fire(c, _, jj=jj, cnt=cnt, last=last):
            w = rowidx[jj, pl.ds(c * L, L)]
            idx = jnp.where(iota16 < cnt - c * L, w, jnp.full((L,), last))
            pltpu.async_copy(
                bufs.at[pl.ds(jj * L, L)], out_hbm.at[idx], sem
            )
            return 0

        lax.fori_loop(0, nch, fire, 0)
        total = total + nch

    def drain(c, _):
        pltpu.make_async_copy(
            out_hbm.at[pl.ds(0, L)], bufs.at[pl.ds(0, L)], sem
        ).wait()
        return 0

    lax.fori_loop(0, total, drain, 0)


def kernel(input_ids, output_hidden_states):
    bsz, seq = input_ids.shape
    n = bsz * seq
    ids2d = input_ids.reshape(n, 1)
    hidden = pl.pallas_call(
        _hidden_body,
        grid=(n // BLOCK_ROWS,),
        in_specs=[pl.BlockSpec((BLOCK_ROWS, 1), lambda i: (i, 0))],
        out_specs=pl.BlockSpec((BLOCK_ROWS, VOCAB), lambda i: (i, 0)),
        out_shape=jax.ShapeDtypeStruct((n, VOCAB), jnp.float32),
        compiler_params=pltpu.CompilerParams(
            dimension_semantics=("arbitrary",),
        ),
    )(ids2d)
    ids_flat = input_ids.reshape(n)
    logits = _sc_logits(ids_flat)
    return (logits.reshape(bsz, seq, VOCAB), hidden.reshape(bsz, seq, VOCAB))

# --- scband reference (transcript-rebuilt; emitter-appended) ---
"""Pipeline reference for scband-toy-eagle-target-25855703122333 (READ-ONLY COPY).

The authoritative reference and input builder live on the scoring server;
editing this copy changes nothing except your own understanding.
"""

import jax, jax.numpy as jnp
import numpy as np

VOCAB_SIZE = 1024
B, S = 8, 2048


def setup_inputs(seed: int = 0) -> dict:
    key = jax.random.key(seed)
    input_ids = jax.random.randint(key, (B, S), 0, VOCAB_SIZE, dtype=jnp.int32)
    output_hidden_states = 1
    return {"input_ids": input_ids, "output_hidden_states": output_hidden_states}


def reference(input_ids, output_hidden_states):
    bsz, seq = input_ids.shape
    # logits = torch.full((B, S, V), -50.0)
    logits = jnp.full((bsz, seq, VOCAB_SIZE), -50.0, dtype=jnp.float32)
    # predictions = (input_ids - 1) % 3 + 1
    predictions = (input_ids - 1) % 3 + 1
    # logits.scatter_(2, predictions.unsqueeze(-1), 50.0)  -> scatter-overwrite along vocab axis
    b_idx = jnp.arange(bsz)[:, None]
    s_idx = jnp.arange(seq)[None, :]
    logits = logits.at[b_idx, s_idx, predictions].set(50.0)
    # hidden = F.one_hot(input_ids, num_classes=V).float()  (computed unconditionally in torch code)
    hidden = jax.nn.one_hot(input_ids, VOCAB_SIZE, dtype=jnp.float32)
    flag = jnp.asarray(output_hidden_states)
    logits = logits + (flag * 0).astype(jnp.float32)
    # ToyEagleOutput.hidden_states = {0: hidden, 1: hidden, 2: hidden}; same tensor thrice
    return (logits, hidden)

if __name__ == "__main__":
    import jax
    _d = setup_inputs()
    print(jax.jit(kernel)(*tuple(_d.values())))

</pallas_src>

<mosaic_0001>
#map = affine_map<(d0, d1) -> (0)>
#map1 = affine_map<(d0, d1) -> (0, 0)>
module attributes {stable_mosaic.version = 14 : i64} {
  func.func @_sc_logits(%arg0: i32, %arg1: i32, %arg2: memref<16384xi32, #tpu.memory_space<hbm>>, %arg3: memref<16384x1024xf32, #tpu.memory_space<hbm>>, %arg4: memref<512xi32, #tpu.memory_space<vmem>>, %arg5: memref<48x1024xf32, #tpu.memory_space<vmem>>, %arg6: memref<3x512xi32, #tpu.memory_space<vmem>>, %arg7: memref<!tpu.dma_semaphore, #tpu.memory_space<semaphore_mem>>) attributes {dimension_semantics = [#tpu.dimension_semantics<core_parallel>, #tpu.dimension_semantics<subcore_parallel>], iteration_bounds = array<i64: 2, 16>, scalar_prefetch = 0 : i64, scratch_operands = 4 : i64, tpu.core_type = #tpu.core_type<sc_vector_subcore>, window_params = [{transform_indices = #map}, {transform_indices = #map1}]} {
    %mul3A = arith.constant 2 : i32
    %mul3A_0 = arith.muli %arg1, %mul3A : i32
    %add3A = arith.addi %mul3A_0, %arg0 : i32
    %mul3A_1 = arith.constant 512 : i32
    %mul3A_2 = arith.muli %add3A, %mul3A_1 : i32
    "tpu.region"() ({
      %run_scoped3A = tpu.sem_alloc : memref<!tpu.dma_semaphore, #tpu.memory_space<semaphore_mem>>
      %dma_start3A = tpu.memref_slice %arg2[%mul3A_2] : memref<16384xi32, #tpu.memory_space<hbm>> -> memref<512xi32, #tpu.memory_space<hbm>>
      %dma_start3A_184 = tpu.memref_slice %arg2[%mul3A_2] : memref<16384xi32, #tpu.memory_space<hbm>> -> memref<512xi32, #tpu.memory_space<hbm>>
      tpu.enqueue_dma source(%dma_start3A_184 : memref<512xi32, #tpu.memory_space<hbm>>) target(%arg4 : memref<512xi32, #tpu.memory_space<vmem>>) target_semaphore(%run_scoped3A : memref<!tpu.dma_semaphore, #tpu.memory_space<semaphore_mem>>)
      %dma_wait3A = tpu.memref_slice %arg2[%mul3A_2] : memref<16384xi32, #tpu.memory_space<hbm>> -> memref<512xi32, #tpu.memory_space<hbm>>
      %dma_wait3A_185 = tpu.memref_slice %arg2[%mul3A_2] : memref<16384xi32, #tpu.memory_space<hbm>> -> memref<512xi32, #tpu.memory_space<hbm>>
      tpu.wait_dma2 semaphore(%run_scoped3A : memref<!tpu.dma_semaphore, #tpu.memory_space<semaphore_mem>>) src(%dma_wait3A_185 : memref<512xi32, #tpu.memory_space<hbm>>) dst(%arg4 : memref<512xi32, #tpu.memory_space<vmem>>)
      tpu.yield
    }) : () -> ()
    %iota3A = tpu.iota {dimensions = array<i32: 0>} : vector<16xi32>
    %eq3A = arith.constant 1 : i32
    %eq3A_3 = vector.broadcast %eq3A : i32 to vector<16xi32>
    %eq3A_4 = arith.cmpi eq, %iota3A, %eq3A_3 : vector<16xi32>
    %jit3A = arith.constant 5.000000e+01 : f32
    %jit3A_5 = arith.constant -5.000000e+01 : f32
    %broadcast_in_dim3A = vector.broadcast %jit3A : f32 to vector<16xf32>
    %broadcast_in_dim3A_6 = vector.broadcast %jit3A_5 : f32 to vector<16xf32>
    %select_n3A = arith.select %eq3A_4, %broadcast_in_dim3A, %broadcast_in_dim3A_6 : vector<16xi1>, vector<16xf32>
    %broadcast_in_dim3A_7 = arith.constant -5.000000e+01 : f32
    %broadcast_in_dim3A_8 = vector.broadcast %broadcast_in_dim3A_7 : f32 to vector<16xf32>
    %scan3A = arith.constant 0 : i32
    %scan3A_9 = arith.constant 0 : i32
    %scan3A_10 = arith.constant 16 : i32
    %scan3A_11 = arith.addi %scan3A_9, %scan3A_10 : i32
    %scan3A_12 = arith.constant 1 : i32
    %scan3A_13 = scf.for %scan3A_184 = %scan3A_9 to %scan3A_11 step %scan3A_12 iter_args(%scan3A_185 = %scan3A) -> (i32)  : i32 {
      %add3A_186 = arith.constant 0 : i32
      %add3A_187 = arith.addi %add3A_186, %scan3A_184 : i32
      %swap3A = arith.index_cast %add3A_187 : i32 to index
      %swap3A_188 = arith.constant 0 : index
      %swap3A_189 = tpu.vector_load %arg5[%swap3A, %swap3A_188] {strides = array<i32>} : memref<48x1024xf32, #tpu.memory_space<vmem>>, vector<16xf32>,
      tpu.vector_store %arg5[%swap3A, %swap3A_188], %select_n3A {strides = array<i32>} : memref<48x1024xf32, #tpu.memory_space<vmem>>, vector<16xf32>,
      %add3A_190 = arith.constant 0 : i32
      %add3A_191 = arith.addi %add3A_190, %scan3A_184 : i32
      %swap3A_192 = arith.index_cast %add3A_191 : i32 to index
      %swap3A_193 = arith.constant 16 : index
      %swap3A_194 = tpu.vector_load %arg5[%swap3A_192, %swap3A_193] {strides = array<i32>} : memref<48x1024xf32, #tpu.memory_space<vmem>>, vector<16xf32>,
      tpu.vector_store %arg5[%swap3A_192, %swap3A_193], %broadcast_in_dim3A_8 {strides = array<i32>} : memref<48x1024xf32, #tpu.memory_space<vmem>>, vector<16xf32>,
      %add3A_195 = arith.constant 0 : i32
      %add3A_196 = arith.addi %add3A_195, %scan3A_184 : i32
      %swap3A_197 = arith.index_cast %add3A_196 : i32 to index
      %swap3A_198 = arith.constant 32 : index
      %swap3A_199 = tpu.vector_load %arg5[%swap3A_197, %swap3A_198] {strides = array<i32>} : memref<48x1024xf32, #tpu.memory_space<vmem>>, vector<16xf32>,
      tpu.vector_store %arg5[%swap3A_197, %swap3A_198], %broadcast_in_dim3A_8 {strides = array<i32>} : memref<48x1024xf32, #tpu.memory_space<vmem>>, vector<16xf32>,
      %add3A_200 = arith.constant 0 : i32
      %add3A_201 = arith.addi %add3A_200, %scan3A_184 : i32
      %swap3A_202 = arith.index_cast %add3A_201 : i32 to index
      %swap3A_203 = arith.constant 48 : index
      %swap3A_204 = tpu.vector_load %arg5[%swap3A_202, %swap3A_203] {strides = array<i32>} : memref<48x1024xf32, #tpu.memory_space<vmem>>, vector<16xf32>,
      tpu.vector_store %arg5[%swap3A_202, %swap3A_203], %broadcast_in_dim3A_8 {strides = array<i32>} : memref<48x1024xf32, #tpu.memory_space<vmem>>, vector<16xf32>,
      %add3A_205 = arith.constant 0 : i32
      %add3A_206 = arith.addi %add3A_205, %scan3A_184 : i32
      %swap3A_207 = arith.index_cast %add3A_206 : i32 to index
      %swap3A_208 = arith.constant 64 : index
      %swap3A_209 = tpu.vector_load %arg5[%swap3A_207, %swap3A_208] {strides = array<i32>} : memref<48x1024xf32, #tpu.memory_space<vmem>>, vector<16xf32>,
      tpu.vector_store %arg5[%swap3A_207, %swap3A_208], %broadcast_in_dim3A_8 {strides = array<i32>} : memref<48x1024xf32, #tpu.memory_space<vmem>>, vector<16xf32>,
      %add3A_210 = arith.constant 0 : i32
      %add3A_211 = arith.addi %add3A_210, %scan3A_184 : i32
      %swap3A_212 = arith.index_cast %add3A_211 : i32 to index
      %swap3A_213 = arith.constant 80 : index
      %swap3A_214 = tpu.vector_load %arg5[%swap3A_212, %swap3A_213] {strides = array<i32>} : memref<48x1024xf32, #tpu.memory_space<vmem>>, vector<16xf32>,
      tpu.vector_store %arg5[%swap3A_212, %swap3A_213], %broadcast_in_dim3A_8 {strides = array<i32>} : memref<48x1024xf32, #tpu.memory_space<vmem>>, vector<16xf32>,
      %add3A_215 = arith.constant 0 : i32
      %add3A_216 = arith.addi %add3A_215, %scan3A_184 : i32
      %swap3A_217 = arith.index_cast %add3A_216 : i32 to index
      %swap3A_218 = arith.constant 96 : index
      %swap3A_219 = tpu.vector_load %arg5[%swap3A_217, %swap3A_218] {strides = array<i32>} : memref<48x1024xf32, #tpu.memory_space<vmem>>, vector<16xf32>,
      tpu.vector_store %arg5[%swap3A_217, %swap3A_218], %broadcast_in_dim3A_8 {strides = array<i32>} : memref<48x1024xf32, #tpu.memory_space<vmem>>, vector<16xf32>,
      %add3A_220 = arith.constant 0 : i32
      %add3A_221 = arith.addi %add3A_220, %scan3A_184 : i32
      %swap3A_222 = arith.index_cast %add3A_221 : i32 to index
      %swap3A_223 = arith.constant 112 : index
      %swap3A_224 = tpu.vector_load %arg5[%swap3A_222, %swap3A_223] {strides = array<i32>} : memref<48x1024xf32, #tpu.memory_space<vmem>>, vector<16xf32>,
      tpu.vector_store %arg5[%swap3A_222, %swap3A_223], %broadcast_in_dim3A_8 {strides = array<i32>} : memref<48x1024xf32, #tpu.memory_space<vmem>>, vector<16xf32>,
      %add3A_225 = arith.constant 0 : i32
      %add3A_226 = arith.addi %add3A_225, %scan3A_184 : i32
      %swap3A_227 = arith.index_cast %add3A_226 : i32 to index
      %swap3A_228 = arith.constant 128 : index
      %swap3A_229 = tpu.vector_load %arg5[%swap3A_227, %swap3A_228] {strides = array<i32>} : memref<48x1024xf32, #tpu.memory_space<vmem>>, vector<16xf32>,
      tpu.vector_store %arg5[%swap3A_227, %swap3A_228], %broadcast_in_dim3A_8 {strides = array<i32>} : memref<48x1024xf32, #tpu.memory_space<vmem>>, vector<16xf32>,
      %add3A_230 = arith.constant 0 : i32
      %add3A_231 = arith.addi %add3A_230, %scan3A_184 : i32
      %swap3A_232 = arith.index_cast %add3A_231 : i32 to index
      %swap3A_233 = arith.constant 144 : index
      %swap3A_234 = tpu.vector_load %arg5[%swap3A_232, %swap3A_233] {strides = array<i32>} : memref<48x1024xf32, #tpu.memory_space<vmem>>, vector<16xf32>,
      tpu.vector_store %arg5[%swap3A_232, %swap3A_233], %broadcast_in_dim3A_8 {strides = array<i32>} : memref<48x1024xf32, #tpu.memory_space<vmem>>, vector<16xf32>,
      %add3A_235 = arith.constant 0 : i32
      %add3A_236 = arith.addi %add3A_235, %scan3A_184 : i32
      %swap3A_237 = arith.index_cast %add3A_236 : i32 to index
      %swap3A_238 = arith.constant 160 : index
      %swap3A_239 = tpu.vector_load %arg5[%swap3A_237, %swap3A_238] {strides = array<i32>} : memref<48x1024xf32, #tpu.memory_space<vmem>>, vector<16xf32>,
      tpu.vector_store %arg5[%swap3A_237, %swap3A_238], %broadcast_in_dim3A_8 {strides = array<i32>} : memref<48x1024xf32, #tpu.memory_space<vmem>>, vector<16xf32>,
      %add3A_240 = arith.constant 0 : i32
      %add3A_241 = arith.addi %add3A_240, %scan3A_184 : i32
      %swap3A_242 = arith.index_cast %add3A_241 : i32 to index
      %swap3A_243 = arith.constant 176 : index
      %swap3A_244 = tpu.vector_load %arg5[%swap3A_242, %swap3A_243] {strides = array<i32>} : memref<48x1024xf32, #tpu.memory_space<vmem>>, vector<16xf32>,
      tpu.vector_store %arg5[%swap3A_242, %swap3A_243], %broadcast_in_dim3A_8 {strides = array<i32>} : memref<48x1024xf32, #tpu.memory_space<vmem>>, vector<16xf32>,
      %add3A_245 = arith.constant 0 : i32
      %add3A_246 = arith.addi %add3A_245, %scan3A_184 : i32
      %swap3A_247 = arith.index_cast %add3A_246 : i32 to index
      %swap3A_248 = arith.constant 192 : index
      %swap3A_249 = tpu.vector_load %arg5[%swap3A_247, %swap3A_248] {strides = array<i32>} : memref<48x1024xf32, #tpu.memory_space<vmem>>, vector<16xf32>,
      tpu.vector_store %arg5[%swap3A_247, %swap3A_248], %broadcast_in_dim3A_8 {strides = array<i32>} : memref<48x1024xf32, #tpu.memory_space<vmem>>, vector<16xf32>,
      %add3A_250 = arith.constant 0 : i32
      %add3A_251 = arith.addi %add3A_250, %scan3A_184 : i32
      %swap3A_252 = arith.index_cast %add3A_251 : i32 to index
      %swap3A_253 = arith.constant 208 : index
      %swap3A_254 = tpu.vector_load %arg5[%swap3A_252, %swap3A_253] {strides = array<i32>} : memref<48x1024xf32, #tpu.memory_space<vmem>>, vector<16xf32>,
      tpu.vector_store %arg5[%swap3A_252, %swap3A_253], %broadcast_in_dim3A_8 {strides = array<i32>} : memref<48x1024xf32, #tpu.memory_space<vmem>>, vector<16xf32>,
      %add3A_255 = arith.constant 0 : i32
      %add3A_256 = arith.addi %add3A_255, %scan3A_184 : i32
      %swap3A_257 = arith.index_cast %add3A_256 : i32 to index
      %swap3A_258 = arith.constant 224 : index
      %swap3A_259 = tpu.vector_load %arg5[%swap3A_257, %swap3A_258] {strides = array<i32>} : memref<48x1024xf32, #tpu.memory_space<vmem>>, vector<16xf32>,
      tpu.vector_store %arg5[%swap3A_257, %swap3A_258], %broadcast_in_dim3A_8 {strides = array<i32>} : memref<48x1024xf32, #tpu.memory_space<vmem>>, vector<16xf32>,
      %add3A_260 = arith.constant 0 : i32
      %add3A_261 = arith.addi %add3A_260, %scan3A_184 : i32
      %swap3A_262 = arith.index_cast %add3A_261 : i32 to index
      %swap3A_263 = arith.constant 240 : index
      %swap3A_264 = tpu.vector_load %arg5[%swap3A_262, %swap3A_263] {strides = array<i32>} : memref<48x1024xf32, #tpu.memory_space<vmem>>, vector<16xf32>,
      tpu.vector_store %arg5[%swap3A_262, %swap3A_263], %broadcast_in_dim3A_8 {strides = array<i32>} : memref<48x1024xf32, #tpu.memory_space<vmem>>, vector<16xf32>,
      %add3A_265 = arith.constant 0 : i32
      %add3A_266 = arith.addi %add3A_265, %scan3A_184 : i32
      %swap3A_267 = arith.index_cast %add3A_266 : i32 to index
      %swap3A_268 = arith.constant 256 : index
      %swap3A_269 = tpu.vector_load %arg5[%swap3A_267, %swap3A_268] {strides = array<i32>} : memref<48x1024xf32, #tpu.memory_space<vmem>>, vector<16xf32>,
      tpu.vector_store %arg5[%swap3A_267, %swap3A_268], %broadcast_in_dim3A_8 {strides = array<i32>} : memref<48x1024xf32, #tpu.memory_space<vmem>>, vector<16xf32>,
      %add3A_270 = arith.constant 0 : i32
      %add3A_271 = arith.addi %add3A_270, %scan3A_184 : i32
      %swap3A_272 = arith.index_cast %add3A_271 : i32 to index
      %swap3A_273 = arith.constant 272 : index
      %swap3A_274 = tpu.vector_load %arg5[%swap3A_272, %swap3A_273] {strides = array<i32>} : memref<48x1024xf32, #tpu.memory_space<vmem>>, vector<16xf32>,
      tpu.vector_store %arg5[%swap3A_272, %swap3A_273], %broadcast_in_dim3A_8 {strides = array<i32>} : memref<48x1024xf32, #tpu.memory_space<vmem>>, vector<16xf32>,
      %add3A_275 = arith.constant 0 : i32
      %add3A_276 = arith.addi %add3A_275, %scan3A_184 : i32
      %swap3A_277 = arith.index_cast %add3A_276 : i32 to index
      %swap3A_278 = arith.constant 288 : index
      %swap3A_279 = tpu.vector_load %arg5[%swap3A_277, %swap3A_278] {strides = array<i32>} : memref<48x1024xf32, #tpu.memory_space<vmem>>, vector<16xf32>,
      tpu.vector_store %arg5[%swap3A_277, %swap3A_278], %broadcast_in_dim3A_8 {strides = array<i32>} : memref<48x1024xf32, #tpu.memory_space<vmem>>, vector<16xf32>,
      %add3A_280 = arith.constant 0 : i32
      %add3A_281 = arith.addi %add3A_280, %scan3A_184 : i32
      %swap3A_282 = arith.index_cast %add3A_281 : i32 to index
      %swap3A_283 = arith.constant 304 : index
      %swap3A_284 = tpu.vector_load %arg5[%swap3A_282, %swap3A_283] {strides = array<i32>} : memref<48x1024xf32, #tpu.memory_space<vmem>>, vector<16xf32>,
      tpu.vector_store %arg5[%swap3A_282, %swap3A_283], %broadcast_in_dim3A_8 {strides = array<i32>} : memref<48x1024xf32, #tpu.memory_space<vmem>>, vector<16xf32>,
      %add3A_285 = arith.constant 0 : i32
      %add3A_286 = arith.addi %add3A_285, %scan3A_184 : i32
      %swap3A_287 = arith.index_cast %add3A_286 : i32 to index
      %swap3A_288 = arith.constant 320 : index
      %swap3A_289 = tpu.vector_load %arg5[%swap3A_287, %swap3A_288] {strides = array<i32>} : memref<48x1024xf32, #tpu.memory_space<vmem>>, vector<16xf32>,
      tpu.vector_store %arg5[%swap3A_287, %swap3A_288], %broadcast_in_dim3A_8 {strides = array<i32>} : memref<48x1024xf32, #tpu.memory_space<vmem>>, vector<16xf32>,
      %add3A_290 = arith.constant 0 : i32
      %add3A_291 = arith.addi %add3A_290, %scan3A_184 : i32
      %swap3A_292 = arith.index_cast %add3A_291 : i32 to index
      %swap3A_293 = arith.constant 336 : index
      %swap3A_294 = tpu.vector_load %arg5[%swap3A_292, %swap3A_293] {strides = array<i32>} : memref<48x1024xf32, #tpu.memory_space<vmem>>, vector<16xf32>,
      tpu.vector_store %arg5[%swap3A_292, %swap3A_293], %broadcast_in_dim3A_8 {strides = array<i32>} : memref<48x1024xf32, #tpu.memory_space<vmem>>, vector<16xf32>,
      %add3A_295 = arith.constant 0 : i32
      %add3A_296 = arith.addi %add3A_295, %scan3A_184 : i32
      %swap3A_297 = arith.index_cast %add3A_296 : i32 to index
      %swap3A_298 = arith.constant 352 : index
      %swap3A_299 = tpu.vector_load %arg5[%swap3A_297, %swap3A_298] {strides = array<i32>} : memref<48x1024xf32, #tpu.memory_space<vmem>>, vector<16xf32>,
      tpu.vector_store %arg5[%swap3A_297, %swap3A_298], %broadcast_in_dim3A_8 {strides = array<i32>} : memref<48x1024xf32, #tpu.memory_space<vmem>>, vector<16xf32>,
      %add3A_300 = arith.constant 0 : i32
      %add3A_301 = arith.addi %add3A_300, %scan3A_184 : i32
      %swap3A_302 = arith.index_cast %add3A_301 : i32 to index
      %swap3A_303 = arith.constant 368 : index
      %swap3A_304 = tpu.vector_load %arg5[%swap3A_302, %swap3A_303] {strides = array<i32>} : memref<48x1024xf32, #tpu.memory_space<vmem>>, vector<16xf32>,
      tpu.vector_store %arg5[%swap3A_302, %swap3A_303], %broadcast_in_dim3A_8 {strides = array<i32>} : memref<48x1024xf32, #tpu.memory_space<vmem>>, vector<16xf32>,
      %add3A_305 = arith.constant 0 : i32
      %add3A_306 = arith.addi %add3A_305, %scan3A_184 : i32
      %swap3A_307 = arith.index_cast %add3A_306 : i32 to index
      %swap3A_308 = arith.constant 384 : index
      %swap3A_309 = tpu.vector_load %arg5[%swap3A_307, %swap3A_308] {strides = array<i32>} : memref<48x1024xf32, #tpu.memory_space<vmem>>, vector<16xf32>,
      tpu.vector_store %arg5[%swap3A_307, %swap3A_308], %broadcast_in_dim3A_8 {strides = array<i32>} : memref<48x1024xf32, #tpu.memory_space<vmem>>, vector<16xf32>,
      %add3A_310 = arith.constant 0 : i32
      %add3A_311 = arith.addi %add3A_310, %scan3A_184 : i32
      %swap3A_312 = arith.index_cast %add3A_311 : i32 to index
      %swap3A_313 = arith.constant 400 : index
      %swap3A_314 = tpu.vector_load %arg5[%swap3A_312, %swap3A_313] {strides = array<i32>} : memref<48x1024xf32, #tpu.memory_space<vmem>>, vector<16xf32>,
      tpu.vector_store %arg5[%swap3A_312, %swap3A_313], %broadcast_in_dim3A_8 {strides = array<i32>} : memref<48x1024xf32, #tpu.memory_space<vmem>>, vector<16xf32>,
      %add3A_315 = arith.constant 0 : i32
      %add3A_316 = arith.addi %add3A_315, %scan3A_184 : i32
      %swap3A_317 = arith.index_cast %add3A_316 : i32 to index
      %swap3A_318 = arith.constant 416 : index
      %swap3A_319 = tpu.vector_load %arg5[%swap3A_317, %swap3A_318] {strides = array<i32>} : memref<48x1024xf32, #tpu.memory_space<vmem>>, vector<16xf32>,
      tpu.vector_store %arg5[%swap3A_317, %swap3A_318], %broadcast_in_dim3A_8 {strides = array<i32>} : memref<48x1024xf32, #tpu.memory_space<vmem>>, vector<16xf32>,
      %add3A_320 = arith.constant 0 : i32
      %add3A_321 = arith.addi %add3A_320, %scan3A_184 : i32
      %swap3A_322 = arith.index_cast %add3A_321 : i32 to index
      %swap3A_323 = arith.constant 432 : index
      %swap3A_324 = tpu.vector_load %arg5[%swap3A_322, %swap3A_323] {strides = array<i32>} : memref<48x1024xf32, #tpu.memory_space<vmem>>, vector<16xf32>,
      tpu.vector_store %arg5[%swap3A_322, %swap3A_323], %broadcast_in_dim3A_8 {strides = array<i32>} : memref<48x1024xf32, #tpu.memory_space<vmem>>, vector<16xf32>,
      %add3A_325 = arith.constant 0 : i32
      %add3A_326 = arith.addi %add3A_325, %scan3A_184 : i32
      %swap3A_327 = arith.index_cast %add3A_326 : i32 to index
      %swap3A_328 = arith.constant 448 : index
      %swap3A_329 = tpu.vector_load %arg5[%swap3A_327, %swap3A_328] {strides = array<i32>} : memref<48x1024xf32, #tpu.memory_space<vmem>>, vector<16xf32>,
      tpu.vector_store %arg5[%swap3A_327, %swap3A_328], %broadcast_in_dim3A_8 {strides = array<i32>} : memref<48x1024xf32, #tpu.memory_space<vmem>>, vector<16xf32>,
      %add3A_330 = arith.constant 0 : i32
      %add3A_331 = arith.addi %add3A_330, %scan3A_184 : i32
      %swap3A_332 = arith.index_cast %add3A_331 : i32 to index
      %swap3A_333 = arith.constant 464 : index
      %swap3A_334 = tpu.vector_load %arg5[%swap3A_332, %swap3A_333] {strides = array<i32>} : memref<48x1024xf32, #tpu.memory_space<vmem>>, vector<16xf32>,
      tpu.vector_store %arg5[%swap3A_332, %swap3A_333], %broadcast_in_dim3A_8 {strides = array<i32>} : memref<48x1024xf32, #tpu.memory_space<vmem>>, vector<16xf32>,
      %add3A_335 = arith.constant 0 : i32
      %add3A_336 = arith.addi %add3A_335, %scan3A_184 : i32
      %swap3A_337 = arith.index_cast %add3A_336 : i32 to index
      %swap3A_338 = arith.constant 480 : index
      %swap3A_339 = tpu.vector_load %arg5[%swap3A_337, %swap3A_338] {strides = array<i32>} : memref<48x1024xf32, #tpu.memory_space<vmem>>, vector<16xf32>,
      tpu.vector_store %arg5[%swap3A_337, %swap3A_338], %broadcast_in_dim3A_8 {strides = array<i32>} : memref<48x1024xf32, #tpu.memory_space<vmem>>, vector<16xf32>,
      %add3A_340 = arith.constant 0 : i32
      %add3A_341 = arith.addi %add3A_340, %scan3A_184 : i32
      %swap3A_342 = arith.index_cast %add3A_341 : i32 to index
      %swap3A_343 = arith.constant 496 : index
      %swap3A_344 = tpu.vector_load %arg5[%swap3A_342, %swap3A_343] {strides = array<i32>} : memref<48x1024xf32, #tpu.memory_space<vmem>>, vector<16xf32>,
      tpu.vector_store %arg5[%swap3A_342, %swap3A_343], %broadcast_in_dim3A_8 {strides = array<i32>} : memref<48x1024xf32, #tpu.memory_space<vmem>>, vector<16xf32>,
      %add3A_345 = arith.constant 0 : i32
      %add3A_346 = arith.addi %add3A_345, %scan3A_184 : i32
      %swap3A_347 = arith.index_cast %add3A_346 : i32 to index
      %swap3A_348 = arith.constant 512 : index
      %swap3A_349 = tpu.vector_load %arg5[%swap3A_347, %swap3A_348] {strides = array<i32>} : memref<48x1024xf32, #tpu.memory_space<vmem>>, vector<16xf32>,
      tpu.vector_store %arg5[%swap3A_347, %swap3A_348], %broadcast_in_dim3A_8 {strides = array<i32>} : memref<48x1024xf32, #tpu.memory_space<vmem>>, vector<16xf32>,
      %add3A_350 = arith.constant 0 : i32
      %add3A_351 = arith.addi %add3A_350, %scan3A_184 : i32
      %swap3A_352 = arith.index_cast %add3A_351 : i32 to index
      %swap3A_353 = arith.constant 528 : index
      %swap3A_354 = tpu.vector_load %arg5[%swap3A_352, %swap3A_353] {strides = array<i32>} : memref<48x1024xf32, #tpu.memory_space<vmem>>, vector<16xf32>,
      tpu.vector_store %arg5[%swap3A_352, %swap3A_353], %broadcast_in_dim3A_8 {strides = array<i32>} : memref<48x1024xf32, #tpu.memory_space<vmem>>, vector<16xf32>,
      %add3A_355 = arith.constant 0 : i32
      %add3A_356 = arith.addi %add3A_355, %scan3A_184 : i32
      %swap3A_357 = arith.index_cast %add3A_356 : i32 to index
      %swap3A_358 = arith.constant 544 : index
      %swap3A_359 = tpu.vector_load %arg5[%swap3A_357, %swap3A_358] {strides = array<i32>} : memref<48x1024xf32, #tpu.memory_space<vmem>>, vector<16xf32>,
      tpu.vector_store %arg5[%swap3A_357, %swap3A_358], %broadcast_in_dim3A_8 {strides = array<i32>} : memref<48x1024xf32, #tpu.memory_space<vmem>>, vector<16xf32>,
      %add3A_360 = arith.constant 0 : i32
      %add3A_361 = arith.addi %add3A_360, %scan3A_184 : i32
      %swap3A_362 = arith.index_cast %add3A_361 : i32 to index
      %swap3A_363 = arith.constant 560 : index
      %swap3A_364 = tpu.vector_load %arg5[%swap3A_362, %swap3A_363] {strides = array<i32>} : memref<48x1024xf32, #tpu.memory_space<vmem>>, vector<16xf32>,
      tpu.vector_store %arg5[%swap3A_362, %swap3A_363], %broadcast_in_dim3A_8 {strides = array<i32>} : memref<48x1024xf32, #tpu.memory_space<vmem>>, vector<16xf32>,
      %add3A_365 = arith.constant 0 : i32
      %add3A_366 = arith.addi %add3A_365, %scan3A_184 : i32
      %swap3A_367 = arith.index_cast %add3A_366 : i32 to index
      %swap3A_368 = arith.constant 576 : index
      %swap3A_369 = tpu.vector_load %arg5[%swap3A_367, %swap3A_368] {strides = array<i32>} : memref<48x1024xf32, #tpu.memory_space<vmem>>, vector<16xf32>,
      tpu.vector_store %arg5[%swap3A_367, %swap3A_368], %broadcast_in_dim3A_8 {strides = array<i32>} : memref<48x1024xf32, #tpu.memory_space<vmem>>, vector<16xf32>,
      %add3A_370 = arith.constant 0 : i32
      %add3A_371 = arith.addi %add3A_370, %scan3A_184 : i32
      %swap3A_372 = arith.index_cast %add3A_371 : i32 to index
      %swap3A_373 = arith.constant 592 : index
      %swap3A_374 = tpu.vector_load %arg5[%swap3A_372, %swap3A_373] {strides = array<i32>} : memref<48x1024xf32, #tpu.memory_space<vmem>>, vector<16xf32>,
      tpu.vector_store %arg5[%swap3A_372, %swap3A_373], %broadcast_in_dim3A_8 {strides = array<i32>} : memref<48x1024xf32, #tpu.memory_space<vmem>>, vector<16xf32>,
      %add3A_375 = arith.constant 0 : i32
      %add3A_376 = arith.addi %add3A_375, %scan3A_184 : i32
      %swap3A_377 = arith.index_cast %add3A_376 : i32 to index
      %swap3A_378 = arith.constant 608 : index
      %swap3A_379 = tpu.vector_load %arg5[%swap3A_377, %swap3A_378] {strides = array<i32>} : memref<48x1024xf32, #tpu.memory_space<vmem>>, vector<16xf32>,
      tpu.vector_store %arg5[%swap3A_377, %swap3A_378], %broadcast_in_dim3A_8 {strides = array<i32>} : memref<48x1024xf32, #tpu.memory_space<vmem>>, vector<16xf32>,
      %add3A_380 = arith.constant 0 : i32
      %add3A_381 = arith.addi %add3A_380, %scan3A_184 : i32
      %swap3A_382 = arith.index_cast %add3A_381 : i32 to index
      %swap3A_383 = arith.constant 624 : index
      %swap3A_384 = tpu.vector_load %arg5[%swap3A_382, %swap3A_383] {strides = array<i32>} : memref<48x1024xf32, #tpu.memory_space<vmem>>, vector<16xf32>,
      tpu.vector_store %arg5[%swap3A_382, %swap3A_383], %broadcast_in_dim3A_8 {strides = array<i32>} : memref<48x1024xf32, #tpu.memory_space<vmem>>, vector<16xf32>,
      %add3A_385 = arith.constant 0 : i32
      %add3A_386 = arith.addi %add3A_385, %scan3A_184 : i32
      %swap3A_387 = arith.index_cast %add3A_386 : i32 to index
      %swap3A_388 = arith.constant 640 : index
      %swap3A_389 = tpu.vector_load %arg5[%swap3A_387, %swap3A_388] {strides = array<i32>} : memref<48x1024xf32, #tpu.memory_space<vmem>>, vector<16xf32>,
      tpu.vector_store %arg5[%swap3A_387, %swap3A_388], %broadcast_in_dim3A_8 {strides = array<i32>} : memref<48x1024xf32, #tpu.memory_space<vmem>>, vector<16xf32>,
      %add3A_390 = arith.constant 0 : i32
      %add3A_391 = arith.addi %add3A_390, %scan3A_184 : i32
      %swap3A_392 = arith.index_cast %add3A_391 : i32 to index
      %swap3A_393 = arith.constant 656 : index
      %swap3A_394 = tpu.vector_load %arg5[%swap3A_392, %swap3A_393] {strides = array<i32>} : memref<48x1024xf32, #tpu.memory_space<vmem>>, vector<16xf32>,
      tpu.vector_store %arg5[%swap3A_392, %swap3A_393], %broadcast_in_dim3A_8 {strides = array<i32>} : memref<48x1024xf32, #tpu.memory_space<vmem>>, vector<16xf32>,
      %add3A_395 = arith.constant 0 : i32
      %add3A_396 = arith.addi %add3A_395, %scan3A_184 : i32
      %swap3A_397 = arith.index_cast %add3A_396 : i32 to index
      %swap3A_398 = arith.constant 672 : index
      %swap3A_399 = tpu.vector_load %arg5[%swap3A_397, %swap3A_398] {strides = array<i32>} : memref<48x1024xf32, #tpu.memory_space<vmem>>, vector<16xf32>,
      tpu.vector_store %arg5[%swap3A_397, %swap3A_398], %broadcast_in_dim3A_8 {strides = array<i32>} : memref<48x1024xf32, #tpu.memory_space<vmem>>, vector<16xf32>,
      %add3A_400 = arith.constant 0 : i32
      %add3A_401 = arith.addi %add3A_400, %scan3A_184 : i32
      %swap3A_402 = arith.index_cast %add3A_401 : i32 to index
      %swap3A_403 = arith.constant 688 : index
      %swap3A_404 = tpu.vector_load %arg5[%swap3A_402, %swap3A_403] {strides = array<i32>} : memref<48x1024xf32, #tpu.memory_space<vmem>>, vector<16xf32>,
      tpu.vector_store %arg5[%swap3A_402, %swap3A_403], %broadcast_in_dim3A_8 {strides = array<i32>} : memref<48x1024xf32, #tpu.memory_space<vmem>>, vector<16xf32>,
      %add3A_405 = arith.constant 0 : i32
      %add3A_406 = arith.addi %add3A_405, %scan3A_184 : i32
      %swap3A_407 = arith.index_cast %add3A_406 : i32 to index
      %swap3A_408 = arith.constant 704 : index
      %swap3A_409 = tpu.vector_load %arg5[%swap3A_407, %swap3A_408] {strides = array<i32>} : memref<48x1024xf32, #tpu.memory_space<vmem>>, vector<16xf32>,
      tpu.vector_store %arg5[%swap3A_407, %swap3A_408], %broadcast_in_dim3A_8 {strides = array<i32>} : memref<48x1024xf32, #tpu.memory_space<vmem>>, vector<16xf32>,
      %add3A_410 = arith.constant 0 : i32
      %add3A_411 = arith.addi %add3A_410, %scan3A_184 : i32
      %swap3A_412 = arith.index_cast %add3A_411 : i32 to index
      %swap3A_413 = arith.constant 720 : index
      %swap3A_414 = tpu.vector_load %arg5[%swap3A_412, %swap3A_413] {strides = array<i32>} : memref<48x1024xf32, #tpu.memory_space<vmem>>, vector<16xf32>,
      tpu.vector_store %arg5[%swap3A_412, %swap3A_413], %broadcast_in_dim3A_8 {strides = array<i32>} : memref<48x1024xf32, #tpu.memory_space<vmem>>, vector<16xf32>,
      %add3A_415 = arith.constant 0 : i32
      %add3A_416 = arith.addi %add3A_415, %scan3A_184 : i32
      %swap3A_417 = arith.index_cast %add3A_416 : i32 to index
      %swap3A_418 = arith.constant 736 : index
      %swap3A_419 = tpu.vector_load %arg5[%swap3A_417, %swap3A_418] {strides = array<i32>} : memref<48x1024xf32, #tpu.memory_space<vmem>>, vector<16xf32>,
      tpu.vector_store %arg5[%swap3A_417, %swap3A_418], %broadcast_in_dim3A_8 {strides = array<i32>} : memref<48x1024xf32, #tpu.memory_space<vmem>>, vector<16xf32>,
      %add3A_420 = arith.constant 0 : i32
      %add3A_421 = arith.addi %add3A_420, %scan3A_184 : i32
      %swap3A_422 = arith.index_cast %add3A_421 : i32 to index
      %swap3A_423 = arith.constant 752 : index
      %swap3A_424 = tpu.vector_load %arg5[%swap3A_422, %swap3A_423] {strides = array<i32>} : memref<48x1024xf32, #tpu.memory_space<vmem>>, vector<16xf32>,
      tpu.vector_store %arg5[%swap3A_422, %swap3A_423], %broadcast_in_dim3A_8 {strides = array<i32>} : memref<48x1024xf32, #tpu.memory_space<vmem>>, vector<16xf32>,
      %add3A_425 = arith.constant 0 : i32
      %add3A_426 = arith.addi %add3A_425, %scan3A_184 : i32
      %swap3A_427 = arith.index_cast %add3A_426 : i32 to index
      %swap3A_428 = arith.constant 768 : index
      %swap3A_429 = tpu.vector_load %arg5[%swap3A_427, %swap3A_428] {strides = array<i32>} : memref<48x1024xf32, #tpu.memory_space<vmem>>, vector<16xf32>,
      tpu.vector_store %arg5[%swap3A_427, %swap3A_428], %broadcast_in_dim3A_8 {strides = array<i32>} : memref<48x1024xf32, #tpu.memory_space<vmem>>, vector<16xf32>,
      %add3A_430 = arith.constant 0 : i32
      %add3A_431 = arith.addi %add3A_430, %scan3A_184 : i32
      %swap3A_432 = arith.index_cast %add3A_431 : i32 to index
      %swap3A_433 = arith.constant 784 : index
      %swap3A_434 = tpu.vector_load %arg5[%swap3A_432, %swap3A_433] {strides = array<i32>} : memref<48x1024xf32, #tpu.memory_space<vmem>>, vector<16xf32>,
      tpu.vector_store %arg5[%swap3A_432, %swap3A_433], %broadcast_in_dim3A_8 {strides = array<i32>} : memref<48x1024xf32, #tpu.memory_space<vmem>>, vector<16xf32>,
      %add3A_435 = arith.constant 0 : i32
      %add3A_436 = arith.addi %add3A_435, %scan3A_184 : i32
      %swap3A_437 = arith.index_cast %add3A_436 : i32 to index
      %swap3A_438 = arith.constant 800 : index
      %swap3A_439 = tpu.vector_load %arg5[%swap3A_437, %swap3A_438] {strides = array<i32>} : memref<48x1024xf32, #tpu.memory_space<vmem>>, vector<16xf32>,
      tpu.vector_store %arg5[%swap3A_437, %swap3A_438], %broadcast_in_dim3A_8 {strides = array<i32>} : memref<48x1024xf32, #tpu.memory_space<vmem>>, vector<16xf32>,
      %add3A_440 = arith.constant 0 : i32
      %add3A_441 = arith.addi %add3A_440, %scan3A_184 : i32
      %swap3A_442 = arith.index_cast %add3A_441 : i32 to index
      %swap3A_443 = arith.constant 816 : index
      %swap3A_444 = tpu.vector_load %arg5[%swap3A_442, %swap3A_443] {strides = array<i32>} : memref<48x1024xf32, #tpu.memory_space<vmem>>, vector<16xf32>,
      tpu.vector_store %arg5[%swap3A_442, %swap3A_443], %broadcast_in_dim3A_8 {strides = array<i32>} : memref<48x1024xf32, #tpu.memory_space<vmem>>, vector<16xf32>,
      %add3A_445 = arith.constant 0 : i32
      %add3A_446 = arith.addi %add3A_445, %scan3A_184 : i32
      %swap3A_447 = arith.index_cast %add3A_446 : i32 to index
      %swap3A_448 = arith.constant 832 : index
      %swap3A_449 = tpu.vector_load %arg5[%swap3A_447, %swap3A_448] {strides = array<i32>} : memref<48x1024xf32, #tpu.memory_space<vmem>>, vector<16xf32>,
      tpu.vector_store %arg5[%swap3A_447, %swap3A_448], %broadcast_in_dim3A_8 {strides = array<i32>} : memref<48x1024xf32, #tpu.memory_space<vmem>>, vector<16xf32>,
      %add3A_450 = arith.constant 0 : i32
      %add3A_451 = arith.addi %add3A_450, %scan3A_184 : i32
      %swap3A_452 = arith.index_cast %add3A_451 : i32 to index
      %swap3A_453 = arith.constant 848 : index
      %swap3A_454 = tpu.vector_load %arg5[%swap3A_452, %swap3A_453] {strides = array<i32>} : memref<48x1024xf32, #tpu.memory_space<vmem>>, vector<16xf32>,
      tpu.vector_store %arg5[%swap3A_452, %swap3A_453], %broadcast_in_dim3A_8 {strides = array<i32>} : memref<48x1024xf32, #tpu.memory_space<vmem>>, vector<16xf32>,
      %add3A_455 = arith.constant 0 : i32
      %add3A_456 = arith.addi %add3A_455, %scan3A_184 : i32
      %swap3A_457 = arith.index_cast %add3A_456 : i32 to index
      %swap3A_458 = arith.constant 864 : index
      %swap3A_459 = tpu.vector_load %arg5[%swap3A_457, %swap3A_458] {strides = array<i32>} : memref<48x1024xf32, #tpu.memory_space<vmem>>, vector<16xf32>,
      tpu.vector_store %arg5[%swap3A_457, %swap3A_458], %broadcast_in_dim3A_8 {strides = array<i32>} : memref<48x1024xf32, #tpu.memory_space<vmem>>, vector<16xf32>,
      %add3A_460 = arith.constant 0 : i32
      %add3A_461 = arith.addi %add3A_460, %scan3A_184 : i32
      %swap3A_462 = arith.index_cast %add3A_461 : i32 to index
      %swap3A_463 = arith.constant 880 : index
      %swap3A_464 = tpu.vector_load %arg5[%swap3A_462, %swap3A_463] {strides = array<i32>} : memref<48x1024xf32, #tpu.memory_space<vmem>>, vector<16xf32>,
      tpu.vector_store %arg5[%swap3A_462, %swap3A_463], %broadcast_in_dim3A_8 {strides = array<i32>} : memref<48x1024xf32, #tpu.memory_space<vmem>>, vector<16xf32>,
      %add3A_465 = arith.constant 0 : i32
      %add3A_466 = arith.addi %add3A_465, %scan3A_184 : i32
      %swap3A_467 = arith.index_cast %add3A_466 : i32 to index
      %swap3A_468 = arith.constant 896 : index
      %swap3A_469 = tpu.vector_load %arg5[%swap3A_467, %swap3A_468] {strides = array<i32>} : memref<48x1024xf32, #tpu.memory_space<vmem>>, vector<16xf32>,
      tpu.vector_store %arg5[%swap3A_467, %swap3A_468], %broadcast_in_dim3A_8 {strides = array<i32>} : memref<48x1024xf32, #tpu.memory_space<vmem>>, vector<16xf32>,
      %add3A_470 = arith.constant 0 : i32
      %add3A_471 = arith.addi %add3A_470, %scan3A_184 : i32
      %swap3A_472 = arith.index_cast %add3A_471 : i32 to index
      %swap3A_473 = arith.constant 912 : index
      %swap3A_474 = tpu.vector_load %arg5[%swap3A_472, %swap3A_473] {strides = array<i32>} : memref<48x1024xf32, #tpu.memory_space<vmem>>, vector<16xf32>,
      tpu.vector_store %arg5[%swap3A_472, %swap3A_473], %broadcast_in_dim3A_8 {strides = array<i32>} : memref<48x1024xf32, #tpu.memory_space<vmem>>, vector<16xf32>,
      %add3A_475 = arith.constant 0 : i32
      %add3A_476 = arith.addi %add3A_475, %scan3A_184 : i32
      %swap3A_477 = arith.index_cast %add3A_476 : i32 to index
      %swap3A_478 = arith.constant 928 : index
      %swap3A_479 = tpu.vector_load %arg5[%swap3A_477, %swap3A_478] {strides = array<i32>} : memref<48x1024xf32, #tpu.memory_space<vmem>>, vector<16xf32>,
      tpu.vector_store %arg5[%swap3A_477, %swap3A_478], %broadcast_in_dim3A_8 {strides = array<i32>} : memref<48x1024xf32, #tpu.memory_space<vmem>>, vector<16xf32>,
      %add3A_480 = arith.constant 0 : i32
      %add3A_481 = arith.addi %add3A_480, %scan3A_184 : i32
      %swap3A_482 = arith.index_cast %add3A_481 : i32 to index
      %swap3A_483 = arith.constant 944 : index
      %swap3A_484 = tpu.vector_load %arg5[%swap3A_482, %swap3A_483] {strides = array<i32>} : memref<48x1024xf32, #tpu.memory_space<vmem>>, vector<16xf32>,
      tpu.vector_store %arg5[%swap3A_482, %swap3A_483], %broadcast_in_dim3A_8 {strides = array<i32>} : memref<48x1024xf32, #tpu.memory_space<vmem>>, vector<16xf32>,
      %add3A_485 = arith.constant 0 : i32
      %add3A_486 = arith.addi %add3A_485, %scan3A_184 : i32
      %swap3A_487 = arith.index_cast %add3A_486 : i32 to index
      %swap3A_488 = arith.constant 960 : index
      %swap3A_489 = tpu.vector_load %arg5[%swap3A_487, %swap3A_488] {strides = array<i32>} : memref<48x1024xf32, #tpu.memory_space<vmem>>, vector<16xf32>,
      tpu.vector_store %arg5[%swap3A_487, %swap3A_488], %broadcast_in_dim3A_8 {strides = array<i32>} : memref<48x1024xf32, #tpu.memory_space<vmem>>, vector<16xf32>,
      %add3A_490 = arith.constant 0 : i32
      %add3A_491 = arith.addi %add3A_490, %scan3A_184 : i32
      %swap3A_492 = arith.index_cast %add3A_491 : i32 to index
      %swap3A_493 = arith.constant 976 : index
      %swap3A_494 = tpu.vector_load %arg5[%swap3A_492, %swap3A_493] {strides = array<i32>} : memref<48x1024xf32, #tpu.memory_space<vmem>>, vector<16xf32>,
      tpu.vector_store %arg5[%swap3A_492, %swap3A_493], %broadcast_in_dim3A_8 {strides = array<i32>} : memref<48x1024xf32, #tpu.memory_space<vmem>>, vector<16xf32>,
      %add3A_495 = arith.constant 0 : i32
      %add3A_496 = arith.addi %add3A_495, %scan3A_184 : i32
      %swap3A_497 = arith.index_cast %add3A_496 : i32 to index
      %swap3A_498 = arith.constant 992 : index
      %swap3A_499 = tpu.vector_load %arg5[%swap3A_497, %swap3A_498] {strides = array<i32>} : memref<48x1024xf32, #tpu.memory_space<vmem>>, vector<16xf32>,
      tpu.vector_store %arg5[%swap3A_497, %swap3A_498], %broadcast_in_dim3A_8 {strides = array<i32>} : memref<48x1024xf32, #tpu.memory_space<vmem>>, vector<16xf32>,
      %add3A_500 = arith.constant 0 : i32
      %add3A_501 = arith.addi %add3A_500, %scan3A_184 : i32
      %swap3A_502 = arith.index_cast %add3A_501 : i32 to index
      %swap3A_503 = arith.constant 1008 : index
      %swap3A_504 = tpu.vector_load %arg5[%swap3A_502, %swap3A_503] {strides = array<i32>} : memref<48x1024xf32, #tpu.memory_space<vmem>>, vector<16xf32>,
      tpu.vector_store %arg5[%swap3A_502, %swap3A_503], %broadcast_in_dim3A_8 {strides = array<i32>} : memref<48x1024xf32, #tpu.memory_space<vmem>>, vector<16xf32>,
      %scan3A_505 = arith.constant 0 : i32
      scf.yield %scan3A_505 : i32
    }
    %scan3A_14 = arith.constant 16 : i32
    %eq3A_15 = arith.constant 2 : i32
    %eq3A_16 = vector.broadcast %eq3A_15 : i32 to vector<16xi32>
    %eq3A_17 = arith.cmpi eq, %iota3A, %eq3A_16 : vector<16xi32>
    %jit3A_18 = arith.constant 5.000000e+01 : f32
    %jit3A_19 = arith.constant -5.000000e+01 : f32
    %broadcast_in_dim3A_20 = vector.broadcast %jit3A_18 : f32 to vector<16xf32>
    %broadcast_in_dim3A_21 = vector.broadcast %jit3A_19 : f32 to vector<16xf32>
    %select_n3A_22 = arith.select %eq3A_17, %broadcast_in_dim3A_20, %broadcast_in_dim3A_21 : vector<16xi1>, vector<16xf32>
    %broadcast_in_dim3A_23 = arith.constant -5.000000e+01 : f32
    %broadcast_in_dim3A_24 = vector.broadcast %broadcast_in_dim3A_23 : f32 to vector<16xf32>
    %scan3A_25 = arith.constant 0 : i32
    %scan3A_26 = arith.constant 0 : i32
    %scan3A_27 = arith.constant 16 : i32
    %scan3A_28 = arith.addi %scan3A_26, %scan3A_27 : i32
    %scan3A_29 = arith.constant 1 : i32
    %scan3A_30 = scf.for %scan3A_184 = %scan3A_26 to %scan3A_28 step %scan3A_29 iter_args(%scan3A_185 = %scan3A_25) -> (i32)  : i32 {
      %add3A_186 = arith.constant 16 : i32
      %add3A_187 = arith.addi %add3A_186, %scan3A_184 : i32
      %swap3A = arith.index_cast %add3A_187 : i32 to index
      %swap3A_188 = arith.constant 0 : index
      %swap3A_189 = tpu.vector_load %arg5[%swap3A, %swap3A_188] {strides = array<i32>} : memref<48x1024xf32, #tpu.memory_space<vmem>>, vector<16xf32>,
      tpu.vector_store %arg5[%swap3A, %swap3A_188], %select_n3A_22 {strides = array<i32>} : memref<48x1024xf32, #tpu.memory_space<vmem>>, vector<16xf32>,
      %add3A_190 = arith.constant 16 : i32
      %add3A_191 = arith.addi %add3A_190, %scan3A_184 : i32
      %swap3A_192 = arith.index_cast %add3A_191 : i32 to index
      %swap3A_193 = arith.constant 16 : index
      %swap3A_194 = tpu.vector_load %arg5[%swap3A_192, %swap3A_193] {strides = array<i32>} : memref<48x1024xf32, #tpu.memory_space<vmem>>, vector<16xf32>,
      tpu.vector_store %arg5[%swap3A_192, %swap3A_193], %broadcast_in_dim3A_24 {strides = array<i32>} : memref<48x1024xf32, #tpu.memory_space<vmem>>, vector<16xf32>,
      %add3A_195 = arith.constant 16 : i32
      %add3A_196 = arith.addi %add3A_195, %scan3A_184 : i32
      %swap3A_197 = arith.index_cast %add3A_196 : i32 to index
      %swap3A_198 = arith.constant 32 : index
      %swap3A_199 = tpu.vector_load %arg5[%swap3A_197, %swap3A_198] {strides = array<i32>} : memref<48x1024xf32, #tpu.memory_space<vmem>>, vector<16xf32>,
      tpu.vector_store %arg5[%swap3A_197, %swap3A_198], %broadcast_in_dim3A_24 {strides = array<i32>} : memref<48x1024xf32, #tpu.memory_space<vmem>>, vector<16xf32>,
      %add3A_200 = arith.constant 16 : i32
      %add3A_201 = arith.addi %add3A_200, %scan3A_184 : i32
      %swap3A_202 = arith.index_cast %add3A_201 : i32 to index
      %swap3A_203 = arith.constant 48 : index
      %swap3A_204 = tpu.vector_load %arg5[%swap3A_202, %swap3A_203] {strides = array<i32>} : memref<48x1024xf32, #tpu.memory_space<vmem>>, vector<16xf32>,
      tpu.vector_store %arg5[%swap3A_202, %swap3A_203], %broadcast_in_dim3A_24 {strides = array<i32>} : memref<48x1024xf32, #tpu.memory_space<vmem>>, vector<16xf32>,
      %add3A_205 = arith.constant 16 : i32
      %add3A_206 = arith.addi %add3A_205, %scan3A_184 : i32
      %swap3A_207 = arith.index_cast %add3A_206 : i32 to index
      %swap3A_208 = arith.constant 64 : index
      %swap3A_209 = tpu.vector_load %arg5[%swap3A_207, %swap3A_208] {strides = array<i32>} : memref<48x1024xf32, #tpu.memory_space<vmem>>, vector<16xf32>,
      tpu.vector_store %arg5[%swap3A_207, %swap3A_208], %broadcast_in_dim3A_24 {strides = array<i32>} : memref<48x1024xf32, #tpu.memory_space<vmem>>, vector<16xf32>,
      %add3A_210 = arith.constant 16 : i32
      %add3A_211 = arith.addi %add3A_210, %scan3A_184 : i32
      %swap3A_212 = arith.index_cast %add3A_211 : i32 to index
      %swap3A_213 = arith.constant 80 : index
      %swap3A_214 = tpu.vector_load %arg5[%swap3A_212, %swap3A_213] {strides = array<i32>} : memref<48x1024xf32, #tpu.memory_space<vmem>>, vector<16xf32>,
      tpu.vector_store %arg5[%swap3A_212, %swap3A_213], %broadcast_in_dim3A_24 {strides = array<i32>} : memref<48x1024xf32, #tpu.memory_space<vmem>>, vector<16xf32>,
      %add3A_215 = arith.constant 16 : i32
      %add3A_216 = arith.addi %add3A_215, %scan3A_184 : i32
      %swap3A_217 = arith.index_cast %add3A_216 : i32 to index
      %swap3A_218 = arith.constant 96 : index
      %swap3A_219 = tpu.vector_load %arg5[%swap3A_217, %swap3A_218] {strides = array<i32>} : memref<48x1024xf32, #tpu.memory_space<vmem>>, vector<16xf32>,
      tpu.vector_store %arg5[%swap3A_217, %swap3A_218], %broadcast_in_dim3A_24 {strides = array<i32>} : memref<48x1024xf32, #tpu.memory_space<vmem>>, vector<16xf32>,
      %add3A_220 = arith.constant 16 : i32
      %add3A_221 = arith.addi %add3A_220, %scan3A_184 : i32
      %swap3A_222 = arith.index_cast %add3A_221 : i32 to index
      %swap3A_223 = arith.constant 112 : index
      %swap3A_224 = tpu.vector_load %arg5[%swap3A_222, %swap3A_223] {strides = array<i32>} : memref<48x1024xf32, #tpu.memory_space<vmem>>, vector<16xf32>,
      tpu.vector_store %arg5[%swap3A_222, %swap3A_223], %broadcast_in_dim3A_24 {strides = array<i32>} : memref<48x1024xf32, #tpu.memory_space<vmem>>, vector<16xf32>,
      %add3A_225 = arith.constant 16 : i32
      %add3A_226 = arith.addi %add3A_225, %scan3A_184 : i32
      %swap3A_227 = arith.index_cast %add3A_226 : i32 to index
      %swap3A_228 = arith.constant 128 : index
      %swap3A_229 = tpu.vector_load %arg5[%swap3A_227, %swap3A_228] {strides = array<i32>} : memref<48x1024xf32, #tpu.memory_space<vmem>>, vector<16xf32>,
      tpu.vector_store %arg5[%swap3A_227, %swap3A_228], %broadcast_in_dim3A_24 {strides = array<i32>} : memref<48x1024xf32, #tpu.memory_space<vmem>>, vector<16xf32>,
      %add3A_230 = arith.constant 16 : i32
      %add3A_231 = arith.addi %add3A_230, %scan3A_184 : i32
      %swap3A_232 = arith.index_cast %add3A_231 : i32 to index
      %swap3A_233 = arith.constant 144 : index
      %swap3A_234 = tpu.vector_load %arg5[%swap3A_232, %swap3A_233] {strides = array<i32>} : memref<48x1024xf32, #tpu.memory_space<vmem>>, vector<16xf32>,
      tpu.vector_store %arg5[%swap3A_232, %swap3A_233], %broadcast_in_dim3A_24 {strides = array<i32>} : memref<48x1024xf32, #tpu.memory_space<vmem>>, vector<16xf32>,
      %add3A_235 = arith.constant 16 : i32
      %add3A_236 = arith.addi %add3A_235, %scan3A_184 : i32
      %swap3A_237 = arith.index_cast %add3A_236 : i32 to index
      %swap3A_238 = arith.constant 160 : index
      %swap3A_239 = tpu.vector_load %arg5[%swap3A_237, %swap3A_238] {strides = array<i32>} : memref<48x1024xf32, #tpu.memory_space<vmem>>, vector<16xf32>,
      tpu.vector_store %arg5[%swap3A_237, %swap3A_238], %broadcast_in_dim3A_24 {strides = array<i32>} : memref<48x1024xf32, #tpu.memory_space<vmem>>, vector<16xf32>,
      %add3A_240 = arith.constant 16 : i32
      %add3A_241 = arith.addi %add3A_240, %scan3A_184 : i32
      %swap3A_242 = arith.index_cast %add3A_241 : i32 to index
      %swap3A_243 = arith.constant 176 : index
      %swap3A_244 = tpu.vector_load %arg5[%swap3A_242, %swap3A_243] {strides = array<i32>} : memref<48x1024xf32, #tpu.memory_space<vmem>>, vector<16xf32>,
      tpu.vector_store %arg5[%swap3A_242, %swap3A_243], %broadcast_in_dim3A_24 {strides = array<i32>} : memref<48x1024xf32, #tpu.memory_space<vmem>>, vector<16xf32>,
      %add3A_245 = arith.constant 16 : i32
      %add3A_246 = arith.addi %add3A_245, %scan3A_184 : i32
      %swap3A_247 = arith.index_cast %add3A_246 : i32 to index
      %swap3A_248 = arith.constant 192 : index
      %swap3A_249 = tpu.vector_load %arg5[%swap3A_247, %swap3A_248] {strides = array<i32>} : memref<48x1024xf32, #tpu.memory_space<vmem>>, vector<16xf32>,
      tpu.vector_store %arg5[%swap3A_247, %swap3A_248], %broadcast_in_dim3A_24 {strides = array<i32>} : memref<48x1024xf32, #tpu.memory_space<vmem>>, vector<16xf32>,
      %add3A_250 = arith.constant 16 : i32
      %add3A_251 = arith.addi %add3A_250, %scan3A_184 : i32
      %swap3A_252 = arith.index_cast %add3A_251 : i32 to index
      %swap3A_253 = arith.constant 208 : index
      %swap3A_254 = tpu.vector_load %arg5[%swap3A_252, %swap3A_253] {strides = array<i32>} : memref<48x1024xf32, #tpu.memory_space<vmem>>, vector<16xf32>,
      tpu.vector_store %arg5[%swap3A_252, %swap3A_253], %broadcast_in_dim3A_24 {strides = array<i32>} : memref<48x1024xf32, #tpu.memory_space<vmem>>, vector<16xf32>,
      %add3A_255 = arith.constant 16 : i32
      %add3A_256 = arith.addi %add3A_255, %scan3A_184 : i32
      %swap3A_257 = arith.index_cast %add3A_256 : i32 to index
      %swap3A_258 = arith.constant 224 : index
      %swap3A_259 = tpu.vector_load %arg5[%swap3A_257, %swap3A_258] {strides = array<i32>} : memref<48x1024xf32, #tpu.memory_space<vmem>>, vector<16xf32>,
      tpu.vector_store %arg5[%swap3A_257, %swap3A_258], %broadcast_in_dim3A_24 {strides = array<i32>} : memref<48x1024xf32, #tpu.memory_space<vmem>>, vector<16xf32>,
      %add3A_260 = arith.constant 16 : i32
      %add3A_261 = arith.addi %add3A_260, %scan3A_184 : i32
      %swap3A_262 = arith.index_cast %add3A_261 : i32 to index
      %swap3A_263 = arith.constant 240 : index
      %swap3A_264 = tpu.vector_load %arg5[%swap3A_262, %swap3A_263] {strides = array<i32>} : memref<48x1024xf32, #tpu.memory_space<vmem>>, vector<16xf32>,
      tpu.vector_store %arg5[%swap3A_262, %swap3A_263], %broadcast_in_dim3A_24 {strides = array<i32>} : memref<48x1024xf32, #tpu.memory_space<vmem>>, vector<16xf32>,
      %add3A_265 = arith.constant 16 : i32
      %add3A_266 = arith.addi %add3A_265, %scan3A_184 : i32
      %swap3A_267 = arith.index_cast %add3A_266 : i32 to index
      %swap3A_268 = arith.constant 256 : index
      %swap3A_269 = tpu.vector_load %arg5[%swap3A_267, %swap3A_268] {strides = array<i32>} : memref<48x1024xf32, #tpu.memory_space<vmem>>, vector<16xf32>,
      tpu.vector_store %arg5[%swap3A_267, %swap3A_268], %broadcast_in_dim3A_24 {strides = array<i32>} : memref<48x1024xf32, #tpu.memory_space<vmem>>, vector<16xf32>,
      %add3A_270 = arith.constant 16 : i32
      %add3A_271 = arith.addi %add3A_270, %scan3A_184 : i32
      %swap3A_272 = arith.index_cast %add3A_271 : i32 to index
      %swap3A_273 = arith.constant 272 : index
      %swap3A_274 = tpu.vector_load %arg5[%swap3A_272, %swap3A_273] {strides = array<i32>} : memref<48x1024xf32, #tpu.memory_space<vmem>>, vector<16xf32>,
      tpu.vector_store %arg5[%swap3A_272, %swap3A_273], %broadcast_in_dim3A_24 {strides = array<i32>} : memref<48x1024xf32, #tpu.memory_space<vmem>>, vector<16xf32>,
      %add3A_275 = arith.constant 16 : i32
      %add3A_276 = arith.addi %add3A_275, %scan3A_184 : i32
      %swap3A_277 = arith.index_cast %add3A_276 : i32 to index
      %swap3A_278 = arith.constant 288 : index
      %swap3A_279 = tpu.vector_load %arg5[%swap3A_277, %swap3A_278] {strides = array<i32>} : memref<48x1024xf32, #tpu.memory_space<vmem>>, vector<16xf32>,
      tpu.vector_store %arg5[%swap3A_277, %swap3A_278], %broadcast_in_dim3A_24 {strides = array<i32>} : memref<48x1024xf32, #tpu.memory_space<vmem>>, vector<16xf32>,
      %add3A_280 = arith.constant 16 : i32
      %add3A_281 = arith.addi %add3A_280, %scan3A_184 : i32
      %swap3A_282 = arith.index_cast %add3A_281 : i32 to index
      %swap3A_283 = arith.constant 304 : index
      %swap3A_284 = tpu.vector_load %arg5[%swap3A_282, %swap3A_283] {strides = array<i32>} : memref<48x1024xf32, #tpu.memory_space<vmem>>, vector<16xf32>,
      tpu.vector_store %arg5[%swap3A_282, %swap3A_283], %broadcast_in_dim3A_24 {strides = array<i32>} : memref<48x1024xf32, #tpu.memory_space<vmem>>, vector<16xf32>,
      %add3A_285 = arith.constant 16 : i32
      %add3A_286 = arith.addi %add3A_285, %scan3A_184 : i32
      %swap3A_287 = arith.index_cast %add3A_286 : i32 to index
      %swap3A_288 = arith.constant 320 : index
      %swap3A_289 = tpu.vector_load %arg5[%swap3A_287, %swap3A_288] {strides = array<i32>} : memref<48x1024xf32, #tpu.memory_space<vmem>>, vector<16xf32>,
      tpu.vector_store %arg5[%swap3A_287, %swap3A_288], %broadcast_in_dim3A_24 {strides = array<i32>} : memref<48x1024xf32, #tpu.memory_space<vmem>>, vector<16xf32>,
      %add3A_290 = arith.constant 16 : i32
      %add3A_291 = arith.addi %add3A_290, %scan3A_184 : i32
      %swap3A_292 = arith.index_cast %add3A_291 : i32 to index
      %swap3A_293 = arith.constant 336 : index
      %swap3A_294 = tpu.vector_load %arg5[%swap3A_292, %swap3A_293] {strides = array<i32>} : memref<48x1024xf32, #tpu.memory_space<vmem>>, vector<16xf32>,
      tpu.vector_store %arg5[%swap3A_292, %swap3A_293], %broadcast_in_dim3A_24 {strides = array<i32>} : memref<48x1024xf32, #tpu.memory_space<vmem>>, vector<16xf32>,
      %add3A_295 = arith.constant 16 : i32
      %add3A_296 = arith.addi %add3A_295, %scan3A_184 : i32
      %swap3A_297 = arith.index_cast %add3A_296 : i32 to index
      %swap3A_298 = arith.constant 352 : index
      %swap3A_299 = tpu.vector_load %arg5[%swap3A_297, %swap3A_298] {strides = array<i32>} : memref<48x1024xf32, #tpu.memory_space<vmem>>, vector<16xf32>,
      tpu.vector_store %arg5[%swap3A_297, %swap3A_298], %broadcast_in_dim3A_24 {strides = array<i32>} : memref<48x1024xf32, #tpu.memory_space<vmem>>, vector<16xf32>,
      %add3A_300 = arith.constant 16 : i32
      %add3A_301 = arith.addi %add3A_300, %scan3A_184 : i32
      %swap3A_302 = arith.index_cast %add3A_301 : i32 to index
      %swap3A_303 = arith.constant 368 : index
      %swap3A_304 = tpu.vector_load %arg5[%swap3A_302, %swap3A_303] {strides = array<i32>} : memref<48x1024xf32, #tpu.memory_space<vmem>>, vector<16xf32>,
      tpu.vector_store %arg5[%swap3A_302, %swap3A_303], %broadcast_in_dim3A_24 {strides = array<i32>} : memref<48x1024xf32, #tpu.memory_space<vmem>>, vector<16xf32>,
      %add3A_305 = arith.constant 16 : i32
      %add3A_306 = arith.addi %add3A_305, %scan3A_184 : i32
      %swap3A_307 = arith.index_cast %add3A_306 : i32 to index
      %swap3A_308 = arith.constant 384 : index
      %swap3A_309 = tpu.vector_load %arg5[%swap3A_307, %swap3A_308] {strides = array<i32>} : memref<48x1024xf32, #tpu.memory_space<vmem>>, vector<16xf32>,
      tpu.vector_store %arg5[%swap3A_307, %swap3A_308], %broadcast_in_dim3A_24 {strides = array<i32>} : memref<48x1024xf32, #tpu.memory_space<vmem>>, vector<16xf32>,
      %add3A_310 = arith.constant 16 : i32
      %add3A_311 = arith.addi %add3A_310, %scan3A_184 : i32
      %swap3A_312 = arith.index_cast %add3A_311 : i32 to index
      %swap3A_313 = arith.constant 400 : index
      %swap3A_314 = tpu.vector_load %arg5[%swap3A_312, %swap3A_313] {strides = array<i32>} : memref<48x1024xf32, #tpu.memory_space<vmem>>, vector<16xf32>,
      tpu.vector_store %arg5[%swap3A_312, %swap3A_313], %broadcast_in_dim3A_24 {strides = array<i32>} : memref<48x1024xf32, #tpu.memory_space<vmem>>, vector<16xf32>,
      %add3A_315 = arith.constant 16 : i32
      %add3A_316 = arith.addi %add3A_315, %scan3A_184 : i32
      %swap3A_317 = arith.index_cast %add3A_316 : i32 to index
      %swap3A_318 = arith.constant 416 : index
      %swap3A_319 = tpu.vector_load %arg5[%swap3A_317, %swap3A_318] {strides = array<i32>} : memref<48x1024xf32, #tpu.memory_space<vmem>>, vector<16xf32>,
      tpu.vector_store %arg5[%swap3A_317, %swap3A_318], %broadcast_in_dim3A_24 {strides = array<i32>} : memref<48x1024xf32, #tpu.memory_space<vmem>>, vector<16xf32>,
      %add3A_320 = arith.constant 16 : i32
      %add3A_321 = arith.addi %add3A_320, %scan3A_184 : i32
      %swap3A_322 = arith.index_cast %add3A_321 : i32 to index
      %swap3A_323 = arith.constant 432 : index
      %swap3A_324 = tpu.vector_load %arg5[%swap3A_322, %swap3A_323] {strides = array<i32>} : memref<48x1024xf32, #tpu.memory_space<vmem>>, vector<16xf32>,
      tpu.vector_store %arg5[%swap3A_322, %swap3A_323], %broadcast_in_dim3A_24 {strides = array<i32>} : memref<48x1024xf32, #tpu.memory_space<vmem>>, vector<16xf32>,
      %add3A_325 = arith.constant 16 : i32
      %add3A_326 = arith.addi %add3A_325, %scan3A_184 : i32
      %swap3A_327 = arith.index_cast %add3A_326 : i32 to index
      %swap3A_328 = arith.constant 448 : index
      %swap3A_329 = tpu.vector_load %arg5[%swap3A_327, %swap3A_328] {strides = array<i32>} : memref<48x1024xf32, #tpu.memory_space<vmem>>, vector<16xf32>,
      tpu.vector_store %arg5[%swap3A_327, %swap3A_328], %broadcast_in_dim3A_24 {strides = array<i32>} : memref<48x1024xf32, #tpu.memory_space<vmem>>, vector<16xf32>,
      %add3A_330 = arith.constant 16 : i32
      %add3A_331 = arith.addi %add3A_330, %scan3A_184 : i32
      %swap3A_332 = arith.index_cast %add3A_331 : i32 to index
      %swap3A_333 = arith.constant 464 : index
      %swap3A_334 = tpu.vector_load %arg5[%swap3A_332, %swap3A_333] {strides = array<i32>} : memref<48x1024xf32, #tpu.memory_space<vmem>>, vector<16xf32>,
      tpu.vector_store %arg5[%swap3A_332, %swap3A_333], %broadcast_in_dim3A_24 {strides = array<i32>} : memref<48x1024xf32, #tpu.memory_space<vmem>>, vector<16xf32>,
      %add3A_335 = arith.constant 16 : i32
      %add3A_336 = arith.addi %add3A_335, %scan3A_184 : i32
      %swap3A_337 = arith.index_cast %add3A_336 : i32 to index
      %swap3A_338 = arith.constant 480 : index
      %swap3A_339 = tpu.vector_load %arg5[%swap3A_337, %swap3A_338] {strides = array<i32>} : memref<48x1024xf32, #tpu.memory_space<vmem>>, vector<16xf32>,
      tpu.vector_store %arg5[%swap3A_337, %swap3A_338], %broadcast_in_dim3A_24 {strides = array<i32>} : memref<48x1024xf32, #tpu.memory_space<vmem>>, vector<16xf32>,
      %add3A_340 = arith.constant 16 : i32
      %add3A_341 = arith.addi %add3A_340, %scan3A_184 : i32
      %swap3A_342 = arith.index_cast %add3A_341 : i32 to index
      %swap3A_343 = arith.constant 496 : index
      %swap3A_344 = tpu.vector_load %arg5[%swap3A_342, %swap3A_343] {strides = array<i32>} : memref<48x1024xf32, #tpu.memory_space<vmem>>, vector<16xf32>,
      tpu.vector_store %arg5[%swap3A_342, %swap3A_343], %broadcast_in_dim3A_24 {strides = array<i32>} : memref<48x1024xf32, #tpu.memory_space<vmem>>, vector<16xf32>,
      %add3A_345 = arith.constant 16 : i32
      %add3A_346 = arith.addi %add3A_345, %scan3A_184 : i32
      %swap3A_347 = arith.index_cast %add3A_346 : i32 to index
      %swap3A_348 = arith.constant 512 : index
      %swap3A_349 = tpu.vector_load %arg5[%swap3A_347, %swap3A_348] {strides = array<i32>} : memref<48x1024xf32, #tpu.memory_space<vmem>>, vector<16xf32>,
      tpu.vector_store %arg5[%swap3A_347, %swap3A_348], %broadcast_in_dim3A_24 {strides = array<i32>} : memref<48x1024xf32, #tpu.memory_space<vmem>>, vector<16xf32>,
      %add3A_350 = arith.constant 16 : i32
      %add3A_351 = arith.addi %add3A_350, %scan3A_184 : i32
      %swap3A_352 = arith.index_cast %add3A_351 : i32 to index
      %swap3A_353 = arith.constant 528 : index
      %swap3A_354 = tpu.vector_load %arg5[%swap3A_352, %swap3A_353] {strides = array<i32>} : memref<48x1024xf32, #tpu.memory_space<vmem>>, vector<16xf32>,
      tpu.vector_store %arg5[%swap3A_352, %swap3A_353], %broadcast_in_dim3A_24 {strides = array<i32>} : memref<48x1024xf32, #tpu.memory_space<vmem>>, vector<16xf32>,
      %add3A_355 = arith.constant 16 : i32
      %add3A_356 = arith.addi %add3A_355, %scan3A_184 : i32
      %swap3A_357 = arith.index_cast %add3A_356 : i32 to index
      %swap3A_358 = arith.constant 544 : index
      %swap3A_359 = tpu.vector_load %arg5[%swap3A_357, %swap3A_358] {strides = array<i32>} : memref<48x1024xf32, #tpu.memory_space<vmem>>, vector<16xf32>,
      tpu.vector_store %arg5[%swap3A_357, %swap3A_358], %broadcast_in_dim3A_24 {strides = array<i32>} : memref<48x1024xf32, #tpu.memory_space<vmem>>, vector<16xf32>,
      %add3A_360 = arith.constant 16 : i32
      %add3A_361 = arith.addi %add3A_360, %scan3A_184 : i32
      %swap3A_362 = arith.index_cast %add3A_361 : i32 to index
      %swap3A_363 = arith.constant 560 : index
      %swap3A_364 = tpu.vector_load %arg5[%swap3A_362, %swap3A_363] {strides = array<i32>} : memref<48x1024xf32, #tpu.memory_space<vmem>>, vector<16xf32>,
      tpu.vector_store %arg5[%swap3A_362, %swap3A_363], %broadcast_in_dim3A_24 {strides = array<i32>} : memref<48x1024xf32, #tpu.memory_space<vmem>>, vector<16xf32>,
      %add3A_365 = arith.constant 16 : i32
      %add3A_366 = arith.addi %add3A_365, %scan3A_184 : i32
      %swap3A_367 = arith.index_cast %add3A_366 : i32 to index
      %swap3A_368 = arith.constant 576 : index
      %swap3A_369 = tpu.vector_load %arg5[%swap3A_367, %swap3A_368] {strides = array<i32>} : memref<48x1024xf32, #tpu.memory_space<vmem>>, vector<16xf32>,
      tpu.vector_store %arg5[%swap3A_367, %swap3A_368], %broadcast_in_dim3A_24 {strides = array<i32>} : memref<48x1024xf32, #tpu.memory_space<vmem>>, vector<16xf32>,
      %add3A_370 = arith.constant 16 : i32
      %add3A_371 = arith.addi %add3A_370, %scan3A_184 : i32
      %swap3A_372 = arith.index_cast %add3A_371 : i32 to index
      %swap3A_373 = arith.constant 592 : index
      %swap3A_374 = tpu.vector_load %arg5[%swap3A_372, %swap3A_373] {strides = array<i32>} : memref<48x1024xf32, #tpu.memory_space<vmem>>, vector<16xf32>,
      tpu.vector_store %arg5[%swap3A_372, %swap3A_373], %broadcast_in_dim3A_24 {strides = array<i32>} : memref<48x1024xf32, #tpu.memory_space<vmem>>, vector<16xf32>,
      %add3A_375 = arith.constant 16 : i32
      %add3A_376 = arith.addi %add3A_375, %scan3A_184 : i32
      %swap3A_377 = arith.index_cast %add3A_376 : i32 to index
      %swap3A_378 = arith.constant 608 : index
      %swap3A_379 = tpu.vector_load %arg5[%swap3A_377, %swap3A_378] {strides = array<i32>} : memref<48x1024xf32, #tpu.memory_space<vmem>>, vector<16xf32>,
      tpu.vector_store %arg5[%swap3A_377, %swap3A_378], %broadcast_in_dim3A_24 {strides = array<i32>} : memref<48x1024xf32, #tpu.memory_space<vmem>>, vector<16xf32>,
      %add3A_380 = arith.constant 16 : i32
      %add3A_381 = arith.addi %add3A_380, %scan3A_184 : i32
      %swap3A_382 = arith.index_cast %add3A_381 : i32 to index
      %swap3A_383 = arith.constant 624 : index
      %swap3A_384 = tpu.vector_load %arg5[%swap3A_382, %swap3A_383] {strides = array<i32>} : memref<48x1024xf32, #tpu.memory_space<vmem>>, vector<16xf32>,
      tpu.vector_store %arg5[%swap3A_382, %swap3A_383], %broadcast_in_dim3A_24 {strides = array<i32>} : memref<48x1024xf32, #tpu.memory_space<vmem>>, vector<16xf32>,
      %add3A_385 = arith.constant 16 : i32
      %add3A_386 = arith.addi %add3A_385, %scan3A_184 : i32
      %swap3A_387 = arith.index_cast %add3A_386 : i32 to index
      %swap3A_388 = arith.constant 640 : index
      %swap3A_389 = tpu.vector_load %arg5[%swap3A_387, %swap3A_388] {strides = array<i32>} : memref<48x1024xf32, #tpu.memory_space<vmem>>, vector<16xf32>,
      tpu.vector_store %arg5[%swap3A_387, %swap3A_388], %broadcast_in_dim3A_24 {strides = array<i32>} : memref<48x1024xf32, #tpu.memory_space<vmem>>, vector<16xf32>,
      %add3A_390 = arith.constant 16 : i32
      %add3A_391 = arith.addi %add3A_390, %scan3A_184 : i32
      %swap3A_392 = arith.index_cast %add3A_391 : i32 to index
      %swap3A_393 = arith.constant 656 : index
      %swap3A_394 = tpu.vector_load %arg5[%swap3A_392, %swap3A_393] {strides = array<i32>} : memref<48x1024xf32, #tpu.memory_space<vmem>>, vector<16xf32>,
      tpu.vector_store %arg5[%swap3A_392, %swap3A_393], %broadcast_in_dim3A_24 {strides = array<i32>} : memref<48x1024xf32, #tpu.memory_space<vmem>>, vector<16xf32>,
      %add3A_395 = arith.constant 16 : i32
      %add3A_396 = arith.addi %add3A_395, %scan3A_184 : i32
      %swap3A_397 = arith.index_cast %add3A_396 : i32 to index
      %swap3A_398 = arith.constant 672 : index
      %swap3A_399 = tpu.vector_load %arg5[%swap3A_397, %swap3A_398] {strides = array<i32>} : memref<48x1024xf32, #tpu.memory_space<vmem>>, vector<16xf32>,
      tpu.vector_store %arg5[%swap3A_397, %swap3A_398], %broadcast_in_dim3A_24 {strides = array<i32>} : memref<48x1024xf32, #tpu.memory_space<vmem>>, vector<16xf32>,
      %add3A_400 = arith.constant 16 : i32
      %add3A_401 = arith.addi %add3A_400, %scan3A_184 : i32
      %swap3A_402 = arith.index_cast %add3A_401 : i32 to index
      %swap3A_403 = arith.constant 688 : index
      %swap3A_404 = tpu.vector_load %arg5[%swap3A_402, %swap3A_403] {strides = array<i32>} : memref<48x1024xf32, #tpu.memory_space<vmem>>, vector<16xf32>,
      tpu.vector_store %arg5[%swap3A_402, %swap3A_403], %broadcast_in_dim3A_24 {strides = array<i32>} : memref<48x1024xf32, #tpu.memory_space<vmem>>, vector<16xf32>,
      %add3A_405 = arith.constant 16 : i32
      %add3A_406 = arith.addi %add3A_405, %scan3A_184 : i32
      %swap3A_407 = arith.index_cast %add3A_406 : i32 to index
      %swap3A_408 = arith.constant 704 : index
      %swap3A_409 = tpu.vector_load %arg5[%swap3A_407, %swap3A_408] {strides = array<i32>} : memref<48x1024xf32, #tpu.memory_space<vmem>>, vector<16xf32>,
      tpu.vector_store %arg5[%swap3A_407, %swap3A_408], %broadcast_in_dim3A_24 {strides = array<i32>} : memref<48x1024xf32, #tpu.memory_space<vmem>>, vector<16xf32>,
      %add3A_410 = arith.constant 16 : i32
      %add3A_411 = arith.addi %add3A_410, %scan3A_184 : i32
      %swap3A_412 = arith.index_cast %add3A_411 : i32 to index
      %swap3A_413 = arith.constant 720 : index
      %swap3A_414 = tpu.vector_load %arg5[%swap3A_412, %swap3A_413] {strides = array<i32>} : memref<48x1024xf32, #tpu.memory_space<vmem>>, vector<16xf32>,
      tpu.vector_store %arg5[%swap3A_412, %swap3A_413], %broadcast_in_dim3A_24 {strides = array<i32>} : memref<48x1024xf32, #tpu.memory_space<vmem>>, vector<16xf32>,
      %add3A_415 = arith.constant 16 : i32
      %add3A_416 = arith.addi %add3A_415, %scan3A_184 : i32
      %swap3A_417 = arith.index_cast %add3A_416 : i32 to index
      %swap3A_418 = arith.constant 736 : index
      %swap3A_419 = tpu.vector_load %arg5[%swap3A_417, %swap3A_418] {strides = array<i32>} : memref<48x1024xf32, #tpu.memory_space<vmem>>, vector<16xf32>,
      tpu.vector_store %arg5[%swap3A_417, %swap3A_418], %broadcast_in_dim3A_24 {strides = array<i32>} : memref<48x1024xf32, #tpu.memory_space<vmem>>, vector<16xf32>,
      %add3A_420 = arith.constant 16 : i32
      %add3A_421 = arith.addi %add3A_420, %scan3A_184 : i32
      %swap3A_422 = arith.index_cast %add3A_421 : i32 to index
      %swap3A_423 = arith.constant 752 : index
      %swap3A_424 = tpu.vector_load %arg5[%swap3A_422, %swap3A_423] {strides = array<i32>} : memref<48x1024xf32, #tpu.memory_space<vmem>>, vector<16xf32>,
      tpu.vector_store %arg5[%swap3A_422, %swap3A_423], %broadcast_in_dim3A_24 {strides = array<i32>} : memref<48x1024xf32, #tpu.memory_space<vmem>>, vector<16xf32>,
      %add3A_425 = arith.constant 16 : i32
      %add3A_426 = arith.addi %add3A_425, %scan3A_184 : i32
      %swap3A_427 = arith.index_cast %add3A_426 : i32 to index
      %swap3A_428 = arith.constant 768 : index
      %swap3A_429 = tpu.vector_load %arg5[%swap3A_427, %swap3A_428] {strides = array<i32>} : memref<48x1024xf32, #tpu.memory_space<vmem>>, vector<16xf32>,
      tpu.vector_store %arg5[%swap3A_427, %swap3A_428], %broadcast_in_dim3A_24 {strides = array<i32>} : memref<48x1024xf32, #tpu.memory_space<vmem>>, vector<16xf32>,
      %add3A_430 = arith.constant 16 : i32
      %add3A_431 = arith.addi %add3A_430, %scan3A_184 : i32
      %swap3A_432 = arith.index_cast %add3A_431 : i32 to index
      %swap3A_433 = arith.constant 784 : index
      %swap3A_434 = tpu.vector_load %arg5[%swap3A_432, %swap3A_433] {strides = array<i32>} : memref<48x1024xf32, #tpu.memory_space<vmem>>, vector<16xf32>,
      tpu.vector_store %arg5[%swap3A_432, %swap3A_433], %broadcast_in_dim3A_24 {strides = array<i32>} : memref<48x1024xf32, #tpu.memory_space<vmem>>, vector<16xf32>,
      %add3A_435 = arith.constant 16 : i32
      %add3A_436 = arith.addi %add3A_435, %scan3A_184 : i32
      %swap3A_437 = arith.index_cast %add3A_436 : i32 to index
      %swap3A_438 = arith.constant 800 : index
      %swap3A_439 = tpu.vector_load %arg5[%swap3A_437, %swap3A_438] {strides = array<i32>} : memref<48x1024xf32, #tpu.memory_space<vmem>>, vector<16xf32>,
      tpu.vector_store %arg5[%swap3A_437, %swap3A_438], %broadcast_in_dim3A_24 {strides = array<i32>} : memref<48x1024xf32, #tpu.memory_space<vmem>>, vector<16xf32>,
      %add3A_440 = arith.constant 16 : i32
      %add3A_441 = arith.addi %add3A_440, %scan3A_184 : i32
      %swap3A_442 = arith.index_cast %add3A_441 : i32 to index
      %swap3A_443 = arith.constant 816 : index
      %swap3A_444 = tpu.vector_load %arg5[%swap3A_442, %swap3A_443] {strides = array<i32>} : memref<48x1024xf32, #tpu.memory_space<vmem>>, vector<16xf32>,
      tpu.vector_store %arg5[%swap3A_442, %swap3A_443], %broadcast_in_dim3A_24 {strides = array<i32>} : memref<48x1024xf32, #tpu.memory_space<vmem>>, vector<16xf32>,
      %add3A_445 = arith.constant 16 : i32
      %add3A_446 = arith.addi %add3A_445, %scan3A_184 : i32
      %swap3A_447 = arith.index_cast %add3A_446 : i32 to index
      %swap3A_448 = arith.constant 832 : index
      %swap3A_449 = tpu.vector_load %arg5[%swap3A_447, %swap3A_448] {strides = array<i32>} : memref<48x1024xf32, #tpu.memory_space<vmem>>, vector<16xf32>,
      tpu.vector_store %arg5[%swap3A_447, %swap3A_448], %broadcast_in_dim3A_24 {strides = array<i32>} : memref<48x1024xf32, #tpu.memory_space<vmem>>, vector<16xf32>,
      %add3A_450 = arith.constant 16 : i32
      %add3A_451 = arith.addi %add3A_450, %scan3A_184 : i32
      %swap3A_452 = arith.index_cast %add3A_451 : i32 to index
      %swap3A_453 = arith.constant 848 : index
      %swap3A_454 = tpu.vector_load %arg5[%swap3A_452, %swap3A_453] {strides = array<i32>} : memref<48x1024xf32, #tpu.memory_space<vmem>>, vector<16xf32>,
      tpu.vector_store %arg5[%swap3A_452, %swap3A_453], %broadcast_in_dim3A_24 {strides = array<i32>} : memref<48x1024xf32, #tpu.memory_space<vmem>>, vector<16xf32>,
      %add3A_455 = arith.constant 16 : i32
      %add3A_456 = arith.addi %add3A_455, %scan3A_184 : i32
      %swap3A_457 = arith.index_cast %add3A_456 : i32 to index
      %swap3A_458 = arith.constant 864 : index
      %swap3A_459 = tpu.vector_load %arg5[%swap3A_457, %swap3A_458] {strides = array<i32>} : memref<48x1024xf32, #tpu.memory_space<vmem>>, vector<16xf32>,
      tpu.vector_store %arg5[%swap3A_457, %swap3A_458], %broadcast_in_dim3A_24 {strides = array<i32>} : memref<48x1024xf32, #tpu.memory_space<vmem>>, vector<16xf32>,
      %add3A_460 = arith.constant 16 : i32
      %add3A_461 = arith.addi %add3A_460, %scan3A_184 : i32
      %swap3A_462 = arith.index_cast %add3A_461 : i32 to index
      %swap3A_463 = arith.constant 880 : index
      %swap3A_464 = tpu.vector_load %arg5[%swap3A_462, %swap3A_463] {strides = array<i32>} : memref<48x1024xf32, #tpu.memory_space<vmem>>, vector<16xf32>,
      tpu.vector_store %arg5[%swap3A_462, %swap3A_463], %broadcast_in_dim3A_24 {strides = array<i32>} : memref<48x1024xf32, #tpu.memory_space<vmem>>, vector<16xf32>,
      %add3A_465 = arith.constant 16 : i32
      %add3A_466 = arith.addi %add3A_465, %scan3A_184 : i32
      %swap3A_467 = arith.index_cast %add3A_466 : i32 to index
      %swap3A_468 = arith.constant 896 : index
      %swap3A_469 = tpu.vector_load %arg5[%swap3A_467, %swap3A_468] {strides = array<i32>} : memref<48x1024xf32, #tpu.memory_space<vmem>>, vector<16xf32>,
      tpu.vector_store %arg5[%swap3A_467, %swap3A_468], %broadcast_in_dim3A_24 {strides = array<i32>} : memref<48x1024xf32, #tpu.memory_space<vmem>>, vector<16xf32>,
      %add3A_470 = arith.constant 16 : i32
      %add3A_471 = arith.addi %add3A_470, %scan3A_184 : i32
      %swap3A_472 = arith.index_cast %add3A_471 : i32 to index
      %swap3A_473 = arith.constant 912 : index
      %swap3A_474 = tpu.vector_load %arg5[%swap3A_472, %swap3A_473] {strides = array<i32>} : memref<48x1024xf32, #tpu.memory_space<vmem>>, vector<16xf32>,
      tpu.vector_store %arg5[%swap3A_472, %swap3A_473], %broadcast_in_dim3A_24 {strides = array<i32>} : memref<48x1024xf32, #tpu.memory_space<vmem>>, vector<16xf32>,
      %add3A_475 = arith.constant 16 : i32
      %add3A_476 = arith.addi %add3A_475, %scan3A_184 : i32
      %swap3A_477 = arith.index_cast %add3A_476 : i32 to index
      %swap3A_478 = arith.constant 928 : index
      %swap3A_479 = tpu.vector_load %arg5[%swap3A_477, %swap3A_478] {strides = array<i32>} : memref<48x1024xf32, #tpu.memory_space<vmem>>, vector<16xf32>,
      tpu.vector_store %arg5[%swap3A_477, %swap3A_478], %broadcast_in_dim3A_24 {strides = array<i32>} : memref<48x1024xf32, #tpu.memory_space<vmem>>, vector<16xf32>,
      %add3A_480 = arith.constant 16 : i32
      %add3A_481 = arith.addi %add3A_480, %scan3A_184 : i32
      %swap3A_482 = arith.index_cast %add3A_481 : i32 to index
      %swap3A_483 = arith.constant 944 : index
      %swap3A_484 = tpu.vector_load %arg5[%swap3A_482, %swap3A_483] {strides = array<i32>} : memref<48x1024xf32, #tpu.memory_space<vmem>>, vector<16xf32>,
      tpu.vector_store %arg5[%swap3A_482, %swap3A_483], %broadcast_in_dim3A_24 {strides = array<i32>} : memref<48x1024xf32, #tpu.memory_space<vmem>>, vector<16xf32>,
      %add3A_485 = arith.constant 16 : i32
      %add3A_486 = arith.addi %add3A_485, %scan3A_184 : i32
      %swap3A_487 = arith.index_cast %add3A_486 : i32 to index
      %swap3A_488 = arith.constant 960 : index
      %swap3A_489 = tpu.vector_load %arg5[%swap3A_487, %swap3A_488] {strides = array<i32>} : memref<48x1024xf32, #tpu.memory_space<vmem>>, vector<16xf32>,
      tpu.vector_store %arg5[%swap3A_487, %swap3A_488], %broadcast_in_dim3A_24 {strides = array<i32>} : memref<48x1024xf32, #tpu.memory_space<vmem>>, vector<16xf32>,
      %add3A_490 = arith.constant 16 : i32
      %add3A_491 = arith.addi %add3A_490, %scan3A_184 : i32
      %swap3A_492 = arith.index_cast %add3A_491 : i32 to index
      %swap3A_493 = arith.constant 976 : index
      %swap3A_494 = tpu.vector_load %arg5[%swap3A_492, %swap3A_493] {strides = array<i32>} : memref<48x1024xf32, #tpu.memory_space<vmem>>, vector<16xf32>,
      tpu.vector_store %arg5[%swap3A_492, %swap3A_493], %broadcast_in_dim3A_24 {strides = array<i32>} : memref<48x1024xf32, #tpu.memory_space<vmem>>, vector<16xf32>,
      %add3A_495 = arith.constant 16 : i32
      %add3A_496 = arith.addi %add3A_495, %scan3A_184 : i32
      %swap3A_497 = arith.index_cast %add3A_496 : i32 to index
      %swap3A_498 = arith.constant 992 : index
      %swap3A_499 = tpu.vector_load %arg5[%swap3A_497, %swap3A_498] {strides = array<i32>} : memref<48x1024xf32, #tpu.memory_space<vmem>>, vector<16xf32>,
      tpu.vector_store %arg5[%swap3A_497, %swap3A_498], %broadcast_in_dim3A_24 {strides = array<i32>} : memref<48x1024xf32, #tpu.memory_space<vmem>>, vector<16xf32>,
      %add3A_500 = arith.constant 16 : i32
      %add3A_501 = arith.addi %add3A_500, %scan3A_184 : i32
      %swap3A_502 = arith.index_cast %add3A_501 : i32 to index
      %swap3A_503 = arith.constant 1008 : index
      %swap3A_504 = tpu.vector_load %arg5[%swap3A_502, %swap3A_503] {strides = array<i32>} : memref<48x1024xf32, #tpu.memory_space<vmem>>, vector<16xf32>,
      tpu.vector_store %arg5[%swap3A_502, %swap3A_503], %broadcast_in_dim3A_24 {strides = array<i32>} : memref<48x1024xf32, #tpu.memory_space<vmem>>, vector<16xf32>,
      %scan3A_505 = arith.constant 0 : i32
      scf.yield %scan3A_505 : i32
    }
    %scan3A_31 = arith.constant 16 : i32
    %eq3A_32 = arith.constant 3 : i32
    %eq3A_33 = vector.broadcast %eq3A_32 : i32 to vector<16xi32>
    %eq3A_34 = arith.cmpi eq, %iota3A, %eq3A_33 : vector<16xi32>
    %jit3A_35 = arith.constant 5.000000e+01 : f32
    %jit3A_36 = arith.constant -5.000000e+01 : f32
    %broadcast_in_dim3A_37 = vector.broadcast %jit3A_35 : f32 to vector<16xf32>
    %broadcast_in_dim3A_38 = vector.broadcast %jit3A_36 : f32 to vector<16xf32>
    %select_n3A_39 = arith.select %eq3A_34, %broadcast_in_dim3A_37, %broadcast_in_dim3A_38 : vector<16xi1>, vector<16xf32>
    %broadcast_in_dim3A_40 = arith.constant -5.000000e+01 : f32
    %broadcast_in_dim3A_41 = vector.broadcast %broadcast_in_dim3A_40 : f32 to vector<16xf32>
    %scan3A_42 = arith.constant 0 : i32
    %scan3A_43 = arith.constant 0 : i32
    %scan3A_44 = arith.constant 16 : i32
    %scan3A_45 = arith.addi %scan3A_43, %scan3A_44 : i32
    %scan3A_46 = arith.constant 1 : i32
    %scan3A_47 = scf.for %scan3A_184 = %scan3A_43 to %scan3A_45 step %scan3A_46 iter_args(%scan3A_185 = %scan3A_42) -> (i32)  : i32 {
      %add3A_186 = arith.constant 32 : i32
      %add3A_187 = arith.addi %add3A_186, %scan3A_184 : i32
      %swap3A = arith.index_cast %add3A_187 : i32 to index
      %swap3A_188 = arith.constant 0 : index
      %swap3A_189 = tpu.vector_load %arg5[%swap3A, %swap3A_188] {strides = array<i32>} : memref<48x1024xf32, #tpu.memory_space<vmem>>, vector<16xf32>,
      tpu.vector_store %arg5[%swap3A, %swap3A_188], %select_n3A_39 {strides = array<i32>} : memref<48x1024xf32, #tpu.memory_space<vmem>>, vector<16xf32>,
      %add3A_190 = arith.constant 32 : i32
      %add3A_191 = arith.addi %add3A_190, %scan3A_184 : i32
      %swap3A_192 = arith.index_cast %add3A_191 : i32 to index
      %swap3A_193 = arith.constant 16 : index
      %swap3A_194 = tpu.vector_load %arg5[%swap3A_192, %swap3A_193] {strides = array<i32>} : memref<48x1024xf32, #tpu.memory_space<vmem>>, vector<16xf32>,
      tpu.vector_store %arg5[%swap3A_192, %swap3A_193], %broadcast_in_dim3A_41 {strides = array<i32>} : memref<48x1024xf32, #tpu.memory_space<vmem>>, vector<16xf32>,
      %add3A_195 = arith.constant 32 : i32
      %add3A_196 = arith.addi %add3A_195, %scan3A_184 : i32
      %swap3A_197 = arith.index_cast %add3A_196 : i32 to index
      %swap3A_198 = arith.constant 32 : index
      %swap3A_199 = tpu.vector_load %arg5[%swap3A_197, %swap3A_198] {strides = array<i32>} : memref<48x1024xf32, #tpu.memory_space<vmem>>, vector<16xf32>,
      tpu.vector_store %arg5[%swap3A_197, %swap3A_198], %broadcast_in_dim3A_41 {strides = array<i32>} : memref<48x1024xf32, #tpu.memory_space<vmem>>, vector<16xf32>,
      %add3A_200 = arith.constant 32 : i32
      %add3A_201 = arith.addi %add3A_200, %scan3A_184 : i32
      %swap3A_202 = arith.index_cast %add3A_201 : i32 to index
      %swap3A_203 = arith.constant 48 : index
      %swap3A_204 = tpu.vector_load %arg5[%swap3A_202, %swap3A_203] {strides = array<i32>} : memref<48x1024xf32, #tpu.memory_space<vmem>>, vector<16xf32>,
      tpu.vector_store %arg5[%swap3A_202, %swap3A_203], %broadcast_in_dim3A_41 {strides = array<i32>} : memref<48x1024xf32, #tpu.memory_space<vmem>>, vector<16xf32>,
      %add3A_205 = arith.constant 32 : i32
      %add3A_206 = arith.addi %add3A_205, %scan3A_184 : i32
      %swap3A_207 = arith.index_cast %add3A_206 : i32 to index
      %swap3A_208 = arith.constant 64 : index
      %swap3A_209 = tpu.vector_load %arg5[%swap3A_207, %swap3A_208] {strides = array<i32>} : memref<48x1024xf32, #tpu.memory_space<vmem>>, vector<16xf32>,
      tpu.vector_store %arg5[%swap3A_207, %swap3A_208], %broadcast_in_dim3A_41 {strides = array<i32>} : memref<48x1024xf32, #tpu.memory_space<vmem>>, vector<16xf32>,
      %add3A_210 = arith.constant 32 : i32
      %add3A_211 = arith.addi %add3A_210, %scan3A_184 : i32
      %swap3A_212 = arith.index_cast %add3A_211 : i32 to index
      %swap3A_213 = arith.constant 80 : index
      %swap3A_214 = tpu.vector_load %arg5[%swap3A_212, %swap3A_213] {strides = array<i32>} : memref<48x1024xf32, #tpu.memory_space<vmem>>, vector<16xf32>,
      tpu.vector_store %arg5[%swap3A_212, %swap3A_213], %broadcast_in_dim3A_41 {strides = array<i32>} : memref<48x1024xf32, #tpu.memory_space<vmem>>, vector<16xf32>,
      %add3A_215 = arith.constant 32 : i32
      %add3A_216 = arith.addi %add3A_215, %scan3A_184 : i32
      %swap3A_217 = arith.index_cast %add3A_216 : i32 to index
      %swap3A_218 = arith.constant 96 : index
      %swap3A_219 = tpu.vector_load %arg5[%swap3A_217, %swap3A_218] {strides = array<i32>} : memref<48x1024xf32, #tpu.memory_space<vmem>>, vector<16xf32>,
      tpu.vector_store %arg5[%swap3A_217, %swap3A_218], %broadcast_in_dim3A_41 {strides = array<i32>} : memref<48x1024xf32, #tpu.memory_space<vmem>>, vector<16xf32>,
      %add3A_220 = arith.constant 32 : i32
      %add3A_221 = arith.addi %add3A_220, %scan3A_184 : i32
      %swap3A_222 = arith.index_cast %add3A_221 : i32 to index
      %swap3A_223 = arith.constant 112 : index
      %swap3A_224 = tpu.vector_load %arg5[%swap3A_222, %swap3A_223] {strides = array<i32>} : memref<48x1024xf32, #tpu.memory_space<vmem>>, vector<16xf32>,
      tpu.vector_store %arg5[%swap3A_222, %swap3A_223], %broadcast_in_dim3A_41 {strides = array<i32>} : memref<48x1024xf32, #tpu.memory_space<vmem>>, vector<16xf32>,
      %add3A_225 = arith.constant 32 : i32
      %add3A_226 = arith.addi %add3A_225, %scan3A_184 : i32
      %swap3A_227 = arith.index_cast %add3A_226 : i32 to index
      %swap3A_228 = arith.constant 128 : index
      %swap3A_229 = tpu.vector_load %arg5[%swap3A_227, %swap3A_228] {strides = array<i32>} : memref<48x1024xf32, #tpu.memory_space<vmem>>, vector<16xf32>,
      tpu.vector_store %arg5[%swap3A_227, %swap3A_228], %broadcast_in_dim3A_41 {strides = array<i32>} : memref<48x1024xf32, #tpu.memory_space<vmem>>, vector<16xf32>,
      %add3A_230 = arith.constant 32 : i32
      %add3A_231 = arith.addi %add3A_230, %scan3A_184 : i32
      %swap3A_232 = arith.index_cast %add3A_231 : i32 to index
      %swap3A_233 = arith.constant 144 : index
      %swap3A_234 = tpu.vector_load %arg5[%swap3A_232, %swap3A_233] {strides = array<i32>} : memref<48x1024xf32, #tpu.memory_space<vmem>>, vector<16xf32>,
      tpu.vector_store %arg5[%swap3A_232, %swap3A_233], %broadcast_in_dim3A_41 {strides = array<i32>} : memref<48x1024xf32, #tpu.memory_space<vmem>>, vector<16xf32>,
      %add3A_235 = arith.constant 32 : i32
      %add3A_236 = arith.addi %add3A_235, %scan3A_184 : i32
      %swap3A_237 = arith.index_cast %add3A_236 : i32 to index
      %swap3A_238 = arith.constant 160 : index
      %swap3A_239 = tpu.vector_load %arg5[%swap3A_237, %swap3A_238] {strides = array<i32>} : memref<48x1024xf32, #tpu.memory_space<vmem>>, vector<16xf32>,
      tpu.vector_store %arg5[%swap3A_237, %swap3A_238], %broadcast_in_dim3A_41 {strides = array<i32>} : memref<48x1024xf32, #tpu.memory_space<vmem>>, vector<16xf32>,
      %add3A_240 = arith.constant 32 : i32
      %add3A_241 = arith.addi %add3A_240, %scan3A_184 : i32
      %swap3A_242 = arith.index_cast %add3A_241 : i32 to index
      %swap3A_243 = arith.constant 176 : index
      %swap3A_244 = tpu.vector_load %arg5[%swap3A_242, %swap3A_243] {strides = array<i32>} : memref<48x1024xf32, #tpu.memory_space<vmem>>, vector<16xf32>,
      tpu.vector_store %arg5[%swap3A_242, %swap3A_243], %broadcast_in_dim3A_41 {strides = array<i32>} : memref<48x1024xf32, #tpu.memory_space<vmem>>, vector<16xf32>,
      %add3A_245 = arith.constant 32 : i32
      %add3A_246 = arith.addi %add3A_245, %scan3A_184 : i32
      %swap3A_247 = arith.index_cast %add3A_246 : i32 to index
      %swap3A_248 = arith.constant 192 : index
      %swap3A_249 = tpu.vector_load %arg5[%swap3A_247, %swap3A_248] {strides = array<i32>} : memref<48x1024xf32, #tpu.memory_space<vmem>>, vector<16xf32>,
      tpu.vector_store %arg5[%swap3A_247, %swap3A_248], %broadcast_in_dim3A_41 {strides = array<i32>} : memref<48x1024xf32, #tpu.memory_space<vmem>>, vector<16xf32>,
      %add3A_250 = arith.constant 32 : i32
      %add3A_251 = arith.addi %add3A_250, %scan3A_184 : i32
      %swap3A_252 = arith.index_cast %add3A_251 : i32 to index
      %swap3A_253 = arith.constant 208 : index
      %swap3A_254 = tpu.vector_load %arg5[%swap3A_252, %swap3A_253] {strides = array<i32>} : memref<48x1024xf32, #tpu.memory_space<vmem>>, vector<16xf32>,
      tpu.vector_store %arg5[%swap3A_252, %swap3A_253], %broadcast_in_dim3A_41 {strides = array<i32>} : memref<48x1024xf32, #tpu.memory_space<vmem>>, vector<16xf32>,
      %add3A_255 = arith.constant 32 : i32
      %add3A_256 = arith.addi %add3A_255, %scan3A_184 : i32
      %swap3A_257 = arith.index_cast %add3A_256 : i32 to index
      %swap3A_258 = arith.constant 224 : index
      %swap3A_259 = tpu.vector_load %arg5[%swap3A_257, %swap3A_258] {strides = array<i32>} : memref<48x1024xf32, #tpu.memory_space<vmem>>, vector<16xf32>,
      tpu.vector_store %arg5[%swap3A_257, %swap3A_258], %broadcast_in_dim3A_41 {strides = array<i32>} : memref<48x1024xf32, #tpu.memory_space<vmem>>, vector<16xf32>,
      %add3A_260 = arith.constant 32 : i32
      %add3A_261 = arith.addi %add3A_260, %scan3A_184 : i32
      %swap3A_262 = arith.index_cast %add3A_261 : i32 to index
      %swap3A_263 = arith.constant 240 : index
      %swap3A_264 = tpu.vector_load %arg5[%swap3A_262, %swap3A_263] {strides = array<i32>} : memref<48x1024xf32, #tpu.memory_space<vmem>>, vector<16xf32>,
      tpu.vector_store %arg5[%swap3A_262, %swap3A_263], %broadcast_in_dim3A_41 {strides = array<i32>} : memref<48x1024xf32, #tpu.memory_space<vmem>>, vector<16xf32>,
      %add3A_265 = arith.constant 32 : i32
      %add3A_266 = arith.addi %add3A_265, %scan3A_184 : i32
      %swap3A_267 = arith.index_cast %add3A_266 : i32 to index
      %swap3A_268 = arith.constant 256 : index
      %swap3A_269 = tpu.vector_load %arg5[%swap3A_267, %swap3A_268] {strides = array<i32>} : memref<48x1024xf32, #tpu.memory_space<vmem>>, vector<16xf32>,
      tpu.vector_store %arg5[%swap3A_267, %swap3A_268], %broadcast_in_dim3A_41 {strides = array<i32>} : memref<48x1024xf32, #tpu.memory_space<vmem>>, vector<16xf32>,
      %add3A_270 = arith.constant 32 : i32
      %add3A_271 = arith.addi %add3A_270, %scan3A_184 : i32
      %swap3A_272 = arith.index_cast %add3A_271 : i32 to index
      %swap3A_273 = arith.constant 272 : index
      %swap3A_274 = tpu.vector_load %arg5[%swap3A_272, %swap3A_273] {strides = array<i32>} : memref<48x1024xf32, #tpu.memory_space<vmem>>, vector<16xf32>,
      tpu.vector_store %arg5[%swap3A_272, %swap3A_273], %broadcast_in_dim3A_41 {strides = array<i32>} : memref<48x1024xf32, #tpu.memory_space<vmem>>, vector<16xf32>,
      %add3A_275 = arith.constant 32 : i32
      %add3A_276 = arith.addi %add3A_275, %scan3A_184 : i32
      %swap3A_277 = arith.index_cast %add3A_276 : i32 to index
      %swap3A_278 = arith.constant 288 : index
      %swap3A_279 = tpu.vector_load %arg5[%swap3A_277, %swap3A_278] {strides = array<i32>} : memref<48x1024xf32, #tpu.memory_space<vmem>>, vector<16xf32>,
      tpu.vector_store %arg5[%swap3A_277, %swap3A_278], %broadcast_in_dim3A_41 {strides = array<i32>} : memref<48x1024xf32, #tpu.memory_space<vmem>>, vector<16xf32>,
      %add3A_280 = arith.constant 32 : i32
      %add3A_281 = arith.addi %add3A_280, %scan3A_184 : i32
      %swap3A_282 = arith.index_cast %add3A_281 : i32 to index
      %swap3A_283 = arith.constant 304 : index
      %swap3A_284 = tpu.vector_load %arg5[%swap3A_282, %swap3A_283] {strides = array<i32>} : memref<48x1024xf32, #tpu.memory_space<vmem>>, vector<16xf32>,
      tpu.vector_store %arg5[%swap3A_282, %swap3A_283], %broadcast_in_dim3A_41 {strides = array<i32>} : memref<48x1024xf32, #tpu.memory_space<vmem>>, vector<16xf32>,
      %add3A_285 = arith.constant 32 : i32
      %add3A_286 = arith.addi %add3A_285, %scan3A_184 : i32
      %swap3A_287 = arith.index_cast %add3A_286 : i32 to index
      %swap3A_288 = arith.constant 320 : index
      %swap3A_289 = tpu.vector_load %arg5[%swap3A_287, %swap3A_288] {strides = array<i32>} : memref<48x1024xf32, #tpu.memory_space<vmem>>, vector<16xf32>,
      tpu.vector_store %arg5[%swap3A_287, %swap3A_288], %broadcast_in_dim3A_41 {strides = array<i32>} : memref<48x1024xf32, #tpu.memory_space<vmem>>, vector<16xf32>,
      %add3A_290 = arith.constant 32 : i32
      %add3A_291 = arith.addi %add3A_290, %scan3A_184 : i32
      %swap3A_292 = arith.index_cast %add3A_291 : i32 to index
      %swap3A_293 = arith.constant 336 : index
      %swap3A_294 = tpu.vector_load %arg5[%swap3A_292, %swap3A_293] {strides = array<i32>} : memref<48x1024xf32, #tpu.memory_space<vmem>>, vector<16xf32>,
      tpu.vector_store %arg5[%swap3A_292, %swap3A_293], %broadcast_in_dim3A_41 {strides = array<i32>} : memref<48x1024xf32, #tpu.memory_space<vmem>>, vector<16xf32>,
      %add3A_295 = arith.constant 32 : i32
      %add3A_296 = arith.addi %add3A_295, %scan3A_184 : i32
      %swap3A_297 = arith.index_cast %add3A_296 : i32 to index
      %swap3A_298 = arith.constant 352 : index
      %swap3A_299 = tpu.vector_load %arg5[%swap3A_297, %swap3A_298] {strides = array<i32>} : memref<48x1024xf32, #tpu.memory_space<vmem>>, vector<16xf32>,
      tpu.vector_store %arg5[%swap3A_297, %swap3A_298], %broadcast_in_dim3A_41 {strides = array<i32>} : memref<48x1024xf32, #tpu.memory_space<vmem>>, vector<16xf32>,
      %add3A_300 = arith.constant 32 : i32
      %add3A_301 = arith.addi %add3A_300, %scan3A_184 : i32
      %swap3A_302 = arith.index_cast %add3A_301 : i32 to index
      %swap3A_303 = arith.constant 368 : index
      %swap3A_304 = tpu.vector_load %arg5[%swap3A_302, %swap3A_303] {strides = array<i32>} : memref<48x1024xf32, #tpu.memory_space<vmem>>, vector<16xf32>,
      tpu.vector_store %arg5[%swap3A_302, %swap3A_303], %broadcast_in_dim3A_41 {strides = array<i32>} : memref<48x1024xf32, #tpu.memory_space<vmem>>, vector<16xf32>,
      %add3A_305 = arith.constant 32 : i32
      %add3A_306 = arith.addi %add3A_305, %scan3A_184 : i32
      %swap3A_307 = arith.index_cast %add3A_306 : i32 to index
      %swap3A_308 = arith.constant 384 : index
      %swap3A_309 = tpu.vector_load %arg5[%swap3A_307, %swap3A_308] {strides = array<i32>} : memref<48x1024xf32, #tpu.memory_space<vmem>>, vector<16xf32>,
      tpu.vector_store %arg5[%swap3A_307, %swap3A_308], %broadcast_in_dim3A_41 {strides = array<i32>} : memref<48x1024xf32, #tpu.memory_space<vmem>>, vector<16xf32>,
      %add3A_310 = arith.constant 32 : i32
      %add3A_311 = arith.addi %add3A_310, %scan3A_184 : i32
      %swap3A_312 = arith.index_cast %add3A_311 : i32 to index
      %swap3A_313 = arith.constant 400 : index
      %swap3A_314 = tpu.vector_load %arg5[%swap3A_312, %swap3A_313] {strides = array<i32>} : memref<48x1024xf32, #tpu.memory_space<vmem>>, vector<16xf32>,
      tpu.vector_store %arg5[%swap3A_312, %swap3A_313], %broadcast_in_dim3A_41 {strides = array<i32>} : memref<48x1024xf32, #tpu.memory_space<vmem>>, vector<16xf32>,
      %add3A_315 = arith.constant 32 : i32
      %add3A_316 = arith.addi %add3A_315, %scan3A_184 : i32
      %swap3A_317 = arith.index_cast %add3A_316 : i32 to index
      %swap3A_318 = arith.constant 416 : index
      %swap3A_319 = tpu.vector_load %arg5[%swap3A_317, %swap3A_318] {strides = array<i32>} : memref<48x1024xf32, #tpu.memory_space<vmem>>, vector<16xf32>,
      tpu.vector_store %arg5[%swap3A_317, %swap3A_318], %broadcast_in_dim3A_41 {strides = array<i32>} : memref<48x1024xf32, #tpu.memory_space<vmem>>, vector<16xf32>,
      %add3A_320 = arith.constant 32 : i32
      %add3A_321 = arith.addi %add3A_320, %scan3A_184 : i32
      %swap3A_322 = arith.index_cast %add3A_321 : i32 to index
      %swap3A_323 = arith.constant 432 : index
      %swap3A_324 = tpu.vector_load %arg5[%swap3A_322, %swap3A_323] {strides = array<i32>} : memref<48x1024xf32, #tpu.memory_space<vmem>>, vector<16xf32>,
      tpu.vector_store %arg5[%swap3A_322, %swap3A_323], %broadcast_in_dim3A_41 {strides = array<i32>} : memref<48x1024xf32, #tpu.memory_space<vmem>>, vector<16xf32>,
      %add3A_325 = arith.constant 32 : i32
      %add3A_326 = arith.addi %add3A_325, %scan3A_184 : i32
      %swap3A_327 = arith.index_cast %add3A_326 : i32 to index
      %swap3A_328 = arith.constant 448 : index
      %swap3A_329 = tpu.vector_load %arg5[%swap3A_327, %swap3A_328] {strides = array<i32>} : memref<48x1024xf32, #tpu.memory_space<vmem>>, vector<16xf32>,
      tpu.vector_store %arg5[%swap3A_327, %swap3A_328], %broadcast_in_dim3A_41 {strides = array<i32>} : memref<48x1024xf32, #tpu.memory_space<vmem>>, vector<16xf32>,
      %add3A_330 = arith.constant 32 : i32
      %add3A_331 = arith.addi %add3A_330, %scan3A_184 : i32
      %swap3A_332 = arith.index_cast %add3A_331 : i32 to index
      %swap3A_333 = arith.constant 464 : index
      %swap3A_334 = tpu.vector_load %arg5[%swap3A_332, %swap3A_333] {strides = array<i32>} : memref<48x1024xf32, #tpu.memory_space<vmem>>, vector<16xf32>,
      tpu.vector_store %arg5[%swap3A_332, %swap3A_333], %broadcast_in_dim3A_41 {strides = array<i32>} : memref<48x1024xf32, #tpu.memory_space<vmem>>, vector<16xf32>,
      %add3A_335 = arith.constant 32 : i32
      %add3A_336 = arith.addi %add3A_335, %scan3A_184 : i32
      %swap3A_337 = arith.index_cast %add3A_336 : i32 to index
      %swap3A_338 = arith.constant 480 : index
      %swap3A_339 = tpu.vector_load %arg5[%swap3A_337, %swap3A_338] {strides = array<i32>} : memref<48x1024xf32, #tpu.memory_space<vmem>>, vector<16xf32>,
      tpu.vector_store %arg5[%swap3A_337, %swap3A_338], %broadcast_in_dim3A_41 {strides = array<i32>} : memref<48x1024xf32, #tpu.memory_space<vmem>>, vector<16xf32>,
      %add3A_340 = arith.constant 32 : i32
      %add3A_341 = arith.addi %add3A_340, %scan3A_184 : i32
      %swap3A_342 = arith.index_cast %add3A_341 : i32 to index
      %swap3A_343 = arith.constant 496 : index
      %swap3A_344 = tpu.vector_load %arg5[%swap3A_342, %swap3A_343] {strides = array<i32>} : memref<48x1024xf32, #tpu.memory_space<vmem>>, vector<16xf32>,
      tpu.vector_store %arg5[%swap3A_342, %swap3A_343], %broadcast_in_dim3A_41 {strides = array<i32>} : memref<48x1024xf32, #tpu.memory_space<vmem>>, vector<16xf32>,
      %add3A_345 = arith.constant 32 : i32
      %add3A_346 = arith.addi %add3A_345, %scan3A_184 : i32
      %swap3A_347 = arith.index_cast %add3A_346 : i32 to index
      %swap3A_348 = arith.constant 512 : index
      %swap3A_349 = tpu.vector_load %arg5[%swap3A_347, %swap3A_348] {strides = array<i32>} : memref<48x1024xf32, #tpu.memory_space<vmem>>, vector<16xf32>,
      tpu.vector_store %arg5[%swap3A_347, %swap3A_348], %broadcast_in_dim3A_41 {strides = array<i32>} : memref<48x1024xf32, #tpu.memory_space<vmem>>, vector<16xf32>,
      %add3A_350 = arith.constant 32 : i32
      %add3A_351 = arith.addi %add3A_350, %scan3A_184 : i32
      %swap3A_352 = arith.index_cast %add3A_351 : i32 to index
      %swap3A_353 = arith.constant 528 : index
      %swap3A_354 = tpu.vector_load %arg5[%swap3A_352, %swap3A_353] {strides = array<i32>} : memref<48x1024xf32, #tpu.memory_space<vmem>>, vector<16xf32>,
      tpu.vector_store %arg5[%swap3A_352, %swap3A_353], %broadcast_in_dim3A_41 {strides = array<i32>} : memref<48x1024xf32, #tpu.memory_space<vmem>>, vector<16xf32>,
      %add3A_355 = arith.constant 32 : i32
      %add3A_356 = arith.addi %add3A_355, %scan3A_184 : i32
      %swap3A_357 = arith.index_cast %add3A_356 : i32 to index
      %swap3A_358 = arith.constant 544 : index
      %swap3A_359 = tpu.vector_load %arg5[%swap3A_357, %swap3A_358] {strides = array<i32>} : memref<48x1024xf32, #tpu.memory_space<vmem>>, vector<16xf32>,
      tpu.vector_store %arg5[%swap3A_357, %swap3A_358], %broadcast_in_dim3A_41 {strides = array<i32>} : memref<48x1024xf32, #tpu.memory_space<vmem>>, vector<16xf32>,
      %add3A_360 = arith.constant 32 : i32
      %add3A_361 = arith.addi %add3A_360, %scan3A_184 : i32
      %swap3A_362 = arith.index_cast %add3A_361 : i32 to index
      %swap3A_363 = arith.constant 560 : index
      %swap3A_364 = tpu.vector_load %arg5[%swap3A_362, %swap3A_363] {strides = array<i32>} : memref<48x1024xf32, #tpu.memory_space<vmem>>, vector<16xf32>,
      tpu.vector_store %arg5[%swap3A_362, %swap3A_363], %broadcast_in_dim3A_41 {strides = array<i32>} : memref<48x1024xf32, #tpu.memory_space<vmem>>, vector<16xf32>,
      %add3A_365 = arith.constant 32 : i32
      %add3A_366 = arith.addi %add3A_365, %scan3A_184 : i32
      %swap3A_367 = arith.index_cast %add3A_366 : i32 to index
      %swap3A_368 = arith.constant 576 : index
      %swap3A_369 = tpu.vector_load %arg5[%swap3A_367, %swap3A_368] {strides = array<i32>} : memref<48x1024xf32, #tpu.memory_space<vmem>>, vector<16xf32>,
      tpu.vector_store %arg5[%swap3A_367, %swap3A_368], %broadcast_in_dim3A_41 {strides = array<i32>} : memref<48x1024xf32, #tpu.memory_space<vmem>>, vector<16xf32>,
      %add3A_370 = arith.constant 32 : i32
      %add3A_371 = arith.addi %add3A_370, %scan3A_184 : i32
      %swap3A_372 = arith.index_cast %add3A_371 : i32 to index
      %swap3A_373 = arith.constant 592 : index
      %swap3A_374 = tpu.vector_load %arg5[%swap3A_372, %swap3A_373] {strides = array<i32>} : memref<48x1024xf32, #tpu.memory_space<vmem>>, vector<16xf32>,
      tpu.vector_store %arg5[%swap3A_372, %swap3A_373], %broadcast_in_dim3A_41 {strides = array<i32>} : memref<48x1024xf32, #tpu.memory_space<vmem>>, vector<16xf32>,
      %add3A_375 = arith.constant 32 : i32
      %add3A_376 = arith.addi %add3A_375, %scan3A_184 : i32
      %swap3A_377 = arith.index_cast %add3A_376 : i32 to index
      %swap3A_378 = arith.constant 608 : index
      %swap3A_379 = tpu.vector_load %arg5[%swap3A_377, %swap3A_378] {strides = array<i32>} : memref<48x1024xf32, #tpu.memory_space<vmem>>, vector<16xf32>,
      tpu.vector_store %arg5[%swap3A_377, %swap3A_378], %broadcast_in_dim3A_41 {strides = array<i32>} : memref<48x1024xf32, #tpu.memory_space<vmem>>, vector<16xf32>,
      %add3A_380 = arith.constant 32 : i32
      %add3A_381 = arith.addi %add3A_380, %scan3A_184 : i32
      %swap3A_382 = arith.index_cast %add3A_381 : i32 to index
      %swap3A_383 = arith.constant 624 : index
      %swap3A_384 = tpu.vector_load %arg5[%swap3A_382, %swap3A_383] {strides = array<i32>} : memref<48x1024xf32, #tpu.memory_space<vmem>>, vector<16xf32>,
      tpu.vector_store %arg5[%swap3A_382, %swap3A_383], %broadcast_in_dim3A_41 {strides = array<i32>} : memref<48x1024xf32, #tpu.memory_space<vmem>>, vector<16xf32>,
      %add3A_385 = arith.constant 32 : i32
      %add3A_386 = arith.addi %add3A_385, %scan3A_184 : i32
      %swap3A_387 = arith.index_cast %add3A_386 : i32 to index
      %swap3A_388 = arith.constant 640 : index
      %swap3A_389 = tpu.vector_load %arg5[%swap3A_387, %swap3A_388] {strides = array<i32>} : memref<48x1024xf32, #tpu.memory_space<vmem>>, vector<16xf32>,
      tpu.vector_store %arg5[%swap3A_387, %swap3A_388], %broadcast_in_dim3A_41 {strides = array<i32>} : memref<48x1024xf32, #tpu.memory_space<vmem>>, vector<16xf32>,
      %add3A_390 = arith.constant 32 : i32
      %add3A_391 = arith.addi %add3A_390, %scan3A_184 : i32
      %swap3A_392 = arith.index_cast %add3A_391 : i32 to index
      %swap3A_393 = arith.constant 656 : index
      %swap3A_394 = tpu.vector_load %arg5[%swap3A_392, %swap3A_393] {strides = array<i32>} : memref<48x1024xf32, #tpu.memory_space<vmem>>, vector<16xf32>,
      tpu.vector_store %arg5[%swap3A_392, %swap3A_393], %broadcast_in_dim3A_41 {strides = array<i32>} : memref<48x1024xf32, #tpu.memory_space<vmem>>, vector<16xf32>,
      %add3A_395 = arith.constant 32 : i32
      %add3A_396 = arith.addi %add3A_395, %scan3A_184 : i32
      %swap3A_397 = arith.index_cast %add3A_396 : i32 to index
      %swap3A_398 = arith.constant 672 : index
      %swap3A_399 = tpu.vector_load %arg5[%swap3A_397, %swap3A_398] {strides = array<i32>} : memref<48x1024xf32, #tpu.memory_space<vmem>>, vector<16xf32>,
      tpu.vector_store %arg5[%swap3A_397, %swap3A_398], %broadcast_in_dim3A_41 {strides = array<i32>} : memref<48x1024xf32, #tpu.memory_space<vmem>>, vector<16xf32>,
      %add3A_400 = arith.constant 32 : i32
      %add3A_401 = arith.addi %add3A_400, %scan3A_184 : i32
      %swap3A_402 = arith.index_cast %add3A_401 : i32 to index
      %swap3A_403 = arith.constant 688 : index
      %swap3A_404 = tpu.vector_load %arg5[%swap3A_402, %swap3A_403] {strides = array<i32>} : memref<48x1024xf32, #tpu.memory_space<vmem>>, vector<16xf32>,
      tpu.vector_store %arg5[%swap3A_402, %swap3A_403], %broadcast_in_dim3A_41 {strides = array<i32>} : memref<48x1024xf32, #tpu.memory_space<vmem>>, vector<16xf32>,
      %add3A_405 = arith.constant 32 : i32
      %add3A_406 = arith.addi %add3A_405, %scan3A_184 : i32
      %swap3A_407 = arith.index_cast %add3A_406 : i32 to index
      %swap3A_408 = arith.constant 704 : index
      %swap3A_409 = tpu.vector_load %arg5[%swap3A_407, %swap3A_408] {strides = array<i32>} : memref<48x1024xf32, #tpu.memory_space<vmem>>, vector<16xf32>,
      tpu.vector_store %arg5[%swap3A_407, %swap3A_408], %broadcast_in_dim3A_41 {strides = array<i32>} : memref<48x1024xf32, #tpu.memory_space<vmem>>, vector<16xf32>,
      %add3A_410 = arith.constant 32 : i32
      %add3A_411 = arith.addi %add3A_410, %scan3A_184 : i32
      %swap3A_412 = arith.index_cast %add3A_411 : i32 to index
      %swap3A_413 = arith.constant 720 : index
      %swap3A_414 = tpu.vector_load %arg5[%swap3A_412, %swap3A_413] {strides = array<i32>} : memref<48x1024xf32, #tpu.memory_space<vmem>>, vector<16xf32>,
      tpu.vector_store %arg5[%swap3A_412, %swap3A_413], %broadcast_in_dim3A_41 {strides = array<i32>} : memref<48x1024xf32, #tpu.memory_space<vmem>>, vector<16xf32>,
      %add3A_415 = arith.constant 32 : i32
      %add3A_416 = arith.addi %add3A_415, %scan3A_184 : i32
      %swap3A_417 = arith.index_cast %add3A_416 : i32 to index
      %swap3A_418 = arith.constant 736 : index
      %swap3A_419 = tpu.vector_load %arg5[%swap3A_417, %swap3A_418] {strides = array<i32>} : memref<48x1024xf32, #tpu.memory_space<vmem>>, vector<16xf32>,
      tpu.vector_store %arg5[%swap3A_417, %swap3A_418], %broadcast_in_dim3A_41 {strides = array<i32>} : memref<48x1024xf32, #tpu.memory_space<vmem>>, vector<16xf32>,
      %add3A_420 = arith.constant 32 : i32
      %add3A_421 = arith.addi %add3A_420, %scan3A_184 : i32
      %swap3A_422 = arith.index_cast %add3A_421 : i32 to index
      %swap3A_423 = arith.constant 752 : index
      %swap3A_424 = tpu.vector_load %arg5[%swap3A_422, %swap3A_423] {strides = array<i32>} : memref<48x1024xf32, #tpu.memory_space<vmem>>, vector<16xf32>,
      tpu.vector_store %arg5[%swap3A_422, %swap3A_423], %broadcast_in_dim3A_41 {strides = array<i32>} : memref<48x1024xf32, #tpu.memory_space<vmem>>, vector<16xf32>,
      %add3A_425 = arith.constant 32 : i32
      %add3A_426 = arith.addi %add3A_425, %scan3A_184 : i32
      %swap3A_427 = arith.index_cast %add3A_426 : i32 to index
      %swap3A_428 = arith.constant 768 : index
      %swap3A_429 = tpu.vector_load %arg5[%swap3A_427, %swap3A_428] {strides = array<i32>} : memref<48x1024xf32, #tpu.memory_space<vmem>>, vector<16xf32>,
      tpu.vector_store %arg5[%swap3A_427, %swap3A_428], %broadcast_in_dim3A_41 {strides = array<i32>} : memref<48x1024xf32, #tpu.memory_space<vmem>>, vector<16xf32>,
      %add3A_430 = arith.constant 32 : i32
      %add3A_431 = arith.addi %add3A_430, %scan3A_184 : i32
      %swap3A_432 = arith.index_cast %add3A_431 : i32 to index
      %swap3A_433 = arith.constant 784 : index
      %swap3A_434 = tpu.vector_load %arg5[%swap3A_432, %swap3A_433] {strides = array<i32>} : memref<48x1024xf32, #tpu.memory_space<vmem>>, vector<16xf32>,
      tpu.vector_store %arg5[%swap3A_432, %swap3A_433], %broadcast_in_dim3A_41 {strides = array<i32>} : memref<48x1024xf32, #tpu.memory_space<vmem>>, vector<16xf32>,
      %add3A_435 = arith.constant 32 : i32
      %add3A_436 = arith.addi %add3A_435, %scan3A_184 : i32
      %swap3A_437 = arith.index_cast %add3A_436 : i32 to index
      %swap3A_438 = arith.constant 800 : index
      %swap3A_439 = tpu.vector_load %arg5[%swap3A_437, %swap3A_438] {strides = array<i32>} : memref<48x1024xf32, #tpu.memory_space<vmem>>, vector<16xf32>,
      tpu.vector_store %arg5[%swap3A_437, %swap3A_438], %broadcast_in_dim3A_41 {strides = array<i32>} : memref<48x1024xf32, #tpu.memory_space<vmem>>, vector<16xf32>,
      %add3A_440 = arith.constant 32 : i32
      %add3A_441 = arith.addi %add3A_440, %scan3A_184 : i32
      %swap3A_442 = arith.index_cast %add3A_441 : i32 to index
      %swap3A_443 = arith.constant 816 : index
      %swap3A_444 = tpu.vector_load %arg5[%swap3A_442, %swap3A_443] {strides = array<i32>} : memref<48x1024xf32, #tpu.memory_space<vmem>>, vector<16xf32>,
      tpu.vector_store %arg5[%swap3A_442, %swap3A_443], %broadcast_in_dim3A_41 {strides = array<i32>} : memref<48x1024xf32, #tpu.memory_space<vmem>>, vector<16xf32>,
      %add3A_445 = arith.constant 32 : i32
      %add3A_446 = arith.addi %add3A_445, %scan3A_184 : i32
      %swap3A_447 = arith.index_cast %add3A_446 : i32 to index
      %swap3A_448 = arith.constant 832 : index
      %swap3A_449 = tpu.vector_load %arg5[%swap3A_447, %swap3A_448] {strides = array<i32>} : memref<48x1024xf32, #tpu.memory_space<vmem>>, vector<16xf32>,
      tpu.vector_store %arg5[%swap3A_447, %swap3A_448], %broadcast_in_dim3A_41 {strides = array<i32>} : memref<48x1024xf32, #tpu.memory_space<vmem>>, vector<16xf32>,
      %add3A_450 = arith.constant 32 : i32
      %add3A_451 = arith.addi %add3A_450, %scan3A_184 : i32
      %swap3A_452 = arith.index_cast %add3A_451 : i32 to index
      %swap3A_453 = arith.constant 848 : index
      %swap3A_454 = tpu.vector_load %arg5[%swap3A_452, %swap3A_453] {strides = array<i32>} : memref<48x1024xf32, #tpu.memory_space<vmem>>, vector<16xf32>,
      tpu.vector_store %arg5[%swap3A_452, %swap3A_453], %broadcast_in_dim3A_41 {strides = array<i32>} : memref<48x1024xf32, #tpu.memory_space<vmem>>, vector<16xf32>,
      %add3A_455 = arith.constant 32 : i32
      %add3A_456 = arith.addi %add3A_455, %scan3A_184 : i32
      %swap3A_457 = arith.index_cast %add3A_456 : i32 to index
      %swap3A_458 = arith.constant 864 : index
      %swap3A_459 = tpu.vector_load %arg5[%swap3A_457, %swap3A_458] {strides = array<i32>} : memref<48x1024xf32, #tpu.memory_space<vmem>>, vector<16xf32>,
      tpu.vector_store %arg5[%swap3A_457, %swap3A_458], %broadcast_in_dim3A_41 {strides = array<i32>} : memref<48x1024xf32, #tpu.memory_space<vmem>>, vector<16xf32>,
      %add3A_460 = arith.constant 32 : i32
      %add3A_461 = arith.addi %add3A_460, %scan3A_184 : i32
      %swap3A_462 = arith.index_cast %add3A_461 : i32 to index
      %swap3A_463 = arith.constant 880 : index
      %swap3A_464 = tpu.vector_load %arg5[%swap3A_462, %swap3A_463] {strides = array<i32>} : memref<48x1024xf32, #tpu.memory_space<vmem>>, vector<16xf32>,
      tpu.vector_store %arg5[%swap3A_462, %swap3A_463], %broadcast_in_dim3A_41 {strides = array<i32>} : memref<48x1024xf32, #tpu.memory_space<vmem>>, vector<16xf32>,
      %add3A_465 = arith.constant 32 : i32
      %add3A_466 = arith.addi %add3A_465, %scan3A_184 : i32
      %swap3A_467 = arith.index_cast %add3A_466 : i32 to index
      %swap3A_468 = arith.constant 896 : index
      %swap3A_469 = tpu.vector_load %arg5[%swap3A_467, %swap3A_468] {strides = array<i32>} : memref<48x1024xf32, #tpu.memory_space<vmem>>, vector<16xf32>,
      tpu.vector_store %arg5[%swap3A_467, %swap3A_468], %broadcast_in_dim3A_41 {strides = array<i32>} : memref<48x1024xf32, #tpu.memory_space<vmem>>, vector<16xf32>,
      %add3A_470 = arith.constant 32 : i32
      %add3A_471 = arith.addi %add3A_470, %scan3A_184 : i32
      %swap3A_472 = arith.index_cast %add3A_471 : i32 to index
      %swap3A_473 = arith.constant 912 : index
      %swap3A_474 = tpu.vector_load %arg5[%swap3A_472, %swap3A_473] {strides = array<i32>} : memref<48x1024xf32, #tpu.memory_space<vmem>>, vector<16xf32>,
      tpu.vector_store %arg5[%swap3A_472, %swap3A_473], %broadcast_in_dim3A_41 {strides = array<i32>} : memref<48x1024xf32, #tpu.memory_space<vmem>>, vector<16xf32>,
      %add3A_475 = arith.constant 32 : i32
      %add3A_476 = arith.addi %add3A_475, %scan3A_184 : i32
      %swap3A_477 = arith.index_cast %add3A_476 : i32 to index
      %swap3A_478 = arith.constant 928 : index
      %swap3A_479 = tpu.vector_load %arg5[%swap3A_477, %swap3A_478] {strides = array<i32>} : memref<48x1024xf32, #tpu.memory_space<vmem>>, vector<16xf32>,
      tpu.vector_store %arg5[%swap3A_477, %swap3A_478], %broadcast_in_dim3A_41 {strides = array<i32>} : memref<48x1024xf32, #tpu.memory_space<vmem>>, vector<16xf32>,
      %add3A_480 = arith.constant 32 : i32
      %add3A_481 = arith.addi %add3A_480, %scan3A_184 : i32
      %swap3A_482 = arith.index_cast %add3A_481 : i32 to index
      %swap3A_483 = arith.constant 944 : index
      %swap3A_484 = tpu.vector_load %arg5[%swap3A_482, %swap3A_483] {strides = array<i32>} : memref<48x1024xf32, #tpu.memory_space<vmem>>, vector<16xf32>,
      tpu.vector_store %arg5[%swap3A_482, %swap3A_483], %broadcast_in_dim3A_41 {strides = array<i32>} : memref<48x1024xf32, #tpu.memory_space<vmem>>, vector<16xf32>,
      %add3A_485 = arith.constant 32 : i32
      %add3A_486 = arith.addi %add3A_485, %scan3A_184 : i32
      %swap3A_487 = arith.index_cast %add3A_486 : i32 to index
      %swap3A_488 = arith.constant 960 : index
      %swap3A_489 = tpu.vector_load %arg5[%swap3A_487, %swap3A_488] {strides = array<i32>} : memref<48x1024xf32, #tpu.memory_space<vmem>>, vector<16xf32>,
      tpu.vector_store %arg5[%swap3A_487, %swap3A_488], %broadcast_in_dim3A_41 {strides = array<i32>} : memref<48x1024xf32, #tpu.memory_space<vmem>>, vector<16xf32>,
      %add3A_490 = arith.constant 32 : i32
      %add3A_491 = arith.addi %add3A_490, %scan3A_184 : i32
      %swap3A_492 = arith.index_cast %add3A_491 : i32 to index
      %swap3A_493 = arith.constant 976 : index
      %swap3A_494 = tpu.vector_load %arg5[%swap3A_492, %swap3A_493] {strides = array<i32>} : memref<48x1024xf32, #tpu.memory_space<vmem>>, vector<16xf32>,
      tpu.vector_store %arg5[%swap3A_492, %swap3A_493], %broadcast_in_dim3A_41 {strides = array<i32>} : memref<48x1024xf32, #tpu.memory_space<vmem>>, vector<16xf32>,
      %add3A_495 = arith.constant 32 : i32
      %add3A_496 = arith.addi %add3A_495, %scan3A_184 : i32
      %swap3A_497 = arith.index_cast %add3A_496 : i32 to index
      %swap3A_498 = arith.constant 992 : index
      %swap3A_499 = tpu.vector_load %arg5[%swap3A_497, %swap3A_498] {strides = array<i32>} : memref<48x1024xf32, #tpu.memory_space<vmem>>, vector<16xf32>,
      tpu.vector_store %arg5[%swap3A_497, %swap3A_498], %broadcast_in_dim3A_41 {strides = array<i32>} : memref<48x1024xf32, #tpu.memory_space<vmem>>, vector<16xf32>,
      %add3A_500 = arith.constant 32 : i32
      %add3A_501 = arith.addi %add3A_500, %scan3A_184 : i32
      %swap3A_502 = arith.index_cast %add3A_501 : i32 to index
      %swap3A_503 = arith.constant 1008 : index
      %swap3A_504 = tpu.vector_load %arg5[%swap3A_502, %swap3A_503] {strides = array<i32>} : memref<48x1024xf32, #tpu.memory_space<vmem>>, vector<16xf32>,
      tpu.vector_store %arg5[%swap3A_502, %swap3A_503], %broadcast_in_dim3A_41 {strides = array<i32>} : memref<48x1024xf32, #tpu.memory_space<vmem>>, vector<16xf32>,
      %scan3A_505 = arith.constant 0 : i32
      scf.yield %scan3A_505 : i32
    }
    %scan3A_48 = arith.constant 16 : i32
    %scan3A_49 = arith.constant 0 : i32
    %scan3A_50 = arith.constant 0 : i32
    %scan3A_51 = arith.constant 0 : i32
    %scan3A_52 = arith.constant -1 : i32
    %scan3A_53 = arith.constant -1 : i32
    %scan3A_54 = arith.constant -1 : i32
    %scan3A_55 = arith.constant 0 : i32
    %scan3A_56 = arith.constant 32 : i32
    %scan3A_57 = arith.addi %scan3A_55, %scan3A_56 : i32
    %scan3A_58 = arith.constant 1 : i32
    %scan3A_59:6 = scf.for %scan3A_184 = %scan3A_55 to %scan3A_57 step %scan3A_58 iter_args(%scan3A_185 = %scan3A_49, %scan3A_186 = %scan3A_50, %scan3A_187 = %scan3A_51, %scan3A_188 = %scan3A_52, %scan3A_189 = %scan3A_53, %scan3A_190 = %scan3A_54) -> (i32, i32, i32, i32, i32, i32)  : i32 {
      %mul3A_191 = arith.constant 16 : i32
      %mul3A_192 = arith.muli %scan3A_184, %mul3A_191 : i32
      %get3A = arith.index_cast %mul3A_192 : i32 to index
      %get3A_193 = tpu.vector_load %arg4[%get3A] {strides = array<i32>} : memref<512xi32, #tpu.memory_space<vmem>>, vector<16xi32>,
      %mul3A_194 = arith.constant 16 : i32
      %mul3A_195 = arith.muli %scan3A_184, %mul3A_194 : i32
      %add3A_196 = arith.addi %mul3A_2, %mul3A_195 : i32
      %add3A_197 = vector.broadcast %add3A_196 : i32 to vector<16xi32>
      %add3A_198 = arith.addi %add3A_197, %iota3A : vector<16xi32>
      %add3A_199 = arith.constant 2 : i32
      %add3A_200 = vector.broadcast %add3A_199 : i32 to vector<16xi32>
      %add3A_201 = arith.addi %get3A_193, %add3A_200 : vector<16xi32>
      %rem3A_202 = arith.constant 3 : i32
      %rem3A_203 = vector.broadcast %rem3A_202 : i32 to vector<16xi32>
      %rem3A_204 = arith.remsi %add3A_201, %rem3A_203 : vector<16xi32>
      %eq3A_205 = arith.constant 0 : i32
      %eq3A_206 = vector.broadcast %eq3A_205 : i32 to vector<16xi32>
      %eq3A_207 = arith.cmpi eq, %rem3A_204, %eq3A_206 : vector<16xi32>
      %convert_element_type3A = arith.extui %eq3A_207 : vector<16xi1> to vector<16xi32>
      %broadcast_in_dim3A_208 = arith.constant true
      %broadcast_in_dim3A_209 = vector.broadcast %broadcast_in_dim3A_208 : i1 to vector<16xi1>
      %masked_cumsum3A = tpu.scan <sum>, %convert_element_type3A masked %broadcast_in_dim3A_209 : vector<16xi32>, vector<16xi1> -> vector<16xi32>
      %add3A_210 = vector.broadcast %scan3A_185 : i32 to vector<16xi32>
      %add3A_211 = arith.addi %add3A_210, %masked_cumsum3A : vector<16xi32>
      %sub3A_212 = arith.constant 1 : i32
      %sub3A_213 = vector.broadcast %sub3A_212 : i32 to vector<16xi32>
      %sub3A_214 = arith.subi %add3A_211, %sub3A_213 : vector<16xi32>
      %broadcast_in_dim3A_215 = arith.constant 0 : i32
      %broadcast_in_dim3A_216 = vector.broadcast %broadcast_in_dim3A_215 : i32 to vector<16xi32>
      tpu.vector_store_idx %arg6[%broadcast_in_dim3A_216, %sub3A_214], %add3A_198 masked %eq3A_207 : memref<3x512xi32, #tpu.memory_space<vmem>>[vector<16xi32>, vector<16xi32>], vector<16xi32>, vector<16xi1>
      %reduce_sum3A = arith.constant true
      %reduce_sum3A_217 = vector.broadcast %reduce_sum3A : i1 to vector<16xi1>
      %reduce_sum3A_218 = tpu.scan <sum>, %convert_element_type3A masked %reduce_sum3A_217 : vector<16xi32>, vector<16xi1> -> vector<16xi32>
      %reduce_sum3A_219 = vector.extract %reduce_sum3A_218[15] : i32 from vector<16xi32>
      %add3A_220 = arith.addi %scan3A_185, %reduce_sum3A_219 : i32
      %jit3A_221 = arith.constant -1 : i32
      %broadcast_in_dim3A_222 = vector.broadcast %jit3A_221 : i32 to vector<16xi32>
      %select_n3A_223 = arith.select %eq3A_207, %add3A_198, %broadcast_in_dim3A_222 : vector<16xi1>, vector<16xi32>
      %reduce_max3A = arith.constant true
      %reduce_max3A_224 = vector.broadcast %reduce_max3A : i1 to vector<16xi1>
      %reduce_max3A_225 = arith.constant -2147483648 : i32
      %reduce_max3A_226 = vector.broadcast %reduce_max3A_225 : i32 to vector<16xi32>
      %reduce_max3A_227 = arith.xori %select_n3A_223, %reduce_max3A_226 : vector<16xi32>
      %reduce_max3A_228 = tpu.scan <max>, %reduce_max3A_227 masked %reduce_max3A_224 : vector<16xi32>, vector<16xi1> -> vector<16xi32>
      %reduce_max3A_229 = arith.xori %reduce_max3A_228, %reduce_max3A_226 : vector<16xi32>
      %reduce_max3A_230 = vector.extract %reduce_max3A_229[15] : i32 from vector<16xi32>
      %max3A = arith.maxsi %scan3A_188, %reduce_max3A_230 : i32
      %eq3A_231 = arith.constant 1 : i32
      %eq3A_232 = vector.broadcast %eq3A_231 : i32 to vector<16xi32>
      %eq3A_233 = arith.cmpi eq, %rem3A_204, %eq3A_232 : vector<16xi32>
      %convert_element_type3A_234 = arith.extui %eq3A_233 : vector<16xi1> to vector<16xi32>
      %broadcast_in_dim3A_235 = arith.constant true
      %broadcast_in_dim3A_236 = vector.broadcast %broadcast_in_dim3A_235 : i1 to vector<16xi1>
      %masked_cumsum3A_237 = tpu.scan <sum>, %convert_element_type3A_234 masked %broadcast_in_dim3A_236 : vector<16xi32>, vector<16xi1> -> vector<16xi32>
      %add3A_238 = vector.broadcast %scan3A_186 : i32 to vector<16xi32>
      %add3A_239 = arith.addi %add3A_238, %masked_cumsum3A_237 : vector<16xi32>
      %sub3A_240 = arith.constant 1 : i32
      %sub3A_241 = vector.broadcast %sub3A_240 : i32 to vector<16xi32>
      %sub3A_242 = arith.subi %add3A_239, %sub3A_241 : vector<16xi32>
      %broadcast_in_dim3A_243 = arith.constant 1 : i32
      %broadcast_in_dim3A_244 = vector.broadcast %broadcast_in_dim3A_243 : i32 to vector<16xi32>
      tpu.vector_store_idx %arg6[%broadcast_in_dim3A_244, %sub3A_242], %add3A_198 masked %eq3A_233 : memref<3x512xi32, #tpu.memory_space<vmem>>[vector<16xi32>, vector<16xi32>], vector<16xi32>, vector<16xi1>
      %reduce_sum3A_245 = arith.constant true
      %reduce_sum3A_246 = vector.broadcast %reduce_sum3A_245 : i1 to vector<16xi1>
      %reduce_sum3A_247 = tpu.scan <sum>, %convert_element_type3A_234 masked %reduce_sum3A_246 : vector<16xi32>, vector<16xi1> -> vector<16xi32>
      %reduce_sum3A_248 = vector.extract %reduce_sum3A_247[15] : i32 from vector<16xi32>
      %add3A_249 = arith.addi %scan3A_186, %reduce_sum3A_248 : i32
      %jit3A_250 = arith.constant -1 : i32
      %broadcast_in_dim3A_251 = vector.broadcast %jit3A_250 : i32 to vector<16xi32>
      %select_n3A_252 = arith.select %eq3A_233, %add3A_198, %broadcast_in_dim3A_251 : vector<16xi1>, vector<16xi32>
      %reduce_max3A_253 = arith.constant true
      %reduce_max3A_254 = vector.broadcast %reduce_max3A_253 : i1 to vector<16xi1>
      %reduce_max3A_255 = arith.constant -2147483648 : i32
      %reduce_max3A_256 = vector.broadcast %reduce_max3A_255 : i32 to vector<16xi32>
      %reduce_max3A_257 = arith.xori %select_n3A_252, %reduce_max3A_256 : vector<16xi32>
      %reduce_max3A_258 = tpu.scan <max>, %reduce_max3A_257 masked %reduce_max3A_254 : vector<16xi32>, vector<16xi1> -> vector<16xi32>
      %reduce_max3A_259 = arith.xori %reduce_max3A_258, %reduce_max3A_256 : vector<16xi32>
      %reduce_max3A_260 = vector.extract %reduce_max3A_259[15] : i32 from vector<16xi32>
      %max3A_261 = arith.maxsi %scan3A_189, %reduce_max3A_260 : i32
      %eq3A_262 = arith.constant 2 : i32
      %eq3A_263 = vector.broadcast %eq3A_262 : i32 to vector<16xi32>
      %eq3A_264 = arith.cmpi eq, %rem3A_204, %eq3A_263 : vector<16xi32>
      %convert_element_type3A_265 = arith.extui %eq3A_264 : vector<16xi1> to vector<16xi32>
      %broadcast_in_dim3A_266 = arith.constant true
      %broadcast_in_dim3A_267 = vector.broadcast %broadcast_in_dim3A_266 : i1 to vector<16xi1>
      %masked_cumsum3A_268 = tpu.scan <sum>, %convert_element_type3A_265 masked %broadcast_in_dim3A_267 : vector<16xi32>, vector<16xi1> -> vector<16xi32>
      %add3A_269 = vector.broadcast %scan3A_187 : i32 to vector<16xi32>
      %add3A_270 = arith.addi %add3A_269, %masked_cumsum3A_268 : vector<16xi32>
      %sub3A_271 = arith.constant 1 : i32
      %sub3A_272 = vector.broadcast %sub3A_271 : i32 to vector<16xi32>
      %sub3A_273 = arith.subi %add3A_270, %sub3A_272 : vector<16xi32>
      %broadcast_in_dim3A_274 = arith.constant 2 : i32
      %broadcast_in_dim3A_275 = vector.broadcast %broadcast_in_dim3A_274 : i32 to vector<16xi32>
      tpu.vector_store_idx %arg6[%broadcast_in_dim3A_275, %sub3A_273], %add3A_198 masked %eq3A_264 : memref<3x512xi32, #tpu.memory_space<vmem>>[vector<16xi32>, vector<16xi32>], vector<16xi32>, vector<16xi1>
      %reduce_sum3A_276 = arith.constant true
      %reduce_sum3A_277 = vector.broadcast %reduce_sum3A_276 : i1 to vector<16xi1>
      %reduce_sum3A_278 = tpu.scan <sum>, %convert_element_type3A_265 masked %reduce_sum3A_277 : vector<16xi32>, vector<16xi1> -> vector<16xi32>
      %reduce_sum3A_279 = vector.extract %reduce_sum3A_278[15] : i32 from vector<16xi32>
      %add3A_280 = arith.addi %scan3A_187, %reduce_sum3A_279 : i32
      %jit3A_281 = arith.constant -1 : i32
      %broadcast_in_dim3A_282 = vector.broadcast %jit3A_281 : i32 to vector<16xi32>
      %select_n3A_283 = arith.select %eq3A_264, %add3A_198, %broadcast_in_dim3A_282 : vector<16xi1>, vector<16xi32>
      %reduce_max3A_284 = arith.constant true
      %reduce_max3A_285 = vector.broadcast %reduce_max3A_284 : i1 to vector<16xi1>
      %reduce_max3A_286 = arith.constant -2147483648 : i32
      %reduce_max3A_287 = vector.broadcast %reduce_max3A_286 : i32 to vector<16xi32>
      %reduce_max3A_288 = arith.xori %select_n3A_283, %reduce_max3A_287 : vector<16xi32>
      %reduce_max3A_289 = tpu.scan <max>, %reduce_max3A_288 masked %reduce_max3A_285 : vector<16xi32>, vector<16xi1> -> vector<16xi32>
      %reduce_max3A_290 = arith.xori %reduce_max3A_289, %reduce_max3A_287 : vector<16xi32>
      %reduce_max3A_291 = vector.extract %reduce_max3A_290[15] : i32 from vector<16xi32>
      %max3A_292 = arith.maxsi %scan3A_190, %reduce_max3A_291 : i32
      scf.yield %add3A_220, %add3A_249, %add3A_280, %max3A, %max3A_261, %max3A_292 : i32, i32, i32, i32, i32, i32
    }
    %scan3A_60 = arith.constant 32 : i32
    %add3A_61 = arith.constant 15 : i32
    %add3A_62 = arith.addi %scan3A_59#0, %add3A_61 : i32
    %jit3A_63 = arith.constant 16 : i32
    %div3A = arith.divsi %add3A_62, %jit3A_63 : i32
    %sign3A = arith.constant 0 : i32
    %sign3A_64 = arith.cmpi sgt, %add3A_62, %sign3A : i32
    %sign3A_65 = arith.extui %sign3A_64 : i1 to i32
    %sign3A_66 = arith.constant 0 : i32
    %sign3A_67 = arith.cmpi slt, %add3A_62, %sign3A_66 : i32
    %sign3A_68 = arith.extui %sign3A_67 : i1 to i32
    %sign3A_69 = arith.subi %sign3A_65, %sign3A_68 : i32
    %sign3A_70 = arith.constant 0 : i32
    %sign3A_71 = arith.cmpi sgt, %jit3A_63, %sign3A_70 : i32
    %sign3A_72 = arith.extui %sign3A_71 : i1 to i32
    %sign3A_73 = arith.constant 0 : i32
    %sign3A_74 = arith.cmpi slt, %jit3A_63, %sign3A_73 : i32
    %sign3A_75 = arith.extui %sign3A_74 : i1 to i32
    %sign3A_76 = arith.subi %sign3A_72, %sign3A_75 : i32
    %ne3A = arith.cmpi ne, %sign3A_69, %sign3A_76 : i32
    %rem3A = arith.remsi %add3A_62, %jit3A_63 : i32
    %ne3A_77 = arith.constant 0 : i32
    %ne3A_78 = arith.cmpi ne, %rem3A, %ne3A_77 : i32
    %and3A = arith.andi %ne3A, %ne3A_78 : i1
    %sub3A = arith.constant 1 : i32
    %sub3A_79 = arith.subi %div3A, %sub3A : i32
    %select_n3A_80 = arith.select %and3A, %sub3A_79, %div3A : i32
    %while3A = arith.constant 0 : i32
    %while3A_81 = arith.constant 0 : i32
    %while3A_82 = arith.subi %select_n3A_80, %while3A : i32
    %while3A_83 = arith.addi %while3A, %while3A_82 : i32
    %while3A_84 = arith.constant 1 : i32
    %while3A_85 = arith.divsi %while3A_82, %while3A_84 : i32
    %while3A_86 = arith.muli %while3A_85, %while3A_84 : i32
    %while3A_87 = arith.addi %while3A, %while3A_86 : i32
    %while3A_88 = arith.constant 1 : i32
    %while3A_89 = scf.for %while3A_184 = %while3A to %while3A_87 step %while3A_88 iter_args(%while3A_185 = %while3A_81) -> (i32)  : i32 {
      %mul3A_186 = arith.constant 16 : i32
      %mul3A_187 = arith.muli %while3A_184, %mul3A_186 : i32
      %get3A = arith.constant 0 : i32
      %get3A_188 = arith.index_cast %get3A : i32 to index
      %get3A_189 = arith.index_cast %mul3A_187 : i32 to index
      %get3A_190 = tpu.vector_load %arg6[%get3A_188, %get3A_189] {strides = array<i32>} : memref<3x512xi32, #tpu.memory_space<vmem>>, vector<16xi32>,
      %mul3A_191 = arith.constant 16 : i32
      %mul3A_192 = arith.muli %while3A_184, %mul3A_191 : i32
      %sub3A_193 = arith.subi %scan3A_59#0, %mul3A_192 : i32
      %lt3A = vector.broadcast %sub3A_193 : i32 to vector<16xi32>
      %lt3A_194 = arith.cmpi slt, %iota3A, %lt3A : vector<16xi32>
      %broadcast_in_dim3A_195 = vector.broadcast %scan3A_59#3 : i32 to vector<16xi32>
      %select_n3A_196 = arith.select %lt3A_194, %get3A_190, %broadcast_in_dim3A_195 : vector<16xi1>, vector<16xi32>
      %dma_start3A = arith.constant 0 : i32
      %dma_start3A_197 = arith.constant 0 : i32
      %dma_start3A_198 = tpu.memref_slice %arg5[%dma_start3A, %dma_start3A_197] : memref<48x1024xf32, #tpu.memory_space<vmem>> -> memref<16x1024xf32, #tpu.memory_space<vmem>>
      %dma_start3A_199 = arith.constant 0 : i32
      %dma_start3A_200 = arith.constant 0 : i32
      %dma_start3A_201 = tpu.memref_slice %arg3[%dma_start3A_199, %dma_start3A_200] : memref<16384x1024xf32, #tpu.memory_space<hbm>> -> memref<16384x1024xf32, #tpu.memory_space<hbm>>
      tpu.enqueue_indirect_dma source(%dma_start3A_198 : memref<16x1024xf32, #tpu.memory_space<vmem>>) target(%dma_start3A_201 : memref<16384x1024xf32, #tpu.memory_space<hbm>>) offsets(%select_n3A_196 : vector<16xi32>) semaphore(%arg7 : memref<!tpu.dma_semaphore, #tpu.memory_space<semaphore_mem>>)
      %while3A_202 = arith.constant 0 : i32
      scf.yield %while3A_202 : i32
    }
    %while3A_90 = arith.constant 1 : i32
    %while3A_91 = scf.for %while3A_184 = %while3A_87 to %while3A_83 step %while3A_90 iter_args(%while3A_185 = %while3A_89) -> (i32)  : i32 {
      %mul3A_186 = arith.constant 16 : i32
      %mul3A_187 = arith.muli %while3A_184, %mul3A_186 : i32
      %get3A = arith.constant 0 : i32
      %get3A_188 = arith.index_cast %get3A : i32 to index
      %get3A_189 = arith.index_cast %mul3A_187 : i32 to index
      %get3A_190 = tpu.vector_load %arg6[%get3A_188, %get3A_189] {strides = array<i32>} : memref<3x512xi32, #tpu.memory_space<vmem>>, vector<16xi32>,
      %mul3A_191 = arith.constant 16 : i32
      %mul3A_192 = arith.muli %while3A_184, %mul3A_191 : i32
      %sub3A_193 = arith.subi %scan3A_59#0, %mul3A_192 : i32
      %lt3A = vector.broadcast %sub3A_193 : i32 to vector<16xi32>
      %lt3A_194 = arith.cmpi slt, %iota3A, %lt3A : vector<16xi32>
      %broadcast_in_dim3A_195 = vector.broadcast %scan3A_59#3 : i32 to vector<16xi32>
      %select_n3A_196 = arith.select %lt3A_194, %get3A_190, %broadcast_in_dim3A_195 : vector<16xi1>, vector<16xi32>
      %dma_start3A = arith.constant 0 : i32
      %dma_start3A_197 = arith.constant 0 : i32
      %dma_start3A_198 = tpu.memref_slice %arg5[%dma_start3A, %dma_start3A_197] : memref<48x1024xf32, #tpu.memory_space<vmem>> -> memref<16x1024xf32, #tpu.memory_space<vmem>>
      %dma_start3A_199 = arith.constant 0 : i32
      %dma_start3A_200 = arith.constant 0 : i32
      %dma_start3A_201 = tpu.memref_slice %arg3[%dma_start3A_199, %dma_start3A_200] : memref<16384x1024xf32, #tpu.memory_space<hbm>> -> memref<16384x1024xf32, #tpu.memory_space<hbm>>
      tpu.enqueue_indirect_dma source(%dma_start3A_198 : memref<16x1024xf32, #tpu.memory_space<vmem>>) target(%dma_start3A_201 : memref<16384x1024xf32, #tpu.memory_space<hbm>>) offsets(%select_n3A_196 : vector<16xi32>) semaphore(%arg7 : memref<!tpu.dma_semaphore, #tpu.memory_space<semaphore_mem>>)
      %while3A_202 = arith.constant 0 : i32
      scf.yield %while3A_202 : i32
    }
    %add3A_92 = arith.constant 0 : i32
    %add3A_93 = arith.addi %add3A_92, %select_n3A_80 : i32
    %add3A_94 = arith.constant 15 : i32
    %add3A_95 = arith.addi %scan3A_59#1, %add3A_94 : i32
    %jit3A_96 = arith.constant 16 : i32
    %div3A_97 = arith.divsi %add3A_95, %jit3A_96 : i32
    %sign3A_98 = arith.constant 0 : i32
    %sign3A_99 = arith.cmpi sgt, %add3A_95, %sign3A_98 : i32
    %sign3A_100 = arith.extui %sign3A_99 : i1 to i32
    %sign3A_101 = arith.constant 0 : i32
    %sign3A_102 = arith.cmpi slt, %add3A_95, %sign3A_101 : i32
    %sign3A_103 = arith.extui %sign3A_102 : i1 to i32
    %sign3A_104 = arith.subi %sign3A_100, %sign3A_103 : i32
    %sign3A_105 = arith.constant 0 : i32
    %sign3A_106 = arith.cmpi sgt, %jit3A_96, %sign3A_105 : i32
    %sign3A_107 = arith.extui %sign3A_106 : i1 to i32
    %sign3A_108 = arith.constant 0 : i32
    %sign3A_109 = arith.cmpi slt, %jit3A_96, %sign3A_108 : i32
    %sign3A_110 = arith.extui %sign3A_109 : i1 to i32
    %sign3A_111 = arith.subi %sign3A_107, %sign3A_110 : i32
    %ne3A_112 = arith.cmpi ne, %sign3A_104, %sign3A_111 : i32
    %rem3A_113 = arith.remsi %add3A_95, %jit3A_96 : i32
    %ne3A_114 = arith.constant 0 : i32
    %ne3A_115 = arith.cmpi ne, %rem3A_113, %ne3A_114 : i32
    %and3A_116 = arith.andi %ne3A_112, %ne3A_115 : i1
    %sub3A_117 = arith.constant 1 : i32
    %sub3A_118 = arith.subi %div3A_97, %sub3A_117 : i32
    %select_n3A_119 = arith.select %and3A_116, %sub3A_118, %div3A_97 : i32
    %while3A_120 = arith.constant 0 : i32
    %while3A_121 = arith.constant 0 : i32
    %while3A_122 = arith.subi %select_n3A_119, %while3A_120 : i32
    %while3A_123 = arith.addi %while3A_120, %while3A_122 : i32
    %while3A_124 = arith.constant 1 : i32
    %while3A_125 = arith.divsi %while3A_122, %while3A_124 : i32
    %while3A_126 = arith.muli %while3A_125, %while3A_124 : i32
    %while3A_127 = arith.addi %while3A_120, %while3A_126 : i32
    %while3A_128 = arith.constant 1 : i32
    %while3A_129 = scf.for %while3A_184 = %while3A_120 to %while3A_127 step %while3A_128 iter_args(%while3A_185 = %while3A_121) -> (i32)  : i32 {
      %mul3A_186 = arith.constant 16 : i32
      %mul3A_187 = arith.muli %while3A_184, %mul3A_186 : i32
      %get3A = arith.constant 1 : i32
      %get3A_188 = arith.index_cast %get3A : i32 to index
      %get3A_189 = arith.index_cast %mul3A_187 : i32 to index
      %get3A_190 = tpu.vector_load %arg6[%get3A_188, %get3A_189] {strides = array<i32>} : memref<3x512xi32, #tpu.memory_space<vmem>>, vector<16xi32>,
      %mul3A_191 = arith.constant 16 : i32
      %mul3A_192 = arith.muli %while3A_184, %mul3A_191 : i32
      %sub3A_193 = arith.subi %scan3A_59#1, %mul3A_192 : i32
      %lt3A = vector.broadcast %sub3A_193 : i32 to vector<16xi32>
      %lt3A_194 = arith.cmpi slt, %iota3A, %lt3A : vector<16xi32>
      %broadcast_in_dim3A_195 = vector.broadcast %scan3A_59#4 : i32 to vector<16xi32>
      %select_n3A_196 = arith.select %lt3A_194, %get3A_190, %broadcast_in_dim3A_195 : vector<16xi1>, vector<16xi32>
      %dma_start3A = arith.constant 16 : i32
      %dma_start3A_197 = arith.constant 0 : i32
      %dma_start3A_198 = tpu.memref_slice %arg5[%dma_start3A, %dma_start3A_197] : memref<48x1024xf32, #tpu.memory_space<vmem>> -> memref<16x1024xf32, #tpu.memory_space<vmem>>
      %dma_start3A_199 = arith.constant 0 : i32
      %dma_start3A_200 = arith.constant 0 : i32
      %dma_start3A_201 = tpu.memref_slice %arg3[%dma_start3A_199, %dma_start3A_200] : memref<16384x1024xf32, #tpu.memory_space<hbm>> -> memref<16384x1024xf32, #tpu.memory_space<hbm>>
      tpu.enqueue_indirect_dma source(%dma_start3A_198 : memref<16x1024xf32, #tpu.memory_space<vmem>>) target(%dma_start3A_201 : memref<16384x1024xf32, #tpu.memory_space<hbm>>) offsets(%select_n3A_196 : vector<16xi32>) semaphore(%arg7 : memref<!tpu.dma_semaphore, #tpu.memory_space<semaphore_mem>>)
      %while3A_202 = arith.constant 0 : i32
      scf.yield %while3A_202 : i32
    }
    %while3A_130 = arith.constant 1 : i32
    %while3A_131 = scf.for %while3A_184 = %while3A_127 to %while3A_123 step %while3A_130 iter_args(%while3A_185 = %while3A_129) -> (i32)  : i32 {
      %mul3A_186 = arith.constant 16 : i32
      %mul3A_187 = arith.muli %while3A_184, %mul3A_186 : i32
      %get3A = arith.constant 1 : i32
      %get3A_188 = arith.index_cast %get3A : i32 to index
      %get3A_189 = arith.index_cast %mul3A_187 : i32 to index
      %get3A_190 = tpu.vector_load %arg6[%get3A_188, %get3A_189] {strides = array<i32>} : memref<3x512xi32, #tpu.memory_space<vmem>>, vector<16xi32>,
      %mul3A_191 = arith.constant 16 : i32
      %mul3A_192 = arith.muli %while3A_184, %mul3A_191 : i32
      %sub3A_193 = arith.subi %scan3A_59#1, %mul3A_192 : i32
      %lt3A = vector.broadcast %sub3A_193 : i32 to vector<16xi32>
      %lt3A_194 = arith.cmpi slt, %iota3A, %lt3A : vector<16xi32>
      %broadcast_in_dim3A_195 = vector.broadcast %scan3A_59#4 : i32 to vector<16xi32>
      %select_n3A_196 = arith.select %lt3A_194, %get3A_190, %broadcast_in_dim3A_195 : vector<16xi1>, vector<16xi32>
      %dma_start3A = arith.constant 16 : i32
      %dma_start3A_197 = arith.constant 0 : i32
      %dma_start3A_198 = tpu.memref_slice %arg5[%dma_start3A, %dma_start3A_197] : memref<48x1024xf32, #tpu.memory_space<vmem>> -> memref<16x1024xf32, #tpu.memory_space<vmem>>
      %dma_start3A_199 = arith.constant 0 : i32
      %dma_start3A_200 = arith.constant 0 : i32
      %dma_start3A_201 = tpu.memref_slice %arg3[%dma_start3A_199, %dma_start3A_200] : memref<16384x1024xf32, #tpu.memory_space<hbm>> -> memref<16384x1024xf32, #tpu.memory_space<hbm>>
      tpu.enqueue_indirect_dma source(%dma_start3A_198 : memref<16x1024xf32, #tpu.memory_space<vmem>>) target(%dma_start3A_201 : memref<16384x1024xf32, #tpu.memory_space<hbm>>) offsets(%select_n3A_196 : vector<16xi32>) semaphore(%arg7 : memref<!tpu.dma_semaphore, #tpu.memory_space<semaphore_mem>>)
      %while3A_202 = arith.constant 0 : i32
      scf.yield %while3A_202 : i32
    }
    %add3A_132 = arith.addi %add3A_93, %select_n3A_119 : i32
    %add3A_133 = arith.constant 15 : i32
    %add3A_134 = arith.addi %scan3A_59#2, %add3A_133 : i32
    %jit3A_135 = arith.constant 16 : i32
    %div3A_136 = arith.divsi %add3A_134, %jit3A_135 : i32
    %sign3A_137 = arith.constant 0 : i32
    %sign3A_138 = arith.cmpi sgt, %add3A_134, %sign3A_137 : i32
    %sign3A_139 = arith.extui %sign3A_138 : i1 to i32
    %sign3A_140 = arith.constant 0 : i32
    %sign3A_141 = arith.cmpi slt, %add3A_134, %sign3A_140 : i32
    %sign3A_142 = arith.extui %sign3A_141 : i1 to i32
    %sign3A_143 = arith.subi %sign3A_139, %sign3A_142 : i32
    %sign3A_144 = arith.constant 0 : i32
    %sign3A_145 = arith.cmpi sgt, %jit3A_135, %sign3A_144 : i32
    %sign3A_146 = arith.extui %sign3A_145 : i1 to i32
    %sign3A_147 = arith.constant 0 : i32
    %sign3A_148 = arith.cmpi slt, %jit3A_135, %sign3A_147 : i32
    %sign3A_149 = arith.extui %sign3A_148 : i1 to i32
    %sign3A_150 = arith.subi %sign3A_146, %sign3A_149 : i32
    %ne3A_151 = arith.cmpi ne, %sign3A_143, %sign3A_150 : i32
    %rem3A_152 = arith.remsi %add3A_134, %jit3A_135 : i32
    %ne3A_153 = arith.constant 0 : i32
    %ne3A_154 = arith.cmpi ne, %rem3A_152, %ne3A_153 : i32
    %and3A_155 = arith.andi %ne3A_151, %ne3A_154 : i1
    %sub3A_156 = arith.constant 1 : i32
    %sub3A_157 = arith.subi %div3A_136, %sub3A_156 : i32
    %select_n3A_158 = arith.select %and3A_155, %sub3A_157, %div3A_136 : i32
    %while3A_159 = arith.constant 0 : i32
    %while3A_160 = arith.constant 0 : i32
    %while3A_161 = arith.subi %select_n3A_158, %while3A_159 : i32
    %while3A_162 = arith.addi %while3A_159, %while3A_161 : i32
    %while3A_163 = arith.constant 1 : i32
    %while3A_164 = arith.divsi %while3A_161, %while3A_163 : i32
    %while3A_165 = arith.muli %while3A_164, %while3A_163 : i32
    %while3A_166 = arith.addi %while3A_159, %while3A_165 : i32
    %while3A_167 = arith.constant 1 : i32
    %while3A_168 = scf.for %while3A_184 = %while3A_159 to %while3A_166 step %while3A_167 iter_args(%while3A_185 = %while3A_160) -> (i32)  : i32 {
      %mul3A_186 = arith.constant 16 : i32
      %mul3A_187 = arith.muli %while3A_184, %mul3A_186 : i32
      %get3A = arith.constant 2 : i32
      %get3A_188 = arith.index_cast %get3A : i32 to index
      %get3A_189 = arith.index_cast %mul3A_187 : i32 to index
      %get3A_190 = tpu.vector_load %arg6[%get3A_188, %get3A_189] {strides = array<i32>} : memref<3x512xi32, #tpu.memory_space<vmem>>, vector<16xi32>,
      %mul3A_191 = arith.constant 16 : i32
      %mul3A_192 = arith.muli %while3A_184, %mul3A_191 : i32
      %sub3A_193 = arith.subi %scan3A_59#2, %mul3A_192 : i32
      %lt3A = vector.broadcast %sub3A_193 : i32 to vector<16xi32>
      %lt3A_194 = arith.cmpi slt, %iota3A, %lt3A : vector<16xi32>
      %broadcast_in_dim3A_195 = vector.broadcast %scan3A_59#5 : i32 to vector<16xi32>
      %select_n3A_196 = arith.select %lt3A_194, %get3A_190, %broadcast_in_dim3A_195 : vector<16xi1>, vector<16xi32>
      %dma_start3A = arith.constant 32 : i32
      %dma_start3A_197 = arith.constant 0 : i32
      %dma_start3A_198 = tpu.memref_slice %arg5[%dma_start3A, %dma_start3A_197] : memref<48x1024xf32, #tpu.memory_space<vmem>> -> memref<16x1024xf32, #tpu.memory_space<vmem>>
      %dma_start3A_199 = arith.constant 0 : i32
      %dma_start3A_200 = arith.constant 0 : i32
      %dma_start3A_201 = tpu.memref_slice %arg3[%dma_start3A_199, %dma_start3A_200] : memref<16384x1024xf32, #tpu.memory_space<hbm>> -> memref<16384x1024xf32, #tpu.memory_space<hbm>>
      tpu.enqueue_indirect_dma source(%dma_start3A_198 : memref<16x1024xf32, #tpu.memory_space<vmem>>) target(%dma_start3A_201 : memref<16384x1024xf32, #tpu.memory_space<hbm>>) offsets(%select_n3A_196 : vector<16xi32>) semaphore(%arg7 : memref<!tpu.dma_semaphore, #tpu.memory_space<semaphore_mem>>)
      %while3A_202 = arith.constant 0 : i32
      scf.yield %while3A_202 : i32
    }
    %while3A_169 = arith.constant 1 : i32
    %while3A_170 = scf.for %while3A_184 = %while3A_166 to %while3A_162 step %while3A_169 iter_args(%while3A_185 = %while3A_168) -> (i32)  : i32 {
      %mul3A_186 = arith.constant 16 : i32
      %mul3A_187 = arith.muli %while3A_184, %mul3A_186 : i32
      %get3A = arith.constant 2 : i32
      %get3A_188 = arith.index_cast %get3A : i32 to index
      %get3A_189 = arith.index_cast %mul3A_187 : i32 to index
      %get3A_190 = tpu.vector_load %arg6[%get3A_188, %get3A_189] {strides = array<i32>} : memref<3x512xi32, #tpu.memory_space<vmem>>, vector<16xi32>,
      %mul3A_191 = arith.constant 16 : i32
      %mul3A_192 = arith.muli %while3A_184, %mul3A_191 : i32
      %sub3A_193 = arith.subi %scan3A_59#2, %mul3A_192 : i32
      %lt3A = vector.broadcast %sub3A_193 : i32 to vector<16xi32>
      %lt3A_194 = arith.cmpi slt, %iota3A, %lt3A : vector<16xi32>
      %broadcast_in_dim3A_195 = vector.broadcast %scan3A_59#5 : i32 to vector<16xi32>
      %select_n3A_196 = arith.select %lt3A_194, %get3A_190, %broadcast_in_dim3A_195 : vector<16xi1>, vector<16xi32>
      %dma_start3A = arith.constant 32 : i32
      %dma_start3A_197 = arith.constant 0 : i32
      %dma_start3A_198 = tpu.memref_slice %arg5[%dma_start3A, %dma_start3A_197] : memref<48x1024xf32, #tpu.memory_space<vmem>> -> memref<16x1024xf32, #tpu.memory_space<vmem>>
      %dma_start3A_199 = arith.constant 0 : i32
      %dma_start3A_200 = arith.constant 0 : i32
      %dma_start3A_201 = tpu.memref_slice %arg3[%dma_start3A_199, %dma_start3A_200] : memref<16384x1024xf32, #tpu.memory_space<hbm>> -> memref<16384x1024xf32, #tpu.memory_space<hbm>>
      tpu.enqueue_indirect_dma source(%dma_start3A_198 : memref<16x1024xf32, #tpu.memory_space<vmem>>) target(%dma_start3A_201 : memref<16384x1024xf32, #tpu.memory_space<hbm>>) offsets(%select_n3A_196 : vector<16xi32>) semaphore(%arg7 : memref<!tpu.dma_semaphore, #tpu.memory_space<semaphore_mem>>)
      %while3A_202 = arith.constant 0 : i32
      scf.yield %while3A_202 : i32
    }
    %add3A_171 = arith.addi %add3A_132, %select_n3A_158 : i32
    %while3A_172 = arith.constant 0 : i32
    %while3A_173 = arith.constant 0 : i32
    %while3A_174 = arith.subi %add3A_171, %while3A_172 : i32
    %while3A_175 = arith.addi %while3A_172, %while3A_174 : i32
    %while3A_176 = arith.constant 1 : i32
    %while3A_177 = arith.divsi %while3A_174, %while3A_176 : i32
    %while3A_178 = arith.muli %while3A_177, %while3A_176 : i32
    %while3A_179 = arith.addi %while3A_172, %while3A_178 : i32
    %while3A_180 = arith.constant 1 : i32
    %while3A_181 = scf.for %while3A_184 = %while3A_172 to %while3A_179 step %while3A_180 iter_args(%while3A_185 = %while3A_173) -> (i32)  : i32 {
      %dma_wait3A = arith.constant 0 : i32
      %dma_wait3A_186 = arith.constant 0 : i32
      %dma_wait3A_187 = tpu.memref_slice %arg5[%dma_wait3A, %dma_wait3A_186] : memref<48x1024xf32, #tpu.memory_space<vmem>> -> memref<16x1024xf32, #tpu.memory_space<vmem>>
      %dma_wait3A_188 = arith.constant 0 : i32
      %dma_wait3A_189 = arith.constant 0 : i32
      %dma_wait3A_190 = tpu.memref_slice %arg3[%dma_wait3A_188, %dma_wait3A_189] : memref<16384x1024xf32, #tpu.memory_space<hbm>> -> memref<16x1024xf32, #tpu.memory_space<hbm>>
      %dma_wait3A_191 = arith.constant 0 : i32
      %dma_wait3A_192 = arith.constant 0 : i32
      %dma_wait3A_193 = tpu.memref_slice %arg5[%dma_wait3A_191, %dma_wait3A_192] : memref<48x1024xf32, #tpu.memory_space<vmem>> -> memref<16x1024xf32, #tpu.memory_space<vmem>>
      %dma_wait3A_194 = arith.constant 0 : i32
      %dma_wait3A_195 = arith.constant 0 : i32
      %dma_wait3A_196 = tpu.memref_slice %arg3[%dma_wait3A_194, %dma_wait3A_195] : memref<16384x1024xf32, #tpu.memory_space<hbm>> -> memref<16x1024xf32, #tpu.memory_space<hbm>>
      tpu.wait_dma2 semaphore(%arg7 : memref<!tpu.dma_semaphore, #tpu.memory_space<semaphore_mem>>) src(%dma_wait3A_196 : memref<16x1024xf32, #tpu.memory_space<hbm>>) dst(%dma_wait3A_193 : memref<16x1024xf32, #tpu.memory_space<vmem>>)
      %while3A_197 = arith.constant 0 : i32
      scf.yield %while3A_197 : i32
    }
    %while3A_182 = arith.constant 1 : i32
    %while3A_183 = scf.for %while3A_184 = %while3A_179 to %while3A_175 step %while3A_182 iter_args(%while3A_185 = %while3A_181) -> (i32)  : i32 {
      %dma_wait3A = arith.constant 0 : i32
      %dma_wait3A_186 = arith.constant 0 : i32
      %dma_wait3A_187 = tpu.memref_slice %arg5[%dma_wait3A, %dma_wait3A_186] : memref<48x1024xf32, #tpu.memory_space<vmem>> -> memref<16x1024xf32, #tpu.memory_space<vmem>>
      %dma_wait3A_188 = arith.constant 0 : i32
      %dma_wait3A_189 = arith.constant 0 : i32
      %dma_wait3A_190 = tpu.memref_slice %arg3[%dma_wait3A_188, %dma_wait3A_189] : memref<16384x1024xf32, #tpu.memory_space<hbm>> -> memref<16x1024xf32, #tpu.memory_space<hbm>>
      %dma_wait3A_191 = arith.constant 0 : i32
      %dma_wait3A_192 = arith.constant 0 : i32
      %dma_wait3A_193 = tpu.memref_slice %arg5[%dma_wait3A_191, %dma_wait3A_192] : memref<48x1024xf32, #tpu.memory_space<vmem>> -> memref<16x1024xf32, #tpu.memory_space<vmem>>
      %dma_wait3A_194 = arith.constant 0 : i32
      %dma_wait3A_195 = arith.constant 0 : i32
      %dma_wait3A_196 = tpu.memref_slice %arg3[%dma_wait3A_194, %dma_wait3A_195] : memref<16384x1024xf32, #tpu.memory_space<hbm>> -> memref<16x1024xf32, #tpu.memory_space<hbm>>
      tpu.wait_dma2 semaphore(%arg7 : memref<!tpu.dma_semaphore, #tpu.memory_space<semaphore_mem>>) src(%dma_wait3A_196 : memref<16x1024xf32, #tpu.memory_space<hbm>>) dst(%dma_wait3A_193 : memref<16x1024xf32, #tpu.memory_space<vmem>>)
      %while3A_197 = arith.constant 0 : i32
      scf.yield %while3A_197 : i32
    }
    return
  }
}

module attributes {stable_mosaic.version = 14 : i64} {
  func.func @_hidden_body(%arg0: i32, %arg1: memref<2048x1xi32, #tpu.memory_space<vmem>>, %arg2: memref<2048x1024xf32, #tpu.memory_space<vmem>>) attributes {dimension_semantics = [#tpu.dimension_semantics<arbitrary>], iteration_bounds = array<i64: 8>, scalar_prefetch = 0 : i64, scratch_operands = 0 : i64, tpu.core_type = #tpu.core_type<tc>, window_params = [{transform_indices = @transform_0, window_bounds = array<i64: 2048, 1>}, {transform_indices = @transform_1, window_bounds = array<i64: 2048, 1024>}]} {
    %get3A = arith.constant 0 : index
    %get3A_0 = arith.constant 0 : index
    %get3A_1 = vector.load %arg1[%get3A, %get3A_0] : memref<2048x1xi32, #tpu.memory_space<vmem>>, vector<2048x1xi32>
    %iota3A = tpu.iota {dimensions = array<i32: 1>} : vector<2048x1024xi32>
    %eq3A = vector.broadcast %get3A_1 : vector<2048x1xi32> to vector<2048x1024xi32>
    %eq3A_2 = arith.cmpi eq, %iota3A, %eq3A : vector<2048x1024xi32>
    %jit3A = arith.constant 1.000000e+00 : f32
    %jit3A_3 = arith.constant 0.000000e+00 : f32
    %broadcast_in_dim3A = vector.broadcast %jit3A : f32 to vector<2048x1024xf32>
    %broadcast_in_dim3A_4 = vector.broadcast %jit3A_3 : f32 to vector<2048x1024xf32>
    %select_n3A = arith.select %eq3A_2, %broadcast_in_dim3A, %broadcast_in_dim3A_4 : vector<2048x1024xi1>, vector<2048x1024xf32>
    %swap3A = arith.constant 0 : index
    %swap3A_5 = arith.constant 0 : index
    %swap3A_6 = vector.load %arg2[%swap3A, %swap3A_5] : memref<2048x1024xf32, #tpu.memory_space<vmem>>, vector<2048x1024xf32>
    tpu.vector_store %arg2[%swap3A, %swap3A_5], %select_n3A {strides = array<i32>} : memref<2048x1024xf32, #tpu.memory_space<vmem>>, vector<2048x1024xf32>,
    return
  }
  func.func @transform_0(%arg0: i32) -> (i32, i32) {
    %c0_i32 = arith.constant 0 : i32
    %c0_i32_0 = arith.constant 0 : i32
    return %arg0, %c0_i32 : i32, i32
  }
  func.func @transform_1(%arg0: i32) -> (i32, i32) {
    %c0_i32 = arith.constant 0 : i32
    %c0_i32_0 = arith.constant 0 : i32
    return %arg0, %c0_i32 : i32, i32
  }
}

</mosaic_0001>

<sc_bundles>
// kernel: kernel.4.cloned.1.call-start
scs
__scs_entry_jumppad:
0x0: {  	(pc) =	sbr.rel $0x88, $3  }
0x1: {  	(tag) =	ssettag $0x0;
	lr =	simm.s32 $0x1  }
0x2: {  	[smem:$0x3FA0] =	sst lr;
	_ =	strace $0xD0000000  }
0x3: {  	_ = 	snop  }
0x4: {  	_ = 	snop  }
0x5: {  	_ = 	snop  }
0x6: {  	_ = 	snop  }
0x7: {  	_ = 	snop  }
__scs_overlays_trampoline_lowered:
0x8: {  	[smem:$0x3FAF] =	sst s0  }
0x9: {  	[smem:$0x3FB0] =	sst s1  }
0xa: {  	[smem:$0x3FB1] =	sst s2  }
0xb: {  	[smem:$0x3FB2] =	sst s3  }
0xc: {  	[smem:$0x3FB3] =	sst s4  }
0xd: {  	[smem:$0x3FB4] =	sst s5  }
0xe: {  	[smem:$0x3FB5] =	sst s6  }
0xf: {  	[smem:$0x3FB6] =	sst s7  }
0x10: {  	[smem:$0x3FB7] =	sst s8  }
0x11: {  	[smem:$0x3FB8] =	sst s9;
	s0 =	simm.s32 @!p0 $0x0  }
0x12: {  	s1 =	sld [smem:$0x3F9E];
	s0 =	simm.s32 @p0 $0x1  }
0x13: {  	[smem:$0x3FB9] =	sst s0;
	s0 =	simm.s32 @!p1 $0x0  }
0x14: {  	s2 =	sld [smem:$0x3F9D];
	s0 =	simm.s32 @p1 $0x1  }
0x15: {  	[smem:$0x3FBA] =	sst s0;
	s0 =	simm.s32 @!p2 $0x0  }
0x16: {  	s3 =	sld [smem:$0x3FDB];
	s0 =	simm.s32 @p2 $0x1  }
0x17: {  	s4 =	simm.s32 $0x1BF5;
	[smem:$0x3FBC] =	sst s0  }
0x18: {  	s0 =	sld [smem:$0x3F9F];
	_ =	swait.ge [sflag:s4], $0x0  }
0x19: {  	s7 =	sld [smem:$0x3FA0]  }
0x1a: {  	s8 =	sadd.s32 $0xFFFFE003, lr  }
0x1b: {  	s9 =	sadd.s32 $0xFFFFFEF7, lr;
	s5 =	simm.s32 $0xFFFFFFFF;
	p2 =	slt.u32 s8, $0xFFFFF086  }
0x1c: {  	p1 =	slt.u32 s9, $0xF7A;
	s5 =	simm.s32 @!p2 $0x0  }
0x1d: {  	s5 =	simm.s32 @p1 $0x1;
	p0 =	seq.s32 s7, s2  }
0x1e: {  	s7 =	smul.u32 @!p0 $0xF7A, s2;
	p2 =	seq.s32 @!p0 s5, $0x0  }
0x1f: {  	s9 =	smul.u32 $0xF7A, s1;
	s8 =	simm.s32 @!p0 $0x1BF5;
	p2 =	por !p2, p0  }
0x20: {  	[sflag:s8] =	ssyncset.s32 @!p0 $0xFFFFF086;
	s6 =	sadd.s32 @!p0 s3, s7;
	s7 =	simm.s32 @!p0 $0x108  }
0x21: {  	s3 =	sadd.s32 s3, s9;
	s6 =	sadd.s32 @!p0 $0x88, s6;
	s7 =	simm.s32 @p2 $0x1082  }
0x22: {  	[simem:s7], [sflag:s8] =	dma.local @!p0 [hbm:s6], $0xF7A  }
0x23: {  	s9 =	sor.u32 $0xD0000000, s2;
	s6 =	simm.s32 $0x108;
	_ =	swait.ge @!p0 [sflag:s8], $0x0  }
0x24: {  	s3 =	sadd.s32 $0x88, s3;
	s6 =	simm.s32 @!p1 $0x1082;
	[sflag:s4] =	ssyncset.s32 $0xFFFFF086  }
0x25: {  	[simem:s6], [sflag:s4] =	dma.local [hbm:s3], $0xF7A  }
0x26: {  	[smem:$0x3FA0] =	sst s1;
	(tag) =	ssettag s2;
	_ =	strace s9  }
0x27: {  	s1 =	sld [smem:$0x3FB0]  }
0x28: {  	s2 =	sld [smem:$0x3FB1]  }
0x29: {  	s4 =	sld [smem:$0x3FB3]  }
0x2a: {  	p0 =	seq.s32 s5, $0x0;
	s5 =	sld [smem:$0x3FB4]  }
0x2b: {  	s6 =	sld [smem:$0x3FB5]  }
0x2c: {  	s7 =	sld [smem:$0x3FB6]  }
0x2d: {  	s3 =	simm.s32 $0x108;
	s8 =	sld [smem:$0x3FB7]  }
0x2e: {  	s3 =	simm.s32 @!p0 $0x1082;
	s9 =	sld [smem:$0x3FB8]  }
0x2f: {  	lr =	sadd.s32 s0, s3;
	s0 =	sld [smem:$0x3FAF]  }
0x30: {  	s3 =	sld [smem:$0x3FB2]  }
0x31: {  	[smem:$0x3FBB] =	sst s10  }
0x32: {  	s10 =	sld [smem:$0x3FB9];
	_ =	sdelay $0x3  }
0x33: {  	p0 =	seq.s32 s10, $0x1;
	s10 =	sld [smem:$0x3FBB];
	_ =	sdelay $0x3  }
0x34: {  	[smem:$0x3FBB] =	sst s10  }
0x35: {  	s10 =	sld [smem:$0x3FBA];
	_ =	sdelay $0x3  }
0x36: {  	p1 =	seq.s32 s10, $0x1;
	s10 =	sld [smem:$0x3FBB];
	_ =	sdelay $0x3  }
0x37: {  	[smem:$0x3FBB] =	sst s10  }
0x38: {  	s10 =	sld [smem:$0x3FBC]  }
0x39: {  	_ = 	snop;
	(pc) =	sbr.ind lr, $3  }
0x3a: {  	_ = 	snop  }
0x3b: {  	_ = 	snop  }
0x3c: {  	p2 =	seq.s32 s10, $0x1;
	s10 =	sld [smem:$0x3FBB]  }
0x3d: {  	_ =	shalt  }
0x3e: {  	_ =	shalt  }
0x3f: {  	_ =	shalt  }
0x40: {  	_ =	shalt  }
0x41: {  	_ =	shalt  }
0x42: {  	_ =	shalt  }
0x43: {  	_ =	shalt  }
0x44: {  	_ =	shalt  }
0x45: {  	_ =	shalt  }
0x46: {  	_ =	shalt  }
0x47: {  	_ =	shalt  }
0x48: {  	_ =	shalt  }
0x49: {  	_ =	shalt  }
0x4a: {  	_ =	shalt  }
0x4b: {  	_ =	shalt  }
0x4c: {  	_ =	shalt  }
0x4d: {  	_ =	shalt  }
0x4e: {  	_ =	shalt  }
0x4f: {  	_ =	shalt  }
0x50: {  	_ =	shalt  }
0x51: {  	_ =	shalt  }
0x52: {  	_ =	shalt  }
0x53: {  	_ =	shalt  }
0x54: {  	_ =	shalt  }
0x55: {  	_ =	shalt  }
0x56: {  	_ =	shalt  }
0x57: {  	_ =	shalt  }
0x58: {  	_ =	shalt  }
0x59: {  	_ =	shalt  }
0x5a: {  	_ =	shalt  }
0x5b: {  	_ =	shalt  }
0x5c: {  	_ =	shalt  }
0x5d: {  	_ =	shalt  }
0x5e: {  	_ =	shalt  }
0x5f: {  	_ =	shalt  }
0x60: {  	_ =	shalt  }
0x61: {  	_ =	shalt  }
0x62: {  	_ =	shalt  }
0x63: {  	_ =	shalt  }
0x64: {  	_ =	shalt  }
0x65: {  	_ =	shalt  }
0x66: {  	_ =	shalt  }
0x67: {  	_ =	shalt  }
0x68: {  	_ =	shalt  }
0x69: {  	_ =	shalt  }
0x6a: {  	_ =	shalt  }
0x6b: {  	_ =	shalt  }
0x6c: {  	_ =	shalt  }
0x6d: {  	_ =	shalt  }
0x6e: {  	_ =	shalt  }
0x6f: {  	_ =	shalt  }
0x70: {  	_ =	shalt  }
0x71: {  	_ =	shalt  }
0x72: {  	_ =	shalt  }
0x73: {  	_ =	shalt  }
0x74: {  	_ =	shalt  }
0x75: {  	_ =	shalt  }
0x76: {  	_ =	shalt  }
0x77: {  	_ =	shalt  }
0x78: {  	_ =	shalt  }
0x79: {  	_ =	shalt  }
0x7a: {  	_ =	shalt  }
0x7b: {  	_ =	shalt  }
0x7c: {  	_ =	shalt  }
0x7d: {  	_ =	shalt  }
0x7e: {  	_ =	shalt  }
0x7f: {  	_ =	shalt  }
0x80: {  	_ =	shalt  }
0x81: {  	_ =	shalt  }
0x82: {  	_ =	shalt  }
0x83: {  	_ =	shalt  }
0x84: {  	_ =	shalt  }
0x85: {  	_ =	shalt  }
0x86: {  	_ =	shalt  }
0x87: {  	_ =	shalt  }
.Lfunc_end0:
.L_simem_size_0:
called_computation_lowered:
.L_overlay_start_0:
0x88: {  	s2 =	sld [smem:$0x3FD9]  }
0x89: {  	s3 =	sld [smem:$0x3FFE];
	_ =	sdelay $0x1  }
0x8a: {  	s1 =	srdreg.scid  }
0x8b: {  	s0 =	sand.u32 $0x1, s1  }
0x8c: {  	s14 =	sshll.u32 s0, $0xA;
	s2 =	sadd.s32 s3, s2  }
0x8d: {  	s2 =	sadd.s32 s2, s14  }
0x8e: {  	[smem:$0x3FC7] =	sst s2  }
0x8f: {  	_ = 	snop  }
0x90: {  	s2 =	sld [smem:$0x3FD0];
	_ =	sdelay $0x2  }
0x91: {  	s15 =	simm.s32 $0xA;
	s4 =	simm.s32 $0x10  }
0x92: {  	[smem:s4], [sflag:s15] =	dma.local [hbm:s2], $0x1  }
0x93: {  	_ =	swait.eq [sflag:s15], $0x1  }
0x94: {  	[sflag:s15] =	ssyncset.done $0x0  }
0x95: {  	[sflag:s15] =	ssyncadd.s32 $0xFFFFFFFF  }
0x96: {  	s16 =	sld [smem:$0x10];
	(tm) =	ssettm $0x1  }
0x97: {  	s17 =	sld [smem:$0x3FFB];
	_ =	sdelay $0x3  }
0x98: {  	_ =	strace s17  }
0x99: {  	s3 =	sld [smem:$0x3FFC];
	_ =	sdelay $0x3  }
0x9a: {  	_ =	strace s3  }
0x9b: {  	s3 =	sld [smem:$0x3FFD];
	_ =	sdelay $0x3  }
0x9c: {  	_ =	strace s3  }
0x9d: {  	_ =	strace $0x8FFFFFFF  }
0x9e: {  	s18 =	sld [smem:$0x3FDB];
	_ =	sdelay $0x1  }
0x9f: {  	s19 =	simm.s32 $_scs_section_size  }
0xa0: {  	s5 =	simm.s32 $_size__tile_overlayer_lowered;
	s6 =	simm.s32 $_tile_overlayer_lowered  }
0xa1: {  	s22 =	simm.s32 $0x1BFF;
	s21 =	sshll.u32 s6, $0x1;
	s3 =	sadd.s32 s19, s18  }
0xa2: {  	s7 =	simm.s32 $0x0;
	s20 =	sshll.u32 s5, $0x1;
	s5 =	sadd.s32 s21, s3  }
0xa3: {  	[timem:s7], [sflag:s22] =	dma.local [hbm:s5], s20  }
0xa4: {  	_ =	swait.ge [sflag:s22], s20  }
0xa5: {  	s4 =	ssub.s32 $0x0, s20;
	[sflag:s22] =	ssyncset.done $0x0  }
0xa6: {  	[sflag:s22] =	ssyncadd.s32 s4;
	_ =	sdelay $0x1  }
0xa7: {  	s23 =	simm.s32 $0x1B8B  }
0xa8: {  	_ =	swait.ge [sflag:s23], $0x1  }
0xa9: {  	[sflag:s23] =	ssyncset.done $0x0  }
0xaa: {  	s25 =	simm.s32 $0x1B8E;
	s24 =	sld [smem:$0x3FFE];
	[sflag:s23] =	ssyncadd.s32 $0xFFFFFFFF  }
0xab: {  	s26 =	simm.s32 $execute0_lowered;
	[smem:$0x3FD2] =	sst s25  }
0xac: {  	s5 =	sshll.u32 s26, $0x1;
	_ =	strace $0x80000046;
	[dreg:$0x1] =	wrdreg $0xFFFFFFFF  }
0xad: {  	s28 =	simm.s32 $_size_execute0_lowered;
	s3 =	sadd.s32 s3, s5;
	[dreg:$0x0] =	wrdreg $0x0  }
0xae: {  	s5 =	sshll.u32 s28, $0x1;
	[dreg:$0x2] =	wrdreg s3  }
0xaf: {  	[dreg:$0x3] =	wrdreg s5  }
0xb0: {  	[dreg:$0x4] =	wrdreg $0xC0  }
0xb1: {  	_ =	task [dreg:s7], $0x5FFFF  }
0xb2: {  	[dreg:$0x1] =	wrdreg $0xFFFFFFFF  }
0xb3: {  	[dreg:$0x0] =	wrdreg $0x60  }
0xb4: {  	[dreg:$0x2] =	wrdreg s24  }
0xb5: {  	[dreg:$0x3] =	wrdreg s16  }
0xb6: {  	[dreg:$0x4] =	wrdreg $0x9  }
0xb7: {  	_ =	task.clear_ibuf [dreg:s7], $0x5FFFF;
	_ =	strace $0x90000046  }
0xb8: {  	s29 =	simm.s32 $0x9;
	_ =	strace $0x80000048  }
0xb9: {  	_ =	swait.ge [sflag:s29], $0x1  }
0xba: {  	[sflag:s29] =	ssyncadd.s32 $0xFFFFFFFF  }
0xbb: {  	_ =	strace $0x90000048  }
0xbc: {  	_ =	sfence  }
0xbd: {  	s30 =	sld [smem:$0x0];
	_ =	sdelay $0x2  }
0xbe: {  	s31 =	sshll.u32 s1, $0xD;
	s1 =	sshrl.u32 s1, $0x2  }
0xbf: {  	s3 =	sand.u32 $0x4000, s31;
	s1 =	sadd.s32 s1, s30  }
0xc0: {  	s0 =	sor.u32 s3, s0;
	s1 =	sshll.u32 s1, $0x11  }
0xc1: {  	s0 =	sor.u32 s1, s0  }
0xc2: {  	s0 =	sadd.s32 $0x8F2B, s0  }
0xc3: {  	[sflag:s0] =	ssyncadd.remote.s32 $0x1  }
0xc4: {  	_ =	sfence.sel $0xFFFF  }
0xc5: {  	[dreg:$0x0] =	wrdreg $0xFFFFFFFF;
	(pc) =	sbr.abs _section_cstart, $3  }
0xc6: {  	[dreg:$0x1] =	wrdreg $0xFFFFFFFF  }
0xc7: {  	_ =	task.clear_ibuf [dreg:s7], $0x2FFFF;
	_ =	strace $0x9FFFFFFF  }
0xc8: {  	(tm) =	ssettm $0x7FFFFFFF  }
0xc9: {  	_ =	shalt  }
tec
execute0_lowered:
.L_overlay_start_1:
0x0: {  	(tag) =	ssettag $0x1  }
0x1: {  	s0 =	rddreg [dreg:$0x0]  }
0x2: {  	s1 =	srdreg.scid;
	s2 =	rddreg [dreg:$0x1];
	vm0 =	vcmask $0x704;
	v0 =	vimm.f32 $-5.000000000e+01;
	vm1 =	vcmask $0xF0C  }
0x3: {  	s3 =	stileid.u32;
	s12 =	simm.s32 $0x1;
	v4 =	vimm.s32 $0xECA86420;
	vm2 =	vcmask $0x1B18;
	vm3 =	vcmask $0x300;
	s1 =	sand.u32 $0x1, s1  }
0x4: {  	vm4 =	vcmask $0x2320;
	vm5 =	vcmask $0x2B28;
	vm6 =	vcmask $0x3330;
	s4 =	sshll.u32 s3, $0xA;
	s3 =	simm.s32 $0x0;
	s6 =	sadd.s32 $0x100, s2  }
0x5: {  	vm7 =	vcmask $0x3B38;
	vm8 =	vmmov $0xff;
	v7 =	vimm.s32 $0x0;
	s7 =	sadd.s32 $0x200, s2;
	s5 =	sshll.u32 s1, $0x9;
	s1 =	ssub.s32 $0x2, s1  }
.Ltmp0:
0x6: {  	vm9 =	vmmov $0xffff;
	v1 =	vsel vm0, $0x42480000, v0;
	vm0 =	vcmask $0xB08;
	s4 =	sor.u32 s5, s4;
	s30 =	sshrl.u32 s1, $0x1;
	(pc) =	sbr.rel .LBB2_1-.Ltmp0, $4  }
0x7: {  	v3 =	vsel vm1, $0x42480000, v0;
	v5 =	vunpack.c.l.s4.s8 v4;
	v4 =	vlaneseq.u32;
	[dreg:$0x3] =	wrdreg s4;
	s4 =	sshrl.u32 s4, $0x3;
	s1 =	ssub.s32 s1, s30  }
0x8: {  	vm1 =	vcmask $0x1310;
	[smem:$0x7FF] =	sst s3;
	v2 =	vsel vm0, $0x42480000, v0;
	v6 =	vmul.u32 $0x2, v4;
	s0 =	sadd.s32 s4, s0;
	s31 =	smax.u32 s1, $0x1  }
0x9: {  	v8 =	vor.u32 $0x80000000, v4;
	v9 =	vand.u32 $0x7, v4;
	v10 =	vshrl.u32 v4, $0x3;
	_ =	strace $0x80000047;
	s0 =	sadd.s32 $0x600, s0;
	[dreg:$0x5] =	wrdreg s31  }
0xa: {  	s8 =	sadd.s32 $0x300, s2;
	v11 =	vor.u32 $0x8, v4;
	v5 =	vunpack.c.0.s8.s32 v5;
	v10 =	vmul.u32 $0x8, v10;
	s1 =	simm.s32 $0x0;
	[dreg:$0x4] =	wrdreg s0  }
.LBB2_36:
0xb: {  	[sflag:s12] =	ssyncadd.s32 $0xFFFFC000  }
.LBB2_37:
0xc: {  	s1 =	sadd.s32 $0x1, s1;
	s0 =	rddreg [dreg:$0x5]  }
0xd: {  	p0 =	sne.s32 s1, s0  }
.Ltmp1:
0xe: {  	_ = 	snop;
	(pc) =	sbr.rel @!p0 .LBB2_38-.Ltmp1, $1  }
0xf: {  	_ =	sdelay $0x3  }
.LBB2_1:
0x10: {  	s0 =	rddreg [dreg:$0x4];
	s31 =	simm.s32 $0x2  }
0x11: {  	[tilespmem:s3], [sflag:$0x2] =	stream.linear.gather [hbm4b:s0+s3], $0x200, $0x38;
	[tilespmem:$0xCA00] =	vst v63  }
0x12: {  	_ =	swait.ge [sflag:s31], $0x200  }
0x13: {  	s11 =	simm.s32 $0xFFFFC000;
	s13 =	simm.s32 $0x0;
	[sflag:s31] =	ssyncset.done $0x0  }
0x14: {  	s14 =	simm.s32 $0x0;
	s15 =	simm.s32 $0x0;
	[sflag:s31] =	ssyncadd.s32 $0xFFFFFE00  }
.LBB2_2:
0x15: {  	s16 =	sadd.s32 $0x4000, s11  }
0x16: {  	s17 =	sand.u32 $0x380, s15;
	s16 =	sand.u32 $0x2000, s16  }
0x17: {  	s16 =	sor.u32 s17, s16  }
0x18: {  	[tilespmem:s16+$0x200] =	vst v1  }
0x19: {  	[tilespmem:s16+$0x210] =	vst v0  }
0x1a: {  	[tilespmem:s16+$0x220] =	vst v0  }
0x1b: {  	[tilespmem:s16+$0x230] =	vst v0  }
0x1c: {  	[tilespmem:s16+$0x240] =	vst v0  }
0x1d: {  	[tilespmem:s16+$0x250] =	vst v0  }
0x1e: {  	[tilespmem:s16+$0x260] =	vst v0  }
0x1f: {  	[tilespmem:s16+$0x270] =	vst v0  }
0x20: {  	[tilespmem:s16+$0x600] =	vst v0  }
0x21: {  	[tilespmem:s16+$0x610] =	vst v0  }
0x22: {  	[tilespmem:s16+$0x620] =	vst v0  }
0x23: {  	[tilespmem:s16+$0x630] =	vst v0  }
0x24: {  	[tilespmem:s16+$0x640] =	vst v0  }
0x25: {  	[tilespmem:s16+$0x650] =	vst v0  }
0x26: {  	[tilespmem:s16+$0x660] =	vst v0  }
0x27: {  	[tilespmem:s16+$0x670] =	vst v0  }
0x28: {  	[tilespmem:s16+$0xA00] =	vst v0  }
0x29: {  	[tilespmem:s16+$0xA10] =	vst v0  }
0x2a: {  	[tilespmem:s16+$0xA20] =	vst v0  }
0x2b: {  	[tilespmem:s16+$0xA30] =	vst v0  }
0x2c: {  	[tilespmem:s16+$0xA40] =	vst v0  }
0x2d: {  	[tilespmem:s16+$0xA50] =	vst v0  }
0x2e: {  	[tilespmem:s16+$0xA60] =	vst v0  }
0x2f: {  	[tilespmem:s16+$0xA70] =	vst v0  }
0x30: {  	[tilespmem:s16+$0xE00] =	vst v0  }
0x31: {  	[tilespmem:s16+$0xE10] =	vst v0  }
0x32: {  	[tilespmem:s16+$0xE20] =	vst v0  }
0x33: {  	[tilespmem:s16+$0xE30] =	vst v0  }
0x34: {  	[tilespmem:s16+$0xE40] =	vst v0  }
0x35: {  	[tilespmem:s16+$0xE50] =	vst v0  }
0x36: {  	[tilespmem:s16+$0xE60] =	vst v0  }
0x37: {  	[tilespmem:s16+$0xE70] =	vst v0  }
0x38: {  	[tilespmem:s16+$0x1200] =	vst v0  }
0x39: {  	[tilespmem:s16+$0x1210] =	vst v0  }
0x3a: {  	[tilespmem:s16+$0x1220] =	vst v0  }
0x3b: {  	[tilespmem:s16+$0x1230] =	vst v0  }
0x3c: {  	[tilespmem:s16+$0x1240] =	vst v0  }
0x3d: {  	[tilespmem:s16+$0x1250] =	vst v0  }
0x3e: {  	[tilespmem:s16+$0x1260] =	vst v0  }
0x3f: {  	[tilespmem:s16+$0x1270] =	vst v0  }
0x40: {  	[tilespmem:s16+$0x1600] =	vst v0  }
0x41: {  	[tilespmem:s16+$0x1610] =	vst v0  }
0x42: {  	[tilespmem:s16+$0x1620] =	vst v0  }
0x43: {  	[tilespmem:s16+$0x1630] =	vst v0  }
0x44: {  	[tilespmem:s16+$0x1640] =	vst v0  }
0x45: {  	[tilespmem:s16+$0x1650] =	vst v0  }
0x46: {  	[tilespmem:s16+$0x1660] =	vst v0  }
0x47: {  	[tilespmem:s16+$0x1670] =	vst v0  }
0x48: {  	[tilespmem:s16+$0x1A00] =	vst v0  }
0x49: {  	[tilespmem:s16+$0x1A10] =	vst v0  }
0x4a: {  	[tilespmem:s16+$0x1A20] =	vst v0  }
0x4b: {  	[tilespmem:s16+$0x1A30] =	vst v0  }
0x4c: {  	s23 =	sand.u32 $0x7, s13;
	[tilespmem:s16+$0x1A40] =	vst v0  }
0x4d: {  	s17 =	sshll.u32 s23, $0x7;
	[tilespmem:s16+$0x1A50] =	vst v0  }
0x4e: {  	s17 =	sadd.s32 s17, s14;
	[tilespmem:s16+$0x1A60] =	vst v0  }
0x4f: {  	[tilespmem:s16+$0x1A70] =	vst v0;
	s24 =	sor.u32 $0x1C00, s17  }
0x50: {  	s25 =	sor.u32 $0x1C10, s17;
	[tilespmem:s24+$0x200] =	vst v0  }
0x51: {  	s26 =	sor.u32 $0x1C20, s17;
	[tilespmem:s25+$0x200] =	vst v0  }
0x52: {  	p0 =	sne.s32 s15, $0x780;
	s28 =	sor.u32 $0x1C30, s17;
	[tilespmem:s26+$0x200] =	vst v0  }
.Ltmp2:
0x53: {  	s29 =	sor.u32 $0x1C40, s17;
	[tilespmem:s28+$0x200] =	vst v0;
	(pc) =	sbr.rel @p0 .LBB2_2-.Ltmp2, $4  }
0x54: {  	s30 =	sor.u32 $0x1C50, s17;
	[tilespmem:s29+$0x200] =	vst v0  }
0x55: {  	s31 =	sor.u32 $0x1C60, s17;
	[tilespmem:s30+$0x200] =	vst v0  }
0x56: {  	s13 =	sadd.s32 $0x1, s13;
	s11 =	sadd.s32 $0x400, s11;
	s17 =	sor.u32 $0x1C70, s17;
	[tilespmem:s31+$0x200] =	vst v0  }
0x57: {  	s15 =	sadd.s32 $0x80, s15;
	s14 =	sadd.s32 $0x400, s14;
	s16 =	simm.s32 $0x0;
	[tilespmem:s17+$0x200] =	vst v0  }
0x58: {  	s11 =	sand.u32 $0x2000, s16;
	s13 =	sand.u32 $0x380, s16  }
0x59: {  	s11 =	sor.u32 s13, s11  }
0x5a: {  	[tilespmem:s11+$0x4260] =	vst v0  }
0x5b: {  	[tilespmem:s11+$0x4270] =	vst v0  }
0x5c: {  	[tilespmem:s11+$0x4240] =	vst v0  }
0x5d: {  	[tilespmem:s11+$0x4230] =	vst v0  }
0x5e: {  	[tilespmem:s11+$0x4220] =	vst v0  }
0x5f: {  	s29 =	sand.u32 $0xFFFFE000, s16;
	[tilespmem:s11+$0x4210] =	vst v0  }
0x60: {  	s13 =	sadd.s32 $0x0, s29;
	[tilespmem:s11+$0x4250] =	vst v0  }
0x61: {  	s14 =	sor.u32 $0x4400, s13;
	[tilespmem:s11+$0x4200] =	vst v2  }
0x62: {  	[tilespmem:s14+$0x270] =	vst v0  }
0x63: {  	[tilespmem:s14+$0x260] =	vst v0  }
0x64: {  	[tilespmem:s14+$0x220] =	vst v0  }
0x65: {  	[tilespmem:s14+$0x250] =	vst v0  }
0x66: {  	[tilespmem:s14+$0x230] =	vst v0  }
0x67: {  	[tilespmem:s14+$0x240] =	vst v0  }
0x68: {  	[tilespmem:s14+$0x210] =	vst v0  }
0x69: {  	[tilespmem:s14+$0x200] =	vst v0  }
0x6a: {  	[tilespmem:s11+$0x4A40] =	vst v0  }
0x6b: {  	[tilespmem:s11+$0x4A70] =	vst v0  }
0x6c: {  	[tilespmem:s11+$0x4A20] =	vst v0  }
0x6d: {  	[tilespmem:s11+$0x4A30] =	vst v0  }
0x6e: {  	[tilespmem:s11+$0x4A10] =	vst v0  }
0x6f: {  	[tilespmem:s11+$0x4A60] =	vst v0  }
0x70: {  	[tilespmem:s11+$0x4A00] =	vst v0  }
0x71: {  	s30 =	sor.u32 $0x4C00, s13;
	[tilespmem:s11+$0x4A50] =	vst v0  }
0x72: {  	[tilespmem:s30+$0x270] =	vst v0  }
0x73: {  	[tilespmem:s30+$0x260] =	vst v0  }
0x74: {  	[tilespmem:s30+$0x250] =	vst v0  }
0x75: {  	[tilespmem:s30+$0x210] =	vst v0  }
0x76: {  	[tilespmem:s30+$0x220] =	vst v0  }
0x77: {  	[tilespmem:s30+$0x230] =	vst v0  }
0x78: {  	[tilespmem:s30+$0x240] =	vst v0  }
0x79: {  	[tilespmem:s30+$0x200] =	vst v0  }
0x7a: {  	[tilespmem:s11+$0x5240] =	vst v0  }
0x7b: {  	[tilespmem:s11+$0x5270] =	vst v0  }
0x7c: {  	[tilespmem:s11+$0x5260] =	vst v0  }
0x7d: {  	[tilespmem:s11+$0x5210] =	vst v0  }
0x7e: {  	[tilespmem:s11+$0x5220] =	vst v0  }
0x7f: {  	[tilespmem:s11+$0x5230] =	vst v0  }
0x80: {  	[tilespmem:s11+$0x5250] =	vst v0  }
0x81: {  	s31 =	sor.u32 $0x5400, s13;
	[tilespmem:s11+$0x5200] =	vst v0  }
0x82: {  	[tilespmem:s31+$0x270] =	vst v0  }
0x83: {  	[tilespmem:s31+$0x260] =	vst v0  }
0x84: {  	[tilespmem:s31+$0x250] =	vst v0  }
0x85: {  	[tilespmem:s31+$0x230] =	vst v0  }
0x86: {  	[tilespmem:s31+$0x220] =	vst v0  }
0x87: {  	[tilespmem:s31+$0x240] =	vst v0  }
0x88: {  	[tilespmem:s31+$0x210] =	vst v0  }
0x89: {  	[tilespmem:s31+$0x200] =	vst v0  }
0x8a: {  	[tilespmem:s11+$0x5A40] =	vst v0  }
0x8b: {  	[tilespmem:s11+$0x5A70] =	vst v0  }
0x8c: {  	[tilespmem:s11+$0x5A20] =	vst v0  }
0x8d: {  	[tilespmem:s11+$0x5A60] =	vst v0  }
0x8e: {  	[tilespmem:s11+$0x5A30] =	vst v0  }
0x8f: {  	[tilespmem:s11+$0x5A10] =	vst v0  }
0x90: {  	s14 =	sor.u32 s16, s16;
	[tilespmem:s11+$0x5A50] =	vst v0  }
0x91: {  	s19 =	sor.u32 $0x5C00, s14;
	[tilespmem:s11+$0x5A00] =	vst v0  }
0x92: {  	[tilespmem:s19+$0x260] =	vst v0  }
0x93: {  	[tilespmem:s19+$0x250] =	vst v0  }
0x94: {  	[tilespmem:s19+$0x240] =	vst v0  }
0x95: {  	[tilespmem:s19+$0x230] =	vst v0  }
0x96: {  	[tilespmem:s19+$0x220] =	vst v0  }
0x97: {  	s20 =	simm.s32 $0x400;
	s15 =	simm.s32 $0x80;
	[tilespmem:s19+$0x210] =	vst v0  }
.LBB2_4:
0x98: {  	s18 =	sand.u32 $0x2000, s20  }
0x99: {  	s21 =	sand.u32 $0x380, s15;
	[tilespmem:s19+$0x200] =	vst v0;
	s17 =	smov.u32 s20;
	s16 =	sadd.s32 $0x400, s20  }
0x9a: {  	p0 =	sne.s32 s20, $0x3C00;
	s18 =	sor.u32 s21, s18;
	[tilespmem:s19+$0x270] =	vst v0  }
0x9b: {  	[tilespmem:s18+$0x4260] =	vst v0  }
0x9c: {  	[tilespmem:s18+$0x4270] =	vst v0  }
0x9d: {  	[tilespmem:s18+$0x4240] =	vst v0  }
0x9e: {  	[tilespmem:s18+$0x4230] =	vst v0  }
0x9f: {  	s19 =	sand.u32 $0xFFFFE000, s17;
	[tilespmem:s18+$0x4220] =	vst v0  }
0xa0: {  	s19 =	sadd.s32 s19, s15;
	[tilespmem:s18+$0x4210] =	vst v0  }
0xa1: {  	s20 =	sor.u32 $0x4400, s19;
	[tilespmem:s18+$0x4250] =	vst v0  }
0xa2: {  	[tilespmem:s18+$0x4200] =	vst v2  }
0xa3: {  	[tilespmem:s20+$0x270] =	vst v0  }
0xa4: {  	[tilespmem:s20+$0x260] =	vst v0  }
0xa5: {  	[tilespmem:s20+$0x220] =	vst v0  }
0xa6: {  	[tilespmem:s20+$0x250] =	vst v0  }
0xa7: {  	[tilespmem:s20+$0x230] =	vst v0  }
0xa8: {  	[tilespmem:s20+$0x240] =	vst v0  }
0xa9: {  	[tilespmem:s20+$0x210] =	vst v0  }
0xaa: {  	[tilespmem:s18+$0x4A40] =	vst v0  }
0xab: {  	[tilespmem:s20+$0x200] =	vst v0  }
0xac: {  	[tilespmem:s18+$0x4A70] =	vst v0  }
0xad: {  	[tilespmem:s18+$0x4A20] =	vst v0  }
0xae: {  	[tilespmem:s18+$0x4A30] =	vst v0  }
0xaf: {  	[tilespmem:s18+$0x4A10] =	vst v0  }
0xb0: {  	[tilespmem:s18+$0x4A60] =	vst v0  }
0xb1: {  	[tilespmem:s18+$0x4A00] =	vst v0  }
0xb2: {  	s20 =	sor.u32 $0x4C00, s19;
	[tilespmem:s18+$0x4A50] =	vst v0  }
0xb3: {  	[tilespmem:s20+$0x270] =	vst v0  }
0xb4: {  	[tilespmem:s20+$0x260] =	vst v0  }
0xb5: {  	[tilespmem:s20+$0x250] =	vst v0  }
0xb6: {  	[tilespmem:s20+$0x210] =	vst v0  }
0xb7: {  	[tilespmem:s20+$0x220] =	vst v0  }
0xb8: {  	[tilespmem:s20+$0x230] =	vst v0  }
0xb9: {  	[tilespmem:s20+$0x240] =	vst v0  }
0xba: {  	[tilespmem:s18+$0x5240] =	vst v0  }
0xbb: {  	[tilespmem:s20+$0x200] =	vst v0  }
0xbc: {  	[tilespmem:s18+$0x5270] =	vst v0  }
0xbd: {  	[tilespmem:s18+$0x5260] =	vst v0  }
0xbe: {  	[tilespmem:s18+$0x5210] =	vst v0  }
0xbf: {  	[tilespmem:s18+$0x5220] =	vst v0  }
0xc0: {  	[tilespmem:s18+$0x5230] =	vst v0  }
0xc1: {  	[tilespmem:s18+$0x5250] =	vst v0  }
0xc2: {  	s19 =	sor.u32 $0x5400, s19;
	[tilespmem:s18+$0x5200] =	vst v0  }
0xc3: {  	[tilespmem:s19+$0x270] =	vst v0  }
0xc4: {  	[tilespmem:s19+$0x260] =	vst v0  }
0xc5: {  	[tilespmem:s19+$0x250] =	vst v0  }
0xc6: {  	[tilespmem:s19+$0x230] =	vst v0  }
0xc7: {  	[tilespmem:s19+$0x220] =	vst v0  }
0xc8: {  	[tilespmem:s19+$0x240] =	vst v0  }
0xc9: {  	[tilespmem:s19+$0x210] =	vst v0  }
0xca: {  	[tilespmem:s18+$0x5A40] =	vst v0  }
0xcb: {  	[tilespmem:s19+$0x200] =	vst v0  }
0xcc: {  	[tilespmem:s18+$0x5A70] =	vst v0  }
0xcd: {  	[tilespmem:s18+$0x5A20] =	vst v0  }
0xce: {  	[tilespmem:s18+$0x5A60] =	vst v0  }
0xcf: {  	[tilespmem:s18+$0x5A30] =	vst v0  }
0xd0: {  	[tilespmem:s18+$0x5A10] =	vst v0  }
0xd1: {  	s17 =	sor.u32 s17, s15;
	[tilespmem:s18+$0x5A50] =	vst v0  }
0xd2: {  	s19 =	sor.u32 $0x5C00, s17;
	[tilespmem:s18+$0x5A00] =	vst v0  }
0xd3: {  	[tilespmem:s19+$0x260] =	vst v0  }
.Ltmp3:
0xd4: {  	[tilespmem:s19+$0x250] =	vst v0;
	(pc) =	sbr.rel @p0 .LBB2_4-.Ltmp3, $4  }
0xd5: {  	[tilespmem:s19+$0x240] =	vst v0  }
0xd6: {  	[tilespmem:s19+$0x230] =	vst v0  }
0xd7: {  	[tilespmem:s19+$0x220] =	vst v0  }
0xd8: {  	s15 =	sadd.s32 $0x80, s15;
	s20 =	smov.u32 s16;
	[tilespmem:s19+$0x210] =	vst v0  }
0xd9: {  	[tilespmem:s19+$0x200] =	vst v0  }
0xda: {  	[tilespmem:s19+$0x270] =	vst v0  }
0xdb: {  	[tilespmem:s11+$0x8260] =	vst v0  }
0xdc: {  	[tilespmem:s11+$0x8270] =	vst v0  }
0xdd: {  	[tilespmem:s11+$0x8240] =	vst v0  }
0xde: {  	[tilespmem:s11+$0x8230] =	vst v0  }
0xdf: {  	[tilespmem:s11+$0x8220] =	vst v0  }
0xe0: {  	[tilespmem:s11+$0x8210] =	vst v0  }
0xe1: {  	[tilespmem:s11+$0x8250] =	vst v0  }
0xe2: {  	s15 =	sor.u32 $0x8400, s13;
	[tilespmem:s11+$0x8200] =	vst v3  }
0xe3: {  	[tilespmem:s15+$0x270] =	vst v0  }
0xe4: {  	[tilespmem:s15+$0x260] =	vst v0  }
0xe5: {  	[tilespmem:s15+$0x220] =	vst v0  }
0xe6: {  	[tilespmem:s15+$0x250] =	vst v0  }
0xe7: {  	[tilespmem:s15+$0x230] =	vst v0  }
0xe8: {  	[tilespmem:s15+$0x240] =	vst v0  }
0xe9: {  	[tilespmem:s15+$0x210] =	vst v0  }
0xea: {  	[tilespmem:s15+$0x200] =	vst v0  }
0xeb: {  	[tilespmem:s11+$0x8A40] =	vst v0  }
0xec: {  	[tilespmem:s11+$0x8A70] =	vst v0  }
0xed: {  	[tilespmem:s11+$0x8A20] =	vst v0  }
0xee: {  	[tilespmem:s11+$0x8A30] =	vst v0  }
0xef: {  	[tilespmem:s11+$0x8A10] =	vst v0  }
0xf0: {  	[tilespmem:s11+$0x8A60] =	vst v0  }
0xf1: {  	[tilespmem:s11+$0x8A00] =	vst v0  }
0xf2: {  	s30 =	sor.u32 $0x8C00, s13;
	[tilespmem:s11+$0x8A50] =	vst v0  }
0xf3: {  	[tilespmem:s30+$0x270] =	vst v0  }
0xf4: {  	[tilespmem:s30+$0x260] =	vst v0  }
0xf5: {  	[tilespmem:s30+$0x250] =	vst v0  }
0xf6: {  	[tilespmem:s30+$0x210] =	vst v0  }
0xf7: {  	[tilespmem:s30+$0x220] =	vst v0  }
0xf8: {  	[tilespmem:s30+$0x230] =	vst v0  }
0xf9: {  	[tilespmem:s30+$0x240] =	vst v0  }
0xfa: {  	[tilespmem:s30+$0x200] =	vst v0  }
0xfb: {  	[tilespmem:s11+$0x9240] =	vst v0  }
0xfc: {  	[tilespmem:s11+$0x9270] =	vst v0  }
0xfd: {  	[tilespmem:s11+$0x9260] =	vst v0  }
0xfe: {  	[tilespmem:s11+$0x9210] =	vst v0  }
0xff: {  	[tilespmem:s11+$0x9220] =	vst v0  }
0x100: {  	[tilespmem:s11+$0x9230] =	vst v0  }
0x101: {  	[tilespmem:s11+$0x9250] =	vst v0  }
0x102: {  	s31 =	sor.u32 $0x9400, s13;
	[tilespmem:s11+$0x9200] =	vst v0  }
0x103: {  	[tilespmem:s31+$0x270] =	vst v0  }
0x104: {  	[tilespmem:s31+$0x260] =	vst v0  }
0x105: {  	[tilespmem:s31+$0x250] =	vst v0  }
0x106: {  	[tilespmem:s31+$0x230] =	vst v0  }
0x107: {  	[tilespmem:s31+$0x220] =	vst v0  }
0x108: {  	[tilespmem:s31+$0x240] =	vst v0  }
0x109: {  	[tilespmem:s31+$0x210] =	vst v0  }
0x10a: {  	[tilespmem:s31+$0x200] =	vst v0  }
0x10b: {  	[tilespmem:s11+$0x9A40] =	vst v0  }
0x10c: {  	[tilespmem:s11+$0x9A70] =	vst v0  }
0x10d: {  	[tilespmem:s11+$0x9A20] =	vst v0  }
0x10e: {  	[tilespmem:s11+$0x9A60] =	vst v0  }
0x10f: {  	[tilespmem:s11+$0x9A30] =	vst v0  }
0x110: {  	[tilespmem:s11+$0x9A10] =	vst v0  }
0x111: {  	[tilespmem:s11+$0x9A50] =	vst v0  }
0x112: {  	s16 =	sor.u32 $0x9C00, s14;
	[tilespmem:s11+$0x9A00] =	vst v0  }
0x113: {  	[tilespmem:s16+$0x260] =	vst v0  }
0x114: {  	[tilespmem:s16+$0x250] =	vst v0  }
0x115: {  	[tilespmem:s16+$0x240] =	vst v0  }
0x116: {  	[tilespmem:s16+$0x230] =	vst v0  }
0x117: {  	[tilespmem:s16+$0x220] =	vst v0  }
0x118: {  	[dreg:$0x6] =	wrdreg s1;
	s17 =	simm.s32 $0x400;
	s11 =	simm.s32 $0x80;
	[tilespmem:s16+$0x210] =	vst v0  }
.LBB2_6:
0x119: {  	s15 =	sand.u32 $0x2000, s17  }
0x11a: {  	s18 =	sand.u32 $0x380, s11;
	[tilespmem:s16+$0x200] =	vst v0;
	s14 =	smov.u32 s17;
	s13 =	sadd.s32 $0x400, s17  }
0x11b: {  	p0 =	sne.s32 s17, $0x3C00;
	s15 =	sor.u32 s18, s15;
	[tilespmem:s16+$0x270] =	vst v0  }
0x11c: {  	[tilespmem:s15+$0x8260] =	vst v0  }
0x11d: {  	[tilespmem:s15+$0x8270] =	vst v0  }
0x11e: {  	[tilespmem:s15+$0x8240] =	vst v0  }
0x11f: {  	[tilespmem:s15+$0x8230] =	vst v0  }
0x120: {  	s16 =	sand.u32 $0xFFFFE000, s14;
	[tilespmem:s15+$0x8220] =	vst v0  }
0x121: {  	s16 =	sadd.s32 s16, s11;
	[tilespmem:s15+$0x8210] =	vst v0  }
0x122: {  	s17 =	sor.u32 $0x8400, s16;
	[tilespmem:s15+$0x8250] =	vst v0  }
0x123: {  	[tilespmem:s15+$0x8200] =	vst v3  }
0x124: {  	[tilespmem:s17+$0x270] =	vst v0  }
0x125: {  	[tilespmem:s17+$0x260] =	vst v0  }
0x126: {  	[tilespmem:s17+$0x220] =	vst v0  }
0x127: {  	[tilespmem:s17+$0x250] =	vst v0  }
0x128: {  	[tilespmem:s17+$0x230] =	vst v0  }
0x129: {  	[tilespmem:s17+$0x240] =	vst v0  }
0x12a: {  	[tilespmem:s17+$0x210] =	vst v0  }
0x12b: {  	[tilespmem:s15+$0x8A40] =	vst v0  }
0x12c: {  	[tilespmem:s17+$0x200] =	vst v0  }
0x12d: {  	[tilespmem:s15+$0x8A70] =	vst v0  }
0x12e: {  	[tilespmem:s15+$0x8A20] =	vst v0  }
0x12f: {  	[tilespmem:s15+$0x8A30] =	vst v0  }
0x130: {  	[tilespmem:s15+$0x8A10] =	vst v0  }
0x131: {  	[tilespmem:s15+$0x8A60] =	vst v0  }
0x132: {  	[tilespmem:s15+$0x8A00] =	vst v0  }
0x133: {  	s17 =	sor.u32 $0x8C00, s16;
	[tilespmem:s15+$0x8A50] =	vst v0  }
0x134: {  	[tilespmem:s17+$0x270] =	vst v0  }
0x135: {  	[tilespmem:s17+$0x260] =	vst v0  }
0x136: {  	[tilespmem:s17+$0x250] =	vst v0  }
0x137: {  	[tilespmem:s17+$0x210] =	vst v0  }
0x138: {  	[tilespmem:s17+$0x220] =	vst v0  }
0x139: {  	[tilespmem:s17+$0x230] =	vst v0  }
0x13a: {  	[tilespmem:s17+$0x240] =	vst v0  }
0x13b: {  	[tilespmem:s15+$0x9240] =	vst v0  }
0x13c: {  	[tilespmem:s17+$0x200] =	vst v0  }
0x13d: {  	[tilespmem:s15+$0x9270] =	vst v0  }
0x13e: {  	[tilespmem:s15+$0x9260] =	vst v0  }
0x13f: {  	[tilespmem:s15+$0x9210] =	vst v0  }
0x140: {  	[tilespmem:s15+$0x9220] =	vst v0  }
0x141: {  	[tilespmem:s15+$0x9230] =	vst v0  }
0x142: {  	[tilespmem:s15+$0x9250] =	vst v0  }
0x143: {  	s16 =	sor.u32 $0x9400, s16;
	[tilespmem:s15+$0x9200] =	vst v0  }
0x144: {  	[tilespmem:s16+$0x270] =	vst v0  }
0x145: {  	[tilespmem:s16+$0x260] =	vst v0  }
0x146: {  	[tilespmem:s16+$0x250] =	vst v0  }
0x147: {  	[tilespmem:s16+$0x230] =	vst v0  }
0x148: {  	[tilespmem:s16+$0x220] =	vst v0  }
0x149: {  	[tilespmem:s16+$0x240] =	vst v0  }
0x14a: {  	[tilespmem:s16+$0x210] =	vst v0  }
0x14b: {  	[tilespmem:s15+$0x9A40] =	vst v0  }
0x14c: {  	[tilespmem:s16+$0x200] =	vst v0  }
0x14d: {  	[tilespmem:s15+$0x9A70] =	vst v0  }
0x14e: {  	[tilespmem:s15+$0x9A20] =	vst v0  }
0x14f: {  	[tilespmem:s15+$0x9A60] =	vst v0  }
0x150: {  	[tilespmem:s15+$0x9A30] =	vst v0  }
0x151: {  	[tilespmem:s15+$0x9A10] =	vst v0  }
0x152: {  	s14 =	sor.u32 s14, s11;
	[tilespmem:s15+$0x9A50] =	vst v0  }
0x153: {  	s16 =	sor.u32 $0x9C00, s14;
	[tilespmem:s15+$0x9A00] =	vst v0  }
0x154: {  	[tilespmem:s16+$0x260] =	vst v0  }
.Ltmp4:
0x155: {  	[tilespmem:s16+$0x250] =	vst v0;
	(pc) =	sbr.rel @p0 .LBB2_6-.Ltmp4, $4  }
0x156: {  	[tilespmem:s16+$0x240] =	vst v0  }
0x157: {  	[tilespmem:s16+$0x230] =	vst v0  }
0x158: {  	[tilespmem:s16+$0x220] =	vst v0  }
0x159: {  	s11 =	sadd.s32 $0x80, s11;
	s17 =	smov.u32 s13;
	[tilespmem:s16+$0x210] =	vst v0  }
0x15a: {  	s11 =	simm.s32 $0xFFFFFFFF;
	s28 =	simm.s32 $0x0  }
0x15b: {  	[tilespmem:s16+$0x200] =	vst v0;
	s19 =	simm.s32 $0x0;
	s14 =	simm.s32 $0xFFFFFFFF;
	s20 =	rddreg [dreg:$0x3]  }
0x15c: {  	[tilespmem:s16+$0x270] =	vst v0;
	s18 =	simm.s32 $0xFFFFFFFF;
	s30 =	simm.s32 $0x0;
	s24 =	simm.s32 $0x0  }
.LBB2_8:
0x15d: {  	s13 =	sshra.s32 s19, $0x2  }
0x15e: {  	v12 =	vld [tilespmem:s13+$0x0];
	_ =	sdelay $0x4  }
0x15f: {  	v12 =	vadd.s32 $0x2, v12  }
0x160: {  	(v2sf) =	vpush v12, $0xD;
	_ =	sdelay $0x1  }
0x161: {  	(v2sf) =	vpush v12, $0xC;
	_ =	sdelay $0x1  }
0x162: {  	(v2sf) =	vpush v12, $0xE;
	_ =	sdelay $0x1  }
0x163: {  	(v2sf) =	vpush v12, $0xF;
	_ =	sdelay $0x1  }
0x164: {  	(v2sf) =	vpush v12, $0x9;
	_ =	sdelay $0x1  }
0x165: {  	(v2sf) =	vpush v12, $0x8;
	_ =	sdelay $0x1  }
0x166: {  	(v2sf) =	vpush v12, $0xA;
	_ =	sdelay $0x1  }
0x167: {  	(v2sf) =	vpush v12, $0xB  }
0x168: {  	s1 =	spop (v2sf)  }
0x169: {  	(v2sf) =	vpush v12, $0x1;
	s16 =	smulhi.u32 $0x55555556, s1;
	s13 =	sshra.s32 s1, $0x1F  }
0x16a: {  	s17 =	spop (v2sf);
	s13 =	smul.u32 $0x55555556, s13  }
0x16b: {  	(v2sf) =	vpush v12, $0x0;
	s22 =	smulhi.u32 $0x55555556, s17;
	s17 =	sshra.s32 s17, $0x1F  }
0x16c: {  	s4 =	spop (v2sf);
	s23 =	smul.u32 $0x55555556, s17  }
0x16d: {  	(v2sf) =	vpush v12, $0x2;
	s25 =	smulhi.u32 $0x55555556, s4;
	s17 =	sshra.s32 s4, $0x1F  }
0x16e: {  	s5 =	spop (v2sf);
	s26 =	smul.u32 $0x55555556, s17  }
0x16f: {  	[dreg:$0x7] =	wrdreg s28;
	(v2sf) =	vpush v12, $0x3;
	s28 =	smulhi.u32 $0x55555556, s5;
	s17 =	sshra.s32 s5, $0x1F  }
0x170: {  	s9 =	spop (v2sf);
	s29 =	smul.u32 $0x55555556, s17  }
0x171: {  	[dreg:$0x8] =	wrdreg s30;
	(v2sf) =	vpush v12, $0x4;
	s30 =	smulhi.u32 $0x55555556, s9;
	s17 =	sshra.s32 s9, $0x1F  }
0x172: {  	s10 =	spop (v2sf);
	s31 =	smul.u32 $0x55555556, s17  }
0x173: {  	(v2sf) =	vpush v12, $0x5;
	s0 =	smulhi.u32 $0x55555556, s10;
	s17 =	sshra.s32 s10, $0x1F  }
0x174: {  	s15 =	spop (v2sf);
	s1 =	smul.u32 $0x55555556, s17  }
0x175: {  	(v2sf) =	vpush v12, $0x6;
	s5 =	smulhi.u32 $0x55555556, s15;
	s17 =	sshra.s32 s15, $0x1F  }
0x176: {  	s21 =	spop (v2sf);
	s9 =	smul.u32 $0x55555556, s17  }
0x177: {  	(v2sf) =	vpush v12, $0x7;
	s4 =	smulhi.u32 $0x55555556, s21;
	s17 =	sshra.s32 s21, $0x1F  }
0x178: {  	s23 =	sadd.s32 s23, s22;
	s15 =	smul.u32 $0x55555556, s17;
	s10 =	spop (v2sf)  }
0x179: {  	v14 =	vmov s23;
	s23 =	sshrl.u32 s23, $0x1F;
	s21 =	smulhi.u32 $0x55555556, s10;
	s10 =	sshra.s32 s10, $0x1F  }
0x17a: {  	s17 =	sadd.s32 s13, s16;
	s13 =	spop (v2sf);
	s10 =	smul.u32 $0x55555556, s10  }
0x17b: {  	s16 =	sadd.s32 s26, s25;
	s25 =	smulhi.u32 $0x55555556, s13;
	s26 =	sshra.s32 s13, $0x1F  }
0x17c: {  	s0 =	sadd.s32 s1, s0;
	s22 =	spop (v2sf);
	s26 =	smul.u32 $0x55555556, s26  }
0x17d: {  	s13 =	sadd.s32 s29, s28;
	s29 =	smulhi.u32 $0x55555556, s22;
	s22 =	sshra.s32 s22, $0x1F  }
0x17e: {  	s28 =	sadd.s32 s31, s30;
	s31 =	spop (v2sf);
	s1 =	smul.u32 $0x55555556, s22  }
0x17f: {  	s5 =	sadd.s32 s9, s5;
	s9 =	smulhi.u32 $0x55555556, s31;
	s30 =	sshra.s32 s31, $0x1F  }
0x180: {  	s22 =	sadd.s32 s15, s4;
	s31 =	spop (v2sf);
	s4 =	smul.u32 $0x55555556, s30  }
0x181: {  	s25 =	sadd.s32 s26, s25;
	s26 =	smulhi.u32 $0x55555556, s31;
	s15 =	sshra.s32 s31, $0x1F  }
0x182: {  	v15 =	vmov s0;
	s0 =	sshrl.u32 s0, $0x1F;
	s31 =	spop (v2sf);
	s15 =	smul.u32 $0x55555556, s15  }
0x183: {  	v14 =	vsel vm0, s17, v14;
	s10 =	sadd.s32 s10, s21;
	s1 =	sadd.s32 s1, s29;
	s29 =	smulhi.u32 $0x55555556, s31  }
0x184: {  	v14 =	vsel vm1, s16, v14;
	v13 =	vmov s25;
	s21 =	sshra.s32 s31, $0x1F;
	s31 =	spop (v2sf);
	s25 =	sshrl.u32 s25, $0x1F  }
0x185: {  	v39 =	vmov s23;
	v17 =	vmov s0;
	v14 =	vsel vm2, s13, v14;
	s4 =	sadd.s32 s4, s9;
	s9 =	smul.u32 $0x55555556, s21;
	s21 =	sshra.s32 s31, $0x1F  }
0x186: {  	v15 =	vsel vm0, s28, v15;
	v13 =	vnsel vm3, $0x0, v13;
	s30 =	spop (v2sf);
	v16 =	vmov s25;
	s15 =	sadd.s32 s15, s26;
	s26 =	smulhi.u32 $0x55555556, s31  }
0x187: {  	v15 =	vsel vm1, s5, v15;
	v13 =	vsel vm0, s10, v13;
	s21 =	smul.u32 $0x55555556, s21;
	s31 =	sshra.s32 s30, $0x1F;
	v16 =	vnsel vm3, $0x0, v16;
	s10 =	sshrl.u32 s10, $0x1F  }
0x188: {  	v15 =	vsel vm2, s22, v15;
	v13 =	vsel vm1, s1, v13;
	s9 =	sadd.s32 s9, s29;
	v38 =	vsel vm0, s10, v16;
	s1 =	sshrl.u32 s1, $0x1F;
	s29 =	sshrl.u32 s17, $0x1F  }
0x189: {  	v14 =	vcombine.low v15, v14;
	v13 =	vsel vm2, s4, v13;
	s21 =	sadd.s32 s21, s26;
	s26 =	smul.u32 $0x55555556, s31;
	s31 =	sshrl.u32 s28, $0x1F;
	v15 =	vsel vm1, s1, v38  }
0x18a: {  	s23 =	sshrl.u32 s16, $0x1F;
	s25 =	smulhi.u32 $0x55555556, s30;
	s4 =	sshrl.u32 s4, $0x1F;
	v16 =	vsel vm0, s29, v39;
	v13 =	vsel vm4, s15, v13;
	v17 =	vsel vm0, s31, v17  }
0x18b: {  	s29 =	sshrl.u32 s5, $0x1F;
	s5 =	sshrl.u32 s13, $0x1F;
	v15 =	vsel vm2, s4, v15;
	s31 =	sshrl.u32 s15, $0x1F;
	v16 =	vsel vm1, s23, v16;
	v13 =	vsel vm5, s9, v13  }
0x18c: {  	s10 =	sshrl.u32 s22, $0x1F;
	s13 =	sshrl.u32 s9, $0x1F;
	v17 =	vsel vm1, s29, v17;
	v15 =	vsel vm4, s31, v15;
	v16 =	vsel vm2, s5, v16  }
0x18d: {  	s23 =	sshrl.u32 s21, $0x1F;
	s22 =	sadd.s32 s26, s25;
	v13 =	vsel vm6, s21, v13;
	v17 =	vsel vm2, s10, v17;
	v15 =	vsel vm5, s13, v15  }
0x18e: {  	s25 =	sshrl.u32 s22, $0x1F;
	v13 =	vsel vm7, s22, v13;
	v16 =	vcombine.low v17, v16;
	v15 =	vsel vm6, s23, v15  }
0x18f: {  	v14 =	vperm.xlane v14, v5;
	v13 =	vperm.xlane v13, v6;
	v15 =	vsel vm7, s25, v15  }
0x190: {  	v16 =	vperm.xlane v16, v5;
	v15 =	vperm.xlane v15, v6;
	_ =	sdelay $0x1  }
0x191: {  	v13 =	vsel vm8, v13, v14;
	v40 =	vsel vm8, v15, v16  }
0x192: {  	v13 =	vadd.s32 v40, v13  }
0x193: {  	v13 =	vmul.u32 $0x3, v13;
	_ =	sdelay $0x1  }
0x194: {  	v12 =	vsub.s32 v12, v13  }
0x195: {  	vm10 =	veq.s32 v12, $0x0  }
0x196: {  	v42 =	vor.u32 s20, v8;
	v41 =	vsel vm10, $0x1, v7  }
0x197: {  	vm11 =	veq.s32 v12, $0x1;
	v43 =	vnsel vm10, $0x7FFFFFFF, v42;
	(xrf0) =	vadd.scan.msk.s32 $0xffff, v41  }
0x198: {  	v44 =	vsel vm11, $0x1, v7;
	(xrf0) =	vmax.scan.msk.u32 $0xffff, v43  }
0x199: {  	vm12 =	veq.s32 v12, $0x2;
	v45 =	vnsel vm11, $0x7FFFFFFF, v42;
	(xrf0) =	vadd.scan.msk.s32 $0xffff, v44  }
0x19a: {  	v12 =	vsel vm12, $0x1, v7;
	(xrf0) =	vmax.scan.msk.u32 $0xffff, v45  }
0x19b: {  	v46 =	vnsel vm12, $0x7FFFFFFF, v42;
	(xrf0) =	vadd.scan.msk.s32 $0xffff, v12  }
0x19c: {  	(xrf0) =	vmax.scan.msk.u32 $0xffff, v46  }
0x19d: {  	v47, _, _ =	vpop (xrf0)  }
0x19e: {  	v48, _, _ =	vpop (xrf0);
	(v2sf) =	vpush v47, $0xF  }
0x19f: {  	v49, _, _ =	vpop (xrf0);
	(v2sf) =	vpush v48, $0xF  }
0x1a0: {  	v50, _, _ =	vpop (xrf0);
	(v2sf) =	vpush v49, $0xF  }
0x1a1: {  	v51, _, _ =	vpop (xrf0);
	(v2sf) =	vpush v50, $0xF  }
0x1a2: {  	(v2sf) =	vpush v51, $0xF;
	v52, _, _ =	vpop (xrf0)  }
0x1a3: {  	(v2sf) =	vpush v52, $0xF;
	_ =	sdelay $0x6  }
0x1a4: {  	v53 =	vmov s24  }
0x1a5: {  	s16 =	rddreg [dreg:$0x8];
	v13 =	vadd.s32 $0xFFFFFFFF, v53  }
0x1a6: {  	v54 =	vmov s16;
	s13 =	rddreg [dreg:$0x7];
	v13 =	vbroadcast v13, $0x0  }
0x1a7: {  	v55 =	vmov s13;
	v16 =	vadd.s32 $0xFFFFFFFF, v54;
	s25 =	spop (v2sf)  }
0x1a8: {  	v57 =	vadd.s32 $0xFFFFFFFF, v55;
	v56 =	vbroadcast v16, $0x0;
	v12 =	vadd.s32 v47, v13;
	s26 =	spop (v2sf)  }
0x1a9: {  	v16 =	vbroadcast v57, $0x0;
	v58 =	vshll.u32 v12, $0x2;
	s22 =	spop (v2sf)  }
0x1aa: {  	s0 =	smov.u32 s11;
	s4 =	smov.u32 s18;
	v12 =	vand.u32 $0x7F, v12;
	v13 =	vadd.s32 v49, v56;
	v59 =	vand.u32 $0xFFFFFE00, v58;
	s29 =	spop (v2sf)  }
0x1ab: {  	s5 =	smov.u32 s14;
	v12 =	vor.u32 v12, v59;
	v60 =	vshll.u32 v13, $0x2;
	v15 =	vadd.s32 v51, v16;
	s18 =	sxor.u32 $0x80000000, s26;
	s17 =	spop (v2sf)  }
0x1ac: {  	v13 =	vand.u32 $0x7F, v13;
	v14 =	vand.u32 $0xFFFFFE00, v60;
	v16 =	vshll.u32 v15, $0x2;
	p0 =	sgt.s32 s4, s18;
	s14 =	sxor.u32 $0x80000000, s29;
	s31 =	spop (v2sf)  }
0x1ad: {  	v13 =	vor.u32 v14, v13;
	v61 =	vand.u32 $0x7F, v15;
	v62 =	vand.u32 $0xFFFFFE00, v16;
	s18 =	smov.u32 @p0 s4;
	p0 =	sgt.s32 s5, s14;
	s11 =	sxor.u32 $0x80000000, s31  }
0x1ae: {  	v13 =	vor.u32 $0x80, v13;
	v14 =	vor.u32 v62, v61;
	s14 =	smov.u32 @p0 s5;
	p0 =	sgt.s32 s0, s11  }
0x1af: {  	v14 =	vor.u32 $0x100, v14;
	s11 =	smov.u32 @p0 s0;
	p0 =	sne.s32 s19, $0x7C0  }
.Ltmp5:
0x1b0: {  	_ = 	snop;
	(pc) =	sbr.rel @p0 .LBB2_8-.Ltmp5, $4  }
0x1b1: {  	v63 =	vor.u32 s20, v4;
	s15 =	simm.s32 $0xC200  }
0x1b2: {  	[tilespmem:v12+s15+$0x0] =	vst.idx.msk vm10, v63  }
0x1b3: {  	s20 =	sadd.s32 $0x10, s20;
	s23 =	smov.u32 s24;
	[tilespmem:v13+s15+$0x0] =	vst.idx.msk vm11, v63;
	s24 =	sadd.s32 s24, s25  }
0x1b4: {  	[tilespmem:v14+s15+$0x0] =	vst.idx.msk vm12, v63;
	s30 =	sadd.s32 s16, s22;
	s28 =	sadd.s32 s13, s17;
	s19 =	sadd.s32 $0x40, s19  }
0x1b5: {  	s0 =	sadd.s32 $0xF, s24  }
0x1b6: {  	s1 =	sand.u32 $0xF, s0  }
0x1b7: {  	s4 =	sshra.s32 s0, $0x1F;
	p0 =	slt.s32 s0, $0x1;
	p1 =	sne.s32 s1, $0x0  }
0x1b8: {  	s31 =	sshrl.u32 s4, $0x1C;
	p0 =	por !p0, !p1  }
0x1b9: {  	s1 =	simm.s32 $0x1;
	s0 =	sadd.s32 s31, s0;
	p0 =	por !p0, !p0  }
0x1ba: {  	s0 =	sshra.s32 s0, $0x4;
	s1 =	simm.s32 @!p0 $0x0  }
0x1bb: {  	s29 =	ssub.s32 s0, s1  }
0x1bc: {  	p0 =	slt.s32 s29, $0x1  }
.Ltmp6:
0x1bd: {  	_ = 	snop;
	(pc) =	sbr.rel @p0 .LBB2_17-.Ltmp6, $4  }
0x1be: {  	_ = 	snop  }
0x1bf: {  	s5 =	simm.s32 $0x1200;
	s9 =	simm.s32 $0x1A00  }
0x1c0: {  	s10 =	simm.s32 $0x2200;
	s15 =	simm.s32 $0x2A00;
	s21 =	simm.s32 $0x3200  }
0x1c1: {  	s26 =	simm.s32 $0x3A00;
	s4 =	simm.s32 $0xA00;
	s1 =	simm.s32 $0x200  }
0x1c2: {  	p1 =	sne.s32 s29, $0x1  }
.Ltmp7:
0x1c3: {  	_ = 	snop;
	(pc) =	sbr.rel @!p1 .LBB2_11-.Ltmp7, $4  }
0x1c4: {  	_ = 	snop  }
0x1c5: {  	s0 =	simm.s32 $0x0;
	s19 =	sadd.s32 s23, s25  }
0x1c6: {  	s23 =	sadd.s32 $0xFFFFFFFF, s29;
	v12 =	vmov s18;
	s20 =	simm.s32 $0x40;
	s18 =	simm.s32 $0x10  }
0x1c7: {  	p0 =	por $0x0, $0x0;
	s25 =	sand.u32 $0x70, s0;
	s24 =	sand.u32 $0xFFFFFE00, s0  }
0x1c8: {  	s0 =	sor.u32 s25, s24  }
0x1c9: {  	v13 =	vld [tilespmem:s0+$0xC200];
	_ =	sdelay $0x2  }
0x1ca: {  	v14 =	vmov s19  }
0x1cb: {  	vm10 =	vgt.s32 v14, v4  }
0x1cc: {  	v13 =	vsel vm10, v13, v12  }
0x1cd: {  	v14 =	vshll.u32 v13, $0x3  }
0x1ce: {  	v13 =	vand.u32 $0x7, v13;
	v14 =	vand.u32 $0xFFFFFFC0, v14  }
0x1cf: {  	v13 =	vor.u32 v13, v14  }
0x1d0: {  	v14 =	vperm.xlane v13, v9;
	_ =	sdelay $0x1  }
0x1d1: {  	v14 =	vadd.s32 v10, v14;
	_ =	sdelay $0x4  }
0x1d2: {  	[hbm4b:s2+s3] =	stream.indirect_vreg.scatter [tilespmem:s1], [sflag:$0x1], $0x80, v14, vm9, $0xb8;
	[tilespmem:$0xCA00] =	vst v63  }
0x1d3: {  	v13 =	vperm.xlane v13, v11  }
0x1d4: {  	[hbm4b:s6+s3] =	stream.indirect_vreg.scatter [tilespmem:s4], [sflag:$0x1], $0x80, v14, vm9, $0xb8;
	[tilespmem:$0xCA00] =	vst v63  }
0x1d5: {  	v13 =	vadd.s32 v10, v13  }
0x1d6: {  	[hbm4b:s7+s3] =	stream.indirect_vreg.scatter [tilespmem:s5], [sflag:$0x1], $0x80, v14, vm9, $0xb8;
	[tilespmem:$0xCA00] =	vst v63  }
0x1d7: {  	_ = 	snop  }
0x1d8: {  	[hbm4b:s8+s3] =	stream.indirect_vreg.scatter [tilespmem:s9], [sflag:$0x1], $0x80, v14, vm9, $0xb8;
	[tilespmem:$0xCA00] =	vst v63  }
0x1d9: {  	p1 =	sne.s32 s23, $0x1  }
0x1da: {  	[hbm4b:s2+s3] =	stream.indirect_vreg.scatter [tilespmem:s10], [sflag:$0x1], $0x80, v13, vm9, $0xb8;
	[tilespmem:$0xCA00] =	vst v63  }
.Ltmp8:
0x1db: {  	s18 =	sand.u32 $0x70, s18;
	(pc) =	sbr.rel @!p1 .LBB2_13-.Ltmp8, $4  }
0x1dc: {  	s20 =	sand.u32 $0xFFFFFE00, s20;
	s23 =	sadd.s32 $0xFFFFFFFF, s23;
	s24 =	simm.s32 $0x80  }
0x1dd: {  	[hbm4b:s6+s3] =	stream.indirect_vreg.scatter [tilespmem:s15], [sflag:$0x1], $0x80, v13, vm9, $0xb8;
	[tilespmem:$0xCA00] =	vst v63  }
0x1de: {  	s25 =	simm.s32 $0x20;
	s19 =	sadd.s32 $0xFFFFFFF0, s19;
	p0 =	por $0x1, $0x1  }
0x1df: {  	[hbm4b:s7+s3] =	stream.indirect_vreg.scatter [tilespmem:s21], [sflag:$0x1], $0x80, v13, vm9, $0xb8;
	[tilespmem:$0xCA00] =	vst v63  }
.LBB2_14:
0x1e0: {  	[hbm4b:s8+s3] =	stream.indirect_vreg.scatter [tilespmem:s26], [sflag:$0x1], $0x80, v13, vm9, $0xb8;
	[tilespmem:$0xCA00] =	vst v63  }
0x1e1: {  	s0 =	sor.u32 s18, s20;
	s20 =	sand.u32 $0xFFFFFE00, s24;
	s18 =	sand.u32 $0x70, s25  }
0x1e2: {  	p1 =	sne.s32 s23, $0x1;
	s23 =	sadd.s32 $0xFFFFFFFF, s23;
	v13 =	vld [tilespmem:s0+$0xC200];
	_ =	sdelay $0x2  }
0x1e3: {  	v14 =	vmov s19  }
0x1e4: {  	vm10 =	vgt.s32 v14, v4  }
0x1e5: {  	v13 =	vsel vm10, v13, v12  }
0x1e6: {  	v14 =	vshll.u32 v13, $0x3  }
0x1e7: {  	v13 =	vand.u32 $0x7, v13;
	v14 =	vand.u32 $0xFFFFFFC0, v14  }
0x1e8: {  	v13 =	vor.u32 v13, v14  }
0x1e9: {  	v14 =	vperm.xlane v13, v9;
	v13 =	vperm.xlane v13, v11;
	_ =	sdelay $0x1  }
0x1ea: {  	v14 =	vadd.s32 v10, v14;
	_ =	sdelay $0x4  }
0x1eb: {  	[hbm4b:s2+s3] =	stream.indirect_vreg.scatter [tilespmem:s1], [sflag:$0x1], $0x80, v14, vm9, $0xb8;
	[tilespmem:$0xCA00] =	vst v63  }
0x1ec: {  	_ = 	snop  }
0x1ed: {  	[hbm4b:s6+s3] =	stream.indirect_vreg.scatter [tilespmem:s4], [sflag:$0x1], $0x80, v14, vm9, $0xb8;
	[tilespmem:$0xCA00] =	vst v63  }
0x1ee: {  	v13 =	vadd.s32 v10, v13  }
0x1ef: {  	[hbm4b:s7+s3] =	stream.indirect_vreg.scatter [tilespmem:s5], [sflag:$0x1], $0x80, v14, vm9, $0xb8;
	[tilespmem:$0xCA00] =	vst v63  }
0x1f0: {  	_ = 	snop  }
0x1f1: {  	[hbm4b:s8+s3] =	stream.indirect_vreg.scatter [tilespmem:s9], [sflag:$0x1], $0x80, v14, vm9, $0xb8;
	[tilespmem:$0xCA00] =	vst v63  }
0x1f2: {  	_ = 	snop  }
0x1f3: {  	[hbm4b:s2+s3] =	stream.indirect_vreg.scatter [tilespmem:s10], [sflag:$0x1], $0x80, v13, vm9, $0xb8;
	[tilespmem:$0xCA00] =	vst v63  }
.Ltmp9:
0x1f4: {  	(pc) =	sbr.rel @p1 .LBB2_14-.Ltmp9, $4  }
0x1f5: {  	[hbm4b:s6+s3] =	stream.indirect_vreg.scatter [tilespmem:s15], [sflag:$0x1], $0x80, v13, vm9, $0xb8;
	[tilespmem:$0xCA00] =	vst v63  }
0x1f6: {  	_ = 	snop  }
0x1f7: {  	[hbm4b:s7+s3] =	stream.indirect_vreg.scatter [tilespmem:s21], [sflag:$0x1], $0x80, v13, vm9, $0xb8;
	[tilespmem:$0xCA00] =	vst v63  }
0x1f8: {  	s24 =	sadd.s32 $0x40, s24;
	s25 =	sadd.s32 $0x10, s25;
	s19 =	sadd.s32 $0xFFFFFFF0, s19  }
0x1f9: {  	s24 =	smov.u32 s20;
	s25 =	smov.u32 s18  }
.LBB2_16:
0x1fa: {  	_ =	sdelay $0x3  }
0x1fb: {  	[hbm4b:s8+s3] =	stream.indirect_vreg.scatter @p0 [tilespmem:s26], [sflag:$0x1], $0x80, v13, vm9, $0xb8;
	[tilespmem:$0xCA00] =	vst v63  }
0x1fc: {  	s0 =	sor.u32 s25, s24  }
0x1fd: {  	v13 =	vld [tilespmem:s0+$0xC200];
	_ =	sdelay $0x2  }
0x1fe: {  	v14 =	vmov s19  }
0x1ff: {  	vm10 =	vgt.s32 v14, v4  }
0x200: {  	v12 =	vsel vm10, v13, v12  }
0x201: {  	v13 =	vshll.u32 v12, $0x3  }
0x202: {  	v12 =	vand.u32 $0x7, v12;
	v13 =	vand.u32 $0xFFFFFFC0, v13  }
0x203: {  	v12 =	vor.u32 v12, v13  }
0x204: {  	v13 =	vperm.xlane v12, v9;
	_ =	sdelay $0x1  }
0x205: {  	v13 =	vadd.s32 v10, v13;
	_ =	sdelay $0x4  }
0x206: {  	[hbm4b:s2+s3] =	stream.indirect_vreg.scatter [tilespmem:s1], [sflag:$0x1], $0x80, v13, vm9, $0xb8;
	[tilespmem:$0xCA00] =	vst v63  }
0x207: {  	v12 =	vperm.xlane v12, v11  }
0x208: {  	[hbm4b:s6+s3] =	stream.indirect_vreg.scatter [tilespmem:s4], [sflag:$0x1], $0x80, v13, vm9, $0xb8;
	[tilespmem:$0xCA00] =	vst v63  }
0x209: {  	v12 =	vadd.s32 v10, v12  }
0x20a: {  	[hbm4b:s7+s3] =	stream.indirect_vreg.scatter [tilespmem:s5], [sflag:$0x1], $0x80, v13, vm9, $0xb8;
	[tilespmem:$0xCA00] =	vst v63  }
0x20b: {  	_ = 	snop  }
0x20c: {  	[hbm4b:s8+s3] =	stream.indirect_vreg.scatter [tilespmem:s9], [sflag:$0x1], $0x80, v13, vm9, $0xb8;
	[tilespmem:$0xCA00] =	vst v63  }
0x20d: {  	_ = 	snop  }
0x20e: {  	[hbm4b:s2+s3] =	stream.indirect_vreg.scatter [tilespmem:s10], [sflag:$0x1], $0x80, v12, vm9, $0xb8;
	[tilespmem:$0xCA00] =	vst v63  }
0x20f: {  	_ = 	snop  }
0x210: {  	[hbm4b:s6+s3] =	stream.indirect_vreg.scatter [tilespmem:s15], [sflag:$0x1], $0x80, v12, vm9, $0xb8;
	[tilespmem:$0xCA00] =	vst v63  }
0x211: {  	_ = 	snop  }
0x212: {  	[hbm4b:s7+s3] =	stream.indirect_vreg.scatter [tilespmem:s21], [sflag:$0x1], $0x80, v12, vm9, $0xb8;
	[tilespmem:$0xCA00] =	vst v63  }
0x213: {  	_ = 	snop  }
0x214: {  	[hbm4b:s8+s3] =	stream.indirect_vreg.scatter [tilespmem:s26], [sflag:$0x1], $0x80, v12, vm9, $0xb8;
	[tilespmem:$0xCA00] =	vst v63  }
.LBB2_17:
0x215: {  	s0 =	sadd.s32 $0xF, s30  }
0x216: {  	s1 =	sand.u32 $0xF, s0  }
0x217: {  	s4 =	sshra.s32 s0, $0x1F;
	p0 =	slt.s32 s0, $0x1;
	p1 =	sne.s32 s1, $0x0  }
0x218: {  	s31 =	sshrl.u32 s4, $0x1C;
	p0 =	por !p0, !p1  }
0x219: {  	s1 =	simm.s32 $0x1;
	s0 =	sadd.s32 s31, s0;
	p0 =	por !p0, !p0  }
0x21a: {  	s0 =	sshra.s32 s0, $0x4;
	s1 =	simm.s32 @!p0 $0x0  }
0x21b: {  	s18 =	ssub.s32 s0, s1  }
0x21c: {  	p0 =	slt.s32 s18, $0x1  }
.Ltmp10:
0x21d: {  	_ = 	snop;
	(pc) =	sbr.rel @p0 .LBB2_25-.Ltmp10, $4  }
0x21e: {  	_ = 	snop  }
0x21f: {  	s5 =	simm.s32 $0x5200;
	s9 =	simm.s32 $0x5A00  }
0x220: {  	s10 =	simm.s32 $0x6200;
	s15 =	simm.s32 $0x6A00;
	s23 =	simm.s32 $0x7200  }
0x221: {  	s24 =	simm.s32 $0x7A00;
	s4 =	simm.s32 $0x4A00;
	s1 =	simm.s32 $0x4200  }
0x222: {  	p1 =	sne.s32 s18, $0x1  }
.Ltmp11:
0x223: {  	_ = 	snop;
	(pc) =	sbr.rel @!p1 .LBB2_19-.Ltmp11, $4  }
0x224: {  	_ = 	snop  }
0x225: {  	s0 =	simm.s32 $0x0;
	s16 =	sadd.s32 s16, s22  }
0x226: {  	s20 =	sadd.s32 $0xFFFFFFFF, s18;
	v12 =	vmov s14;
	s19 =	simm.s32 $0x40;
	s14 =	simm.s32 $0x10  }
0x227: {  	p0 =	por $0x0, $0x0;
	s22 =	sand.u32 $0x70, s0;
	s21 =	sand.u32 $0xFFFFFE00, s0  }
0x228: {  	s0 =	sor.u32 s22, s21  }
0x229: {  	v13 =	vld [tilespmem:s0+$0xC280];
	_ =	sdelay $0x2  }
0x22a: {  	v14 =	vmov s16  }
0x22b: {  	vm10 =	vgt.s32 v14, v4  }
0x22c: {  	v13 =	vsel vm10, v13, v12  }
0x22d: {  	v14 =	vshll.u32 v13, $0x3  }
0x22e: {  	v13 =	vand.u32 $0x7, v13;
	v14 =	vand.u32 $0xFFFFFFC0, v14  }
0x22f: {  	v13 =	vor.u32 v13, v14  }
0x230: {  	v14 =	vperm.xlane v13, v9;
	_ =	sdelay $0x1  }
0x231: {  	v14 =	vadd.s32 v10, v14;
	_ =	sdelay $0x4  }
0x232: {  	[hbm4b:s2+s3] =	stream.indirect_vreg.scatter [tilespmem:s1], [sflag:$0x1], $0x80, v14, vm9, $0xb8;
	[tilespmem:$0xCA00] =	vst v63  }
0x233: {  	v13 =	vperm.xlane v13, v11  }
0x234: {  	[hbm4b:s6+s3] =	stream.indirect_vreg.scatter [tilespmem:s4], [sflag:$0x1], $0x80, v14, vm9, $0xb8;
	[tilespmem:$0xCA00] =	vst v63  }
0x235: {  	v13 =	vadd.s32 v10, v13  }
0x236: {  	[hbm4b:s7+s3] =	stream.indirect_vreg.scatter [tilespmem:s5], [sflag:$0x1], $0x80, v14, vm9, $0xb8;
	[tilespmem:$0xCA00] =	vst v63  }
0x237: {  	_ = 	snop  }
0x238: {  	[hbm4b:s8+s3] =	stream.indirect_vreg.scatter [tilespmem:s9], [sflag:$0x1], $0x80, v14, vm9, $0xb8;
	[tilespmem:$0xCA00] =	vst v63  }
0x239: {  	p1 =	sne.s32 s20, $0x1  }
0x23a: {  	[hbm4b:s2+s3] =	stream.indirect_vreg.scatter [tilespmem:s10], [sflag:$0x1], $0x80, v13, vm9, $0xb8;
	[tilespmem:$0xCA00] =	vst v63  }
.Ltmp12:
0x23b: {  	s14 =	sand.u32 $0x70, s14;
	(pc) =	sbr.rel @!p1 .LBB2_21-.Ltmp12, $4  }
0x23c: {  	s19 =	sand.u32 $0xFFFFFE00, s19;
	s20 =	sadd.s32 $0xFFFFFFFF, s20;
	s21 =	simm.s32 $0x80  }
0x23d: {  	[hbm4b:s6+s3] =	stream.indirect_vreg.scatter [tilespmem:s15], [sflag:$0x1], $0x80, v13, vm9, $0xb8;
	[tilespmem:$0xCA00] =	vst v63  }
0x23e: {  	s22 =	simm.s32 $0x20;
	s16 =	sadd.s32 $0xFFFFFFF0, s16;
	p0 =	por $0x1, $0x1  }
0x23f: {  	[hbm4b:s7+s3] =	stream.indirect_vreg.scatter [tilespmem:s23], [sflag:$0x1], $0x80, v13, vm9, $0xb8;
	[tilespmem:$0xCA00] =	vst v63  }
.LBB2_22:
0x240: {  	[hbm4b:s8+s3] =	stream.indirect_vreg.scatter [tilespmem:s24], [sflag:$0x1], $0x80, v13, vm9, $0xb8;
	[tilespmem:$0xCA00] =	vst v63  }
0x241: {  	s0 =	sor.u32 s14, s19;
	s19 =	sand.u32 $0xFFFFFE00, s21;
	s14 =	sand.u32 $0x70, s22  }
0x242: {  	p1 =	sne.s32 s20, $0x1;
	s20 =	sadd.s32 $0xFFFFFFFF, s20;
	v13 =	vld [tilespmem:s0+$0xC280];
	_ =	sdelay $0x2  }
0x243: {  	v14 =	vmov s16  }
0x244: {  	vm10 =	vgt.s32 v14, v4  }
0x245: {  	v13 =	vsel vm10, v13, v12  }
0x246: {  	v14 =	vshll.u32 v13, $0x3  }
0x247: {  	v13 =	vand.u32 $0x7, v13;
	v14 =	vand.u32 $0xFFFFFFC0, v14  }
0x248: {  	v13 =	vor.u32 v13, v14  }
0x249: {  	v14 =	vperm.xlane v13, v9;
	v13 =	vperm.xlane v13, v11;
	_ =	sdelay $0x1  }
0x24a: {  	v14 =	vadd.s32 v10, v14;
	_ =	sdelay $0x4  }
0x24b: {  	[hbm4b:s2+s3] =	stream.indirect_vreg.scatter [tilespmem:s1], [sflag:$0x1], $0x80, v14, vm9, $0xb8;
	[tilespmem:$0xCA00] =	vst v63  }
0x24c: {  	_ = 	snop  }
0x24d: {  	[hbm4b:s6+s3] =	stream.indirect_vreg.scatter [tilespmem:s4], [sflag:$0x1], $0x80, v14, vm9, $0xb8;
	[tilespmem:$0xCA00] =	vst v63  }
0x24e: {  	v13 =	vadd.s32 v10, v13  }
0x24f: {  	[hbm4b:s7+s3] =	stream.indirect_vreg.scatter [tilespmem:s5], [sflag:$0x1], $0x80, v14, vm9, $0xb8;
	[tilespmem:$0xCA00] =	vst v63  }
0x250: {  	_ = 	snop  }
0x251: {  	[hbm4b:s8+s3] =	stream.indirect_vreg.scatter [tilespmem:s9], [sflag:$0x1], $0x80, v14, vm9, $0xb8;
	[tilespmem:$0xCA00] =	vst v63  }
0x252: {  	_ = 	snop  }
0x253: {  	[hbm4b:s2+s3] =	stream.indirect_vreg.scatter [tilespmem:s10], [sflag:$0x1], $0x80, v13, vm9, $0xb8;
	[tilespmem:$0xCA00] =	vst v63  }
.Ltmp13:
0x254: {  	(pc) =	sbr.rel @p1 .LBB2_22-.Ltmp13, $4  }
0x255: {  	[hbm4b:s6+s3] =	stream.indirect_vreg.scatter [tilespmem:s15], [sflag:$0x1], $0x80, v13, vm9, $0xb8;
	[tilespmem:$0xCA00] =	vst v63  }
0x256: {  	_ = 	snop  }
0x257: {  	[hbm4b:s7+s3] =	stream.indirect_vreg.scatter [tilespmem:s23], [sflag:$0x1], $0x80, v13, vm9, $0xb8;
	[tilespmem:$0xCA00] =	vst v63  }
0x258: {  	s21 =	sadd.s32 $0x40, s21;
	s22 =	sadd.s32 $0x10, s22;
	s16 =	sadd.s32 $0xFFFFFFF0, s16  }
0x259: {  	s21 =	smov.u32 s19;
	s22 =	smov.u32 s14  }
.LBB2_24:
0x25a: {  	_ =	sdelay $0x3  }
0x25b: {  	[hbm4b:s8+s3] =	stream.indirect_vreg.scatter @p0 [tilespmem:s24], [sflag:$0x1], $0x80, v13, vm9, $0xb8;
	[tilespmem:$0xCA00] =	vst v63  }
0x25c: {  	s0 =	sor.u32 s22, s21  }
0x25d: {  	v13 =	vld [tilespmem:s0+$0xC280];
	_ =	sdelay $0x2  }
0x25e: {  	v14 =	vmov s16  }
0x25f: {  	vm10 =	vgt.s32 v14, v4  }
0x260: {  	v12 =	vsel vm10, v13, v12  }
0x261: {  	v13 =	vshll.u32 v12, $0x3  }
0x262: {  	v12 =	vand.u32 $0x7, v12;
	v13 =	vand.u32 $0xFFFFFFC0, v13  }
0x263: {  	v12 =	vor.u32 v12, v13  }
0x264: {  	v13 =	vperm.xlane v12, v9;
	_ =	sdelay $0x1  }
0x265: {  	v13 =	vadd.s32 v10, v13;
	_ =	sdelay $0x4  }
0x266: {  	[hbm4b:s2+s3] =	stream.indirect_vreg.scatter [tilespmem:s1], [sflag:$0x1], $0x80, v13, vm9, $0xb8;
	[tilespmem:$0xCA00] =	vst v63  }
0x267: {  	v12 =	vperm.xlane v12, v11  }
0x268: {  	[hbm4b:s6+s3] =	stream.indirect_vreg.scatter [tilespmem:s4], [sflag:$0x1], $0x80, v13, vm9, $0xb8;
	[tilespmem:$0xCA00] =	vst v63  }
0x269: {  	v12 =	vadd.s32 v10, v12  }
0x26a: {  	[hbm4b:s7+s3] =	stream.indirect_vreg.scatter [tilespmem:s5], [sflag:$0x1], $0x80, v13, vm9, $0xb8;
	[tilespmem:$0xCA00] =	vst v63  }
0x26b: {  	_ = 	snop  }
0x26c: {  	[hbm4b:s8+s3] =	stream.indirect_vreg.scatter [tilespmem:s9], [sflag:$0x1], $0x80, v13, vm9, $0xb8;
	[tilespmem:$0xCA00] =	vst v63  }
0x26d: {  	_ = 	snop  }
0x26e: {  	[hbm4b:s2+s3] =	stream.indirect_vreg.scatter [tilespmem:s10], [sflag:$0x1], $0x80, v12, vm9, $0xb8;
	[tilespmem:$0xCA00] =	vst v63  }
0x26f: {  	_ = 	snop  }
0x270: {  	[hbm4b:s6+s3] =	stream.indirect_vreg.scatter [tilespmem:s15], [sflag:$0x1], $0x80, v12, vm9, $0xb8;
	[tilespmem:$0xCA00] =	vst v63  }
0x271: {  	_ = 	snop  }
0x272: {  	[hbm4b:s7+s3] =	stream.indirect_vreg.scatter [tilespmem:s23], [sflag:$0x1], $0x80, v12, vm9, $0xb8;
	[tilespmem:$0xCA00] =	vst v63  }
0x273: {  	_ = 	snop  }
0x274: {  	[hbm4b:s8+s3] =	stream.indirect_vreg.scatter [tilespmem:s24], [sflag:$0x1], $0x80, v12, vm9, $0xb8;
	[tilespmem:$0xCA00] =	vst v63  }
.LBB2_25:
0x275: {  	s0 =	sadd.s32 $0xF, s28  }
0x276: {  	s1 =	sand.u32 $0xF, s0  }
0x277: {  	s4 =	sshra.s32 s0, $0x1F;
	p0 =	slt.s32 s0, $0x1;
	p1 =	sne.s32 s1, $0x0  }
0x278: {  	s31 =	sshrl.u32 s4, $0x1C;
	p0 =	por !p0, !p1  }
0x279: {  	s1 =	simm.s32 $0x1;
	s0 =	sadd.s32 s31, s0;
	p0 =	por !p0, !p0  }
0x27a: {  	s0 =	sshra.s32 s0, $0x4;
	s1 =	simm.s32 @!p0 $0x0  }
0x27b: {  	s14 =	ssub.s32 s0, s1  }
0x27c: {  	p0 =	slt.s32 s14, $0x1  }
.Ltmp14:
0x27d: {  	_ = 	snop;
	(pc) =	sbr.rel @p0 .LBB2_33-.Ltmp14, $4  }
0x27e: {  	_ = 	snop  }
0x27f: {  	s5 =	simm.s32 $0x9200;
	s9 =	simm.s32 $0x9A00  }
0x280: {  	s10 =	simm.s32 $0xA200;
	s20 =	simm.s32 $0xAA00;
	s21 =	simm.s32 $0xB200  }
0x281: {  	s22 =	simm.s32 $0xBA00;
	s4 =	simm.s32 $0x8A00;
	s1 =	simm.s32 $0x8200  }
0x282: {  	p1 =	sne.s32 s14, $0x1  }
.Ltmp15:
0x283: {  	_ = 	snop;
	(pc) =	sbr.rel @!p1 .LBB2_27-.Ltmp15, $4  }
0x284: {  	_ = 	snop  }
0x285: {  	s0 =	simm.s32 $0x0;
	s13 =	sadd.s32 s13, s17  }
0x286: {  	s16 =	sadd.s32 $0xFFFFFFFF, s14;
	v12 =	vmov s11;
	s15 =	simm.s32 $0x40;
	s11 =	simm.s32 $0x10  }
0x287: {  	p0 =	por $0x0, $0x0;
	s19 =	sand.u32 $0x70, s0;
	s17 =	sand.u32 $0xFFFFFE00, s0  }
0x288: {  	s0 =	sor.u32 s19, s17  }
0x289: {  	v13 =	vld [tilespmem:s0+$0xC300];
	_ =	sdelay $0x2  }
0x28a: {  	v14 =	vmov s13  }
0x28b: {  	vm10 =	vgt.s32 v14, v4  }
0x28c: {  	v13 =	vsel vm10, v13, v12  }
0x28d: {  	v14 =	vshll.u32 v13, $0x3  }
0x28e: {  	v13 =	vand.u32 $0x7, v13;
	v14 =	vand.u32 $0xFFFFFFC0, v14  }
0x28f: {  	v13 =	vor.u32 v13, v14  }
0x290: {  	v14 =	vperm.xlane v13, v9;
	_ =	sdelay $0x1  }
0x291: {  	v14 =	vadd.s32 v10, v14;
	_ =	sdelay $0x4  }
0x292: {  	[hbm4b:s2+s3] =	stream.indirect_vreg.scatter [tilespmem:s1], [sflag:$0x1], $0x80, v14, vm9, $0xb8;
	[tilespmem:$0xCA00] =	vst v63  }
0x293: {  	v13 =	vperm.xlane v13, v11  }
0x294: {  	[hbm4b:s6+s3] =	stream.indirect_vreg.scatter [tilespmem:s4], [sflag:$0x1], $0x80, v14, vm9, $0xb8;
	[tilespmem:$0xCA00] =	vst v63  }
0x295: {  	v13 =	vadd.s32 v10, v13  }
0x296: {  	[hbm4b:s7+s3] =	stream.indirect_vreg.scatter [tilespmem:s5], [sflag:$0x1], $0x80, v14, vm9, $0xb8;
	[tilespmem:$0xCA00] =	vst v63  }
0x297: {  	_ = 	snop  }
0x298: {  	[hbm4b:s8+s3] =	stream.indirect_vreg.scatter [tilespmem:s9], [sflag:$0x1], $0x80, v14, vm9, $0xb8;
	[tilespmem:$0xCA00] =	vst v63  }
0x299: {  	p1 =	sne.s32 s16, $0x1  }
0x29a: {  	[hbm4b:s2+s3] =	stream.indirect_vreg.scatter [tilespmem:s10], [sflag:$0x1], $0x80, v13, vm9, $0xb8;
	[tilespmem:$0xCA00] =	vst v63  }
.Ltmp16:
0x29b: {  	s11 =	sand.u32 $0x70, s11;
	(pc) =	sbr.rel @!p1 .LBB2_29-.Ltmp16, $4  }
0x29c: {  	s15 =	sand.u32 $0xFFFFFE00, s15;
	s16 =	sadd.s32 $0xFFFFFFFF, s16;
	s17 =	simm.s32 $0x80  }
0x29d: {  	[hbm4b:s6+s3] =	stream.indirect_vreg.scatter [tilespmem:s20], [sflag:$0x1], $0x80, v13, vm9, $0xb8;
	[tilespmem:$0xCA00] =	vst v63  }
0x29e: {  	s19 =	simm.s32 $0x20;
	s13 =	sadd.s32 $0xFFFFFFF0, s13;
	p0 =	por $0x1, $0x1  }
0x29f: {  	[hbm4b:s7+s3] =	stream.indirect_vreg.scatter [tilespmem:s21], [sflag:$0x1], $0x80, v13, vm9, $0xb8;
	[tilespmem:$0xCA00] =	vst v63  }
.LBB2_30:
0x2a0: {  	[hbm4b:s8+s3] =	stream.indirect_vreg.scatter [tilespmem:s22], [sflag:$0x1], $0x80, v13, vm9, $0xb8;
	[tilespmem:$0xCA00] =	vst v63  }
0x2a1: {  	s0 =	sor.u32 s11, s15;
	s15 =	sand.u32 $0xFFFFFE00, s17;
	s11 =	sand.u32 $0x70, s19  }
0x2a2: {  	p1 =	sne.s32 s16, $0x1;
	s16 =	sadd.s32 $0xFFFFFFFF, s16;
	v13 =	vld [tilespmem:s0+$0xC300];
	_ =	sdelay $0x2  }
0x2a3: {  	v14 =	vmov s13  }
0x2a4: {  	vm10 =	vgt.s32 v14, v4  }
0x2a5: {  	v13 =	vsel vm10, v13, v12  }
0x2a6: {  	v14 =	vshll.u32 v13, $0x3  }
0x2a7: {  	v13 =	vand.u32 $0x7, v13;
	v14 =	vand.u32 $0xFFFFFFC0, v14  }
0x2a8: {  	v13 =	vor.u32 v13, v14  }
0x2a9: {  	v14 =	vperm.xlane v13, v9;
	v13 =	vperm.xlane v13, v11;
	_ =	sdelay $0x1  }
0x2aa: {  	v14 =	vadd.s32 v10, v14;
	_ =	sdelay $0x4  }
0x2ab: {  	[hbm4b:s2+s3] =	stream.indirect_vreg.scatter [tilespmem:s1], [sflag:$0x1], $0x80, v14, vm9, $0xb8;
	[tilespmem:$0xCA00] =	vst v63  }
0x2ac: {  	_ = 	snop  }
0x2ad: {  	[hbm4b:s6+s3] =	stream.indirect_vreg.scatter [tilespmem:s4], [sflag:$0x1], $0x80, v14, vm9, $0xb8;
	[tilespmem:$0xCA00] =	vst v63  }
0x2ae: {  	v13 =	vadd.s32 v10, v13  }
0x2af: {  	[hbm4b:s7+s3] =	stream.indirect_vreg.scatter [tilespmem:s5], [sflag:$0x1], $0x80, v14, vm9, $0xb8;
	[tilespmem:$0xCA00] =	vst v63  }
0x2b0: {  	_ = 	snop  }
0x2b1: {  	[hbm4b:s8+s3] =	stream.indirect_vreg.scatter [tilespmem:s9], [sflag:$0x1], $0x80, v14, vm9, $0xb8;
	[tilespmem:$0xCA00] =	vst v63  }
0x2b2: {  	_ = 	snop  }
0x2b3: {  	[hbm4b:s2+s3] =	stream.indirect_vreg.scatter [tilespmem:s10], [sflag:$0x1], $0x80, v13, vm9, $0xb8;
	[tilespmem:$0xCA00] =	vst v63  }
.Ltmp17:
0x2b4: {  	(pc) =	sbr.rel @p1 .LBB2_30-.Ltmp17, $4  }
0x2b5: {  	[hbm4b:s6+s3] =	stream.indirect_vreg.scatter [tilespmem:s20], [sflag:$0x1], $0x80, v13, vm9, $0xb8;
	[tilespmem:$0xCA00] =	vst v63  }
0x2b6: {  	_ = 	snop  }
0x2b7: {  	[hbm4b:s7+s3] =	stream.indirect_vreg.scatter [tilespmem:s21], [sflag:$0x1], $0x80, v13, vm9, $0xb8;
	[tilespmem:$0xCA00] =	vst v63  }
0x2b8: {  	s17 =	sadd.s32 $0x40, s17;
	s19 =	sadd.s32 $0x10, s19;
	s13 =	sadd.s32 $0xFFFFFFF0, s13  }
0x2b9: {  	s17 =	smov.u32 s15;
	s19 =	smov.u32 s11  }
.LBB2_32:
0x2ba: {  	_ =	sdelay $0x3  }
0x2bb: {  	[hbm4b:s8+s3] =	stream.indirect_vreg.scatter @p0 [tilespmem:s22], [sflag:$0x1], $0x80, v13, vm9, $0xb8;
	[tilespmem:$0xCA00] =	vst v63  }
0x2bc: {  	s0 =	sor.u32 s19, s17  }
0x2bd: {  	v13 =	vld [tilespmem:s0+$0xC300];
	_ =	sdelay $0x2  }
0x2be: {  	v14 =	vmov s13  }
0x2bf: {  	vm10 =	vgt.s32 v14, v4  }
0x2c0: {  	v12 =	vsel vm10, v13, v12  }
0x2c1: {  	v13 =	vshll.u32 v12, $0x3  }
0x2c2: {  	v12 =	vand.u32 $0x7, v12;
	v13 =	vand.u32 $0xFFFFFFC0, v13  }
0x2c3: {  	v12 =	vor.u32 v12, v13  }
0x2c4: {  	v13 =	vperm.xlane v12, v9;
	_ =	sdelay $0x1  }
0x2c5: {  	v13 =	vadd.s32 v10, v13;
	_ =	sdelay $0x4  }
0x2c6: {  	[hbm4b:s2+s3] =	stream.indirect_vreg.scatter [tilespmem:s1], [sflag:$0x1], $0x80, v13, vm9, $0xb8;
	[tilespmem:$0xCA00] =	vst v63  }
0x2c7: {  	v12 =	vperm.xlane v12, v11  }
0x2c8: {  	[hbm4b:s6+s3] =	stream.indirect_vreg.scatter [tilespmem:s4], [sflag:$0x1], $0x80, v13, vm9, $0xb8;
	[tilespmem:$0xCA00] =	vst v63  }
0x2c9: {  	v12 =	vadd.s32 v10, v12  }
0x2ca: {  	[hbm4b:s7+s3] =	stream.indirect_vreg.scatter [tilespmem:s5], [sflag:$0x1], $0x80, v13, vm9, $0xb8;
	[tilespmem:$0xCA00] =	vst v63  }
0x2cb: {  	_ = 	snop  }
0x2cc: {  	[hbm4b:s8+s3] =	stream.indirect_vreg.scatter [tilespmem:s9], [sflag:$0x1], $0x80, v13, vm9, $0xb8;
	[tilespmem:$0xCA00] =	vst v63  }
0x2cd: {  	_ = 	snop  }
0x2ce: {  	[hbm4b:s2+s3] =	stream.indirect_vreg.scatter [tilespmem:s10], [sflag:$0x1], $0x80, v12, vm9, $0xb8;
	[tilespmem:$0xCA00] =	vst v63  }
0x2cf: {  	_ = 	snop  }
0x2d0: {  	[hbm4b:s6+s3] =	stream.indirect_vreg.scatter [tilespmem:s20], [sflag:$0x1], $0x80, v12, vm9, $0xb8;
	[tilespmem:$0xCA00] =	vst v63  }
0x2d1: {  	_ = 	snop  }
0x2d2: {  	[hbm4b:s7+s3] =	stream.indirect_vreg.scatter [tilespmem:s21], [sflag:$0x1], $0x80, v12, vm9, $0xb8;
	[tilespmem:$0xCA00] =	vst v63  }
0x2d3: {  	_ = 	snop  }
0x2d4: {  	[hbm4b:s8+s3] =	stream.indirect_vreg.scatter [tilespmem:s22], [sflag:$0x1], $0x80, v12, vm9, $0xb8;
	[tilespmem:$0xCA00] =	vst v63  }
.LBB2_33:
0x2d5: {  	s0 =	sadd.s32 s29, s18  }
0x2d6: {  	s11 =	sadd.s32 s14, s0  }
0x2d7: {  	p0 =	slt.s32 s11, $0x1  }
.Ltmp18:
0x2d8: {  	_ = 	snop;
	(pc) =	sbr.rel @p0 .LBB2_37-.Ltmp18, $2  }
0x2d9: {  	_ =	sdelay $0x2  }
0x2da: {  	s13 =	simm.s32 $0x0;
	s1 =	rddreg [dreg:$0x6]  }
0x2db: {  	s13 =	sadd.s32 $0x1, s13  }
0x2dc: {  	p0 =	slt.s32 s13, s11  }
.Ltmp19:
0x2dd: {  	_ = 	snop;
	(pc) =	sbr.rel @!p0 .LBB2_36-.Ltmp19, $3  }
0x2de: {  	_ =	sdelay $0x1  }
0x2df: {  	_ =	swait.ge [sflag:s12], $0x4000  }
0x2e0: {  	[sflag:s12] =	ssyncset.done $0x0  }
.LBB2_35:
0x2e1: {  	s13 =	sadd.s32 $0x1, s13  }
0x2e2: {  	[sflag:s12] =	ssyncadd.s32 $0xFFFFC000;
	p0 =	slt.s32 s13, s11  }
.Ltmp20:
0x2e3: {  	(pc) =	sbr.rel @p0 .LBB2_35-.Ltmp20, $3  }
0x2e4: {  	_ =	sdelay $0x1  }
0x2e5: {  	_ =	swait.ge [sflag:s12], $0x4000  }
0x2e6: {  	[sflag:s12] =	ssyncset.done $0x0  }
.Ltmp21:
0x2e7: {  	_ = 	snop;
	(pc) =	sbr.rel .LBB2_36-.Ltmp21, $1  }
0x2e8: {  	_ =	sdelay $0x3  }
.LBB2_11:
.Ltmp22:
0x2e9: {  	(pc) =	sbr.rel .LBB2_16-.Ltmp22, $2  }
0x2ea: {  	_ =	sdelay $0x2  }
0x2eb: {  	_ = 	snop  }
.LBB2_19:
.Ltmp23:
0x2ec: {  	(pc) =	sbr.rel .LBB2_24-.Ltmp23, $2  }
0x2ed: {  	_ =	sdelay $0x2  }
0x2ee: {  	_ = 	snop  }
.LBB2_27:
.Ltmp24:
0x2ef: {  	(pc) =	sbr.rel .LBB2_32-.Ltmp24, $2  }
0x2f0: {  	_ =	sdelay $0x2  }
0x2f1: {  	_ = 	snop  }
.LBB2_13:
.Ltmp25:
0x2f2: {  	(pc) =	sbr.rel .LBB2_16-.Ltmp25, $2  }
0x2f3: {  	_ =	sdelay $0x2  }
0x2f4: {  	s24 =	smov.u32 s20;
	s25 =	smov.u32 s18  }
.LBB2_21:
.Ltmp26:
0x2f5: {  	(pc) =	sbr.rel .LBB2_24-.Ltmp26, $2  }
0x2f6: {  	_ =	sdelay $0x2  }
0x2f7: {  	s21 =	smov.u32 s19;
	s22 =	smov.u32 s14  }
.LBB2_29:
.Ltmp27:
0x2f8: {  	(pc) =	sbr.rel .LBB2_32-.Ltmp27, $2  }
0x2f9: {  	_ =	sdelay $0x2  }
0x2fa: {  	s17 =	smov.u32 s15;
	s19 =	smov.u32 s11  }
.LBB2_38:
0x2fb: {  	_ =	sfence.sel $0x180000  }
0x2fc: {  	[bflag:$0x0] =	sbarrier.arrive $0xFFFF  }
0x2fd: {  	_ =	strace $0x90000047  }
0x2fe: {  	s0 =	stileid.u32;
	[bflag:$0x2] =	sbarrier.arrive $0xFFFF  }
0x2ff: {  	p0 =	sne.s32 s0, $0x0;
	s0 =	rddreg [dreg:$0x2]  }
0x300: {  	s0 =	sadd.s32 @!p0 $0x100000, s0  }
0x301: {  	[sflag:s0] =	ssyncadd.tile.s32 @!p0 $0x1;
	_ =	shalt  }
.Lfunc_end2:
_tile_overlayer_lowered:
.L_overlay_start_2:
0x302: {  	(tag) =	ssettag $0x2  }
0x303: {  	s0 =	rddreg [dreg:$0x0];
	s2 =	stileid.u32  }
0x304: {  	s1 =	rddreg [dreg:$0x1];
	p0 =	sne.s32 s2, $0x0  }
0x305: {  	s3 =	rddreg [dreg:$0x2];
	[bflag:$0x3] =	sbarrier.arrive $0xFFFF;
	s2 =	simm.s32 @!p0 $0x1C02  }
0x306: {  	[timem:s3], [sflag:s2] =	dma.local @!p0 [hbm:s0], s1  }
0x307: {  	s0 =	simm.s32 @!p0 $0x2  }
0x308: {  	_ =	swait.ge @!p0 [sflag:s0], s1  }
0x309: {  	s1 =	ssub.s32 @!p0 $0x0, s1;
	[sflag:s0] =	ssyncset.done @!p0 $0x0  }
0x30a: {  	[sflag:s0] =	ssyncadd.s32 @!p0 s1  }
0x30b: {  	[bflag:$0x3] =	sbarrier.arrive $0xFFFF  }
0x30c: {  	_ =	shalt  }

</sc_bundles>
